<compile_context>
chip_gen: v7x
topology: tpu7x:2x2x1
jax: 0.10.2.dev20260603
libtpu: 0.0.44.dev20260713+nightly
codegen_flags: <defaults>
</compile_context>

<pallas_src>
import functools

import jax
import jax.numpy as jnp
from jax import lax
from jax.experimental import pallas as pl
from jax.experimental.pallas import tpu as pltpu
from jax.experimental.pallas import tpu_sc as plsc

N = 10000
E = 320000
D_IN = 128
H = 64

G = 16
C = H // G
EH = E // 2
IC = 4000
NCH = EH // IC
UR = 12

_DN = (((0,), (1,)), ((), ()))
_DT = (((0,), (0,)), ((), ()))


def _sc_segment_sum(hwT, ei, zeros):
    mesh = plsc.VectorSubcoreMesh(core_axis_name="c", subcore_axis_name="s")

    @functools.partial(
        pl.kernel,
        mesh=mesh,
        out_type=jax.ShapeDtypeStruct((2, H, N), jnp.float32),
        scratch_types=[
            pltpu.VMEM((C, N), jnp.float32),
            pltpu.VMEM((C, N), jnp.float32),
            pltpu.VMEM((IC,), jnp.int32),
            pltpu.VMEM((IC,), jnp.int32),
            pltpu.VMEM((IC,), jnp.int32),
            pltpu.VMEM((IC,), jnp.int32),
            pltpu.SemaphoreType.DMA,
            pltpu.SemaphoreType.DMA,
        ],
        compiler_params=pltpu.CompilerParams(use_tc_tiling_on_sc=False,
                                             needs_layout_passes=False),
    )
    def k(hwT_hbm, ei_hbm, zeros_hbm, out_hbm,
          hwg_v, accg_v, s0, d0, s1, d1, sem0, sem1):
        c = lax.axis_index("c")
        s = lax.axis_index("s")
        ebase = c * EH
        pltpu.sync_copy(hwT_hbm.at[pl.ds(C * s, C)], hwg_v)
        pltpu.sync_copy(zeros_hbm, accg_v)

        def fire(ch, sbuf, dbuf, sem):
            off = ebase + ch * IC
            pltpu.async_copy(ei_hbm.at[0].at[pl.ds(off, IC)], sbuf, sem)
            pltpu.async_copy(ei_hbm.at[1].at[pl.ds(off, IC)], dbuf, sem)

        def drain(ch, sbuf, dbuf, sem):
            off = ebase + ch * IC
            pltpu.make_async_copy(ei_hbm.at[0].at[pl.ds(off, IC)], sbuf, sem).wait()
            pltpu.make_async_copy(ei_hbm.at[1].at[pl.ds(off, IC)], dbuf, sem).wait()

        cols = [jnp.full((16,), cc, jnp.int32) for cc in range(C)]

        def inner(sbuf, dbuf):
            def blk(b):
                off = b * 16
                sv = sbuf[pl.ds(off, 16)]
                dv = dbuf[pl.ds(off, 16)]
                for cc in range(C):
                    vals = plsc.load_gather(hwg_v, [cols[cc], sv])
                    plsc.addupdate_scatter(accg_v, [cols[cc], dv], vals)
            plsc.parallel_loop(0, IC // 16, 1, unroll=UR)(blk)

        fire(0, s0, d0, sem0)
        fire(1, s1, d1, sem1)

        def body(g2, carry):
            ch = g2 * 2
            drain(ch, s0, d0, sem0)
            inner(s0, d0)

            @pl.when(ch + 2 < NCH)
            def _():
                fire(ch + 2, s0, d0, sem0)

            drain(ch + 1, s1, d1, sem1)
            inner(s1, d1)

            @pl.when(ch + 3 < NCH)
            def _():
                fire(ch + 3, s1, d1, sem1)

            return carry

        lax.fori_loop(0, NCH // 2, body, 0)
        pltpu.sync_copy(accg_v, out_hbm.at[c].at[pl.ds(C * s, C)])

    return k(hwT, ei, zeros)


def _head_body(h_ref, W_ref, Wr_ref, br_ref, hwT_ref, resT_ref):
    h = h_ref[...]
    hwT_ref[...] = lax.dot_general(W_ref[...], h, _DN,
                                   preferred_element_type=jnp.float32)
    r = lax.dot_general(Wr_ref[...], h, _DN,
                        preferred_element_type=jnp.float32)
    resT_ref[...] = jnp.maximum(r + br_ref[...][:, None], 0.0)


def _head(h, W, Wr, br):
    return pl.pallas_call(
        _head_body,
        out_shape=(jax.ShapeDtypeStruct((H, N), jnp.float32),
                   jax.ShapeDtypeStruct((H, N), jnp.float32)),
    )(h, W, Wr, br)


def _bn(parts_ref, resT_ref, b_ref, g_ref, bt_ref):
    aggT = parts_ref[0] + parts_ref[1]
    newT = jnp.maximum(aggT + b_ref[...][:, None], 0.0) + resT_ref[...]
    mean = jnp.mean(newT, axis=1, keepdims=True)
    var = jnp.mean((newT - mean) ** 2, axis=1, keepdims=True)
    return ((newT - mean) * lax.rsqrt(var + 1e-5) * g_ref[...][:, None]
            + bt_ref[...][:, None])


def _mid_body(parts_ref, resT_ref, b_ref, g_ref, bt_ref,
              W2_ref, Wr2_ref, br2_ref, hw2T_ref, res2T_ref):
    h1T = _bn(parts_ref, resT_ref, b_ref, g_ref, bt_ref)
    hw2T_ref[...] = lax.dot_general(W2_ref[...], h1T, _DT,
                                    preferred_element_type=jnp.float32)
    r = lax.dot_general(Wr2_ref[...], h1T, _DT,
                        preferred_element_type=jnp.float32)
    res2T_ref[...] = jnp.maximum(r + br2_ref[...][:, None], 0.0)


def _mid(parts, resT, b, g, bt, W2, Wr2, br2):
    return pl.pallas_call(
        _mid_body,
        out_shape=(jax.ShapeDtypeStruct((H, N), jnp.float32),
                   jax.ShapeDtypeStruct((H, N), jnp.float32)),
    )(parts, resT, b, g, bt, W2, Wr2, br2)


def _tail_body(parts_ref, resT_ref, b_ref, g_ref, bt_ref, out_ref):
    out_ref[...] = _bn(parts_ref, resT_ref, b_ref, g_ref, bt_ref)


def _tail(parts, resT, b, g, bt):
    return pl.pallas_call(
        _tail_body,
        out_shape=jax.ShapeDtypeStruct((H, N), jnp.float32),
    )(parts, resT, b, g, bt)


def kernel(feats, edge_index, W1, b1, Wr1, br1, g1, bt1,
           W2, b2, Wr2, br2, g2, bt2):
    ei = edge_index.astype(jnp.int32)
    zeros = jnp.zeros((C, N), jnp.float32)

    hw1T, res1T = _head(feats, W1, Wr1, br1)
    parts1 = _sc_segment_sum(hw1T, ei, zeros)
    hw2T, res2T = _mid(parts1, res1T, b1, g1, bt1, W2, Wr2, br2)
    parts2 = _sc_segment_sum(hw2T, ei, zeros)
    return _tail(parts2, res2T, b2, g2, bt2).T

# --- scband reference (transcript-rebuilt; emitter-appended) ---
"""Pipeline reference for scband-gcn2-1348619731031 (READ-ONLY COPY).

The authoritative reference and input builder live on the scoring server;
editing this copy changes nothing except your own understanding.
"""

import jax, jax.numpy as jnp
import numpy as np

N = 10000
E = 320000
D_IN = 128
H1 = 64
H2 = 64


def setup_inputs(seed: int = 0) -> dict:
    key = jax.random.key(seed)
    ks = jax.random.split(key, 16)
    feats = jax.random.normal(ks[0], (N, D_IN), dtype=jnp.float32)
    edge_index = jax.random.randint(ks[1], (2, E), 0, N).astype(jnp.int64)
    # Layer 1 params: GraphConv weight/bias, residual linear, batchnorm affine
    W1 = jax.random.normal(ks[2], (D_IN, H1), dtype=jnp.float32) * 0.05
    b1 = jnp.zeros((H1,), dtype=jnp.float32)
    Wr1 = jax.random.normal(ks[3], (D_IN, H1), dtype=jnp.float32) * 0.05
    br1 = jnp.zeros((H1,), dtype=jnp.float32)
    g1 = jnp.ones((H1,), dtype=jnp.float32)
    bt1 = jnp.zeros((H1,), dtype=jnp.float32)
    # Layer 2 params
    W2 = jax.random.normal(ks[4], (H1, H2), dtype=jnp.float32) * 0.05
    b2 = jnp.zeros((H2,), dtype=jnp.float32)
    Wr2 = jax.random.normal(ks[5], (H1, H2), dtype=jnp.float32) * 0.05
    br2 = jnp.zeros((H2,), dtype=jnp.float32)
    g2 = jnp.ones((H2,), dtype=jnp.float32)
    bt2 = jnp.zeros((H2,), dtype=jnp.float32)
    return {"feats": feats, "edge_index": edge_index,
            "W1": W1, "b1": b1, "Wr1": Wr1, "br1": br1, "g1": g1, "bt1": bt1,
            "W2": W2, "b2": b2, "Wr2": Wr2, "br2": br2, "g2": g2, "bt2": bt2}


def _gcn_layer(h, src, dst, W, b, Wr, br, gamma, beta):
    # GraphConv(norm='none'): project, gather from src, scatter-add into dst, bias, relu activation
    hw = h @ W
    msg = jnp.take(hw, src, axis=0)
    agg = jax.ops.segment_sum(msg, dst, num_segments=N)
    new = jax.nn.relu(agg + b)
    # residual connection: activation(Linear(feats))
    res = jax.nn.relu(h @ Wr + br)
    new = new + res
    # dropout p=0.0 is identity
    # BatchNorm1d (training-mode batch statistics)
    mean = jnp.mean(new, axis=0, keepdims=True)
    var = jnp.var(new, axis=0, keepdims=True)
    new = (new - mean) / jnp.sqrt(var + 1e-5) * gamma + beta
    return new


def reference(feats, edge_index, W1, b1, Wr1, br1, g1, bt1, W2, b2, Wr2, br2, g2, bt2):
    src = edge_index[0]
    dst = edge_index[1]
    h = _gcn_layer(feats, src, dst, W1, b1, Wr1, br1, g1, bt1)
    h = _gcn_layer(h, src, dst, W2, b2, Wr2, br2, g2, bt2)
    return h

if __name__ == "__main__":
    import jax
    _d = setup_inputs()
    print(jax.jit(kernel)(*tuple(_d.values())))

</pallas_src>

<mosaic_0001>
#map = affine_map<(d0, d1) -> (0, 0)>
#map1 = affine_map<(d0, d1) -> (0, 0, 0)>
module attributes {stable_mosaic.version = 14 : i64} {
  func.func @k(%arg0: i32, %arg1: i32, %arg2: memref<64x10000xf32, #tpu.memory_space<hbm>>, %arg3: memref<2x320000xi32, #tpu.memory_space<hbm>>, %arg4: memref<4x10000xf32, #tpu.memory_space<hbm>>, %arg5: memref<2x64x10000xf32, #tpu.memory_space<hbm>>, %arg6: memref<4x10000xf32, #tpu.memory_space<vmem>>, %arg7: memref<4x10000xf32, #tpu.memory_space<vmem>>, %arg8: memref<4000xi32, #tpu.memory_space<vmem>>, %arg9: memref<4000xi32, #tpu.memory_space<vmem>>, %arg10: memref<4000xi32, #tpu.memory_space<vmem>>, %arg11: memref<4000xi32, #tpu.memory_space<vmem>>, %arg12: memref<!tpu.dma_semaphore, #tpu.memory_space<semaphore_mem>>, %arg13: memref<!tpu.dma_semaphore, #tpu.memory_space<semaphore_mem>>) attributes {dimension_semantics = [#tpu.dimension_semantics<core_parallel>, #tpu.dimension_semantics<subcore_parallel>], iteration_bounds = array<i64: 2, 16>, scalar_prefetch = 0 : i64, scratch_operands = 8 : i64, tpu.core_type = #tpu.core_type<sc_vector_subcore>, window_params = [{transform_indices = #map}, {transform_indices = #map}, {transform_indices = #map}, {transform_indices = #map1}]} {
    %mul3A = arith.constant 160000 : i32
    %mul3A_0 = arith.muli %arg0, %mul3A : i32
    %mul3A_1 = arith.constant 4 : i32
    %mul3A_2 = arith.muli %mul3A_1, %arg1 : i32
    "tpu.region"() ({
      %run_scoped3A = tpu.sem_alloc : memref<!tpu.dma_semaphore, #tpu.memory_space<semaphore_mem>>
      %dma_start3A_55 = arith.constant 0 : i32
      %dma_start3A_56 = tpu.memref_slice %arg2[%mul3A_2, %dma_start3A_55] : memref<64x10000xf32, #tpu.memory_space<hbm>> -> memref<4x10000xf32, #tpu.memory_space<hbm>>
      %dma_start3A_57 = arith.constant 0 : i32
      %dma_start3A_58 = tpu.memref_slice %arg2[%mul3A_2, %dma_start3A_57] : memref<64x10000xf32, #tpu.memory_space<hbm>> -> memref<4x10000xf32, #tpu.memory_space<hbm>>
      tpu.enqueue_dma source(%dma_start3A_58 : memref<4x10000xf32, #tpu.memory_space<hbm>>) target(%arg6 : memref<4x10000xf32, #tpu.memory_space<vmem>>) target_semaphore(%run_scoped3A : memref<!tpu.dma_semaphore, #tpu.memory_space<semaphore_mem>>)
      %dma_wait3A = arith.constant 0 : i32
      %dma_wait3A_59 = tpu.memref_slice %arg2[%mul3A_2, %dma_wait3A] : memref<64x10000xf32, #tpu.memory_space<hbm>> -> memref<4x10000xf32, #tpu.memory_space<hbm>>
      %dma_wait3A_60 = arith.constant 0 : i32
      %dma_wait3A_61 = tpu.memref_slice %arg2[%mul3A_2, %dma_wait3A_60] : memref<64x10000xf32, #tpu.memory_space<hbm>> -> memref<4x10000xf32, #tpu.memory_space<hbm>>
      tpu.wait_dma2 semaphore(%run_scoped3A : memref<!tpu.dma_semaphore, #tpu.memory_space<semaphore_mem>>) src(%dma_wait3A_61 : memref<4x10000xf32, #tpu.memory_space<hbm>>) dst(%arg6 : memref<4x10000xf32, #tpu.memory_space<vmem>>)
      tpu.yield
    }) : () -> ()
    "tpu.region"() ({
      %run_scoped3A = tpu.sem_alloc : memref<!tpu.dma_semaphore, #tpu.memory_space<semaphore_mem>>
      tpu.enqueue_dma source(%arg4 : memref<4x10000xf32, #tpu.memory_space<hbm>>) target(%arg7 : memref<4x10000xf32, #tpu.memory_space<vmem>>) target_semaphore(%run_scoped3A : memref<!tpu.dma_semaphore, #tpu.memory_space<semaphore_mem>>)
      tpu.wait_dma2 semaphore(%run_scoped3A : memref<!tpu.dma_semaphore, #tpu.memory_space<semaphore_mem>>) src(%arg4 : memref<4x10000xf32, #tpu.memory_space<hbm>>) dst(%arg7 : memref<4x10000xf32, #tpu.memory_space<vmem>>)
      tpu.yield
    }) : () -> ()
    %broadcast_in_dim3A = arith.constant 0 : i32
    %broadcast_in_dim3A_3 = vector.broadcast %broadcast_in_dim3A : i32 to vector<16xi32>
    %broadcast_in_dim3A_4 = arith.constant 1 : i32
    %broadcast_in_dim3A_5 = vector.broadcast %broadcast_in_dim3A_4 : i32 to vector<16xi32>
    %broadcast_in_dim3A_6 = arith.constant 2 : i32
    %broadcast_in_dim3A_7 = vector.broadcast %broadcast_in_dim3A_6 : i32 to vector<16xi32>
    %broadcast_in_dim3A_8 = arith.constant 3 : i32
    %broadcast_in_dim3A_9 = vector.broadcast %broadcast_in_dim3A_8 : i32 to vector<16xi32>
    %add3A = arith.constant 0 : i32
    %add3A_10 = arith.addi %mul3A_0, %add3A : i32
    %dma_start3A = arith.constant 0 : i32
    %dma_start3A_11 = arith.constant 0 : i32
    %dma_start3A_12 = tpu.memref_slice %arg3[%dma_start3A, %dma_start3A_11] : memref<2x320000xi32, #tpu.memory_space<hbm>> -> memref<1x320000xi32, #tpu.memory_space<hbm>>
    %dma_start3A_13 = tpu.memref_squeeze %dma_start3A_12 : memref<1x320000xi32, #tpu.memory_space<hbm>> -> memref<320000xi32, #tpu.memory_space<hbm>>
    %dma_start3A_14 = tpu.memref_slice %dma_start3A_13[%add3A_10] : memref<320000xi32, #tpu.memory_space<hbm>> -> memref<4000xi32, #tpu.memory_space<hbm>>
    %dma_start3A_15 = arith.constant 0 : i32
    %dma_start3A_16 = tpu.memref_slice %arg3[%dma_start3A, %dma_start3A_15] : memref<2x320000xi32, #tpu.memory_space<hbm>> -> memref<1x320000xi32, #tpu.memory_space<hbm>>
    %dma_start3A_17 = tpu.memref_squeeze %dma_start3A_16 : memref<1x320000xi32, #tpu.memory_space<hbm>> -> memref<320000xi32, #tpu.memory_space<hbm>>
    %dma_start3A_18 = tpu.memref_slice %dma_start3A_17[%add3A_10] : memref<320000xi32, #tpu.memory_space<hbm>> -> memref<4000xi32, #tpu.memory_space<hbm>>
    tpu.enqueue_dma source(%dma_start3A_18 : memref<4000xi32, #tpu.memory_space<hbm>>) target(%arg8 : memref<4000xi32, #tpu.memory_space<vmem>>) target_semaphore(%arg12 : memref<!tpu.dma_semaphore, #tpu.memory_space<semaphore_mem>>)
    %dma_start3A_19 = arith.constant 1 : i32
    %dma_start3A_20 = arith.constant 0 : i32
    %dma_start3A_21 = tpu.memref_slice %arg3[%dma_start3A_19, %dma_start3A_20] : memref<2x320000xi32, #tpu.memory_space<hbm>> -> memref<1x320000xi32, #tpu.memory_space<hbm>>
    %dma_start3A_22 = tpu.memref_squeeze %dma_start3A_21 : memref<1x320000xi32, #tpu.memory_space<hbm>> -> memref<320000xi32, #tpu.memory_space<hbm>>
    %dma_start3A_23 = tpu.memref_slice %dma_start3A_22[%add3A_10] : memref<320000xi32, #tpu.memory_space<hbm>> -> memref<4000xi32, #tpu.memory_space<hbm>>
    %dma_start3A_24 = arith.constant 0 : i32
    %dma_start3A_25 = tpu.memref_slice %arg3[%dma_start3A_19, %dma_start3A_24] : memref<2x320000xi32, #tpu.memory_space<hbm>> -> memref<1x320000xi32, #tpu.memory_space<hbm>>
    %dma_start3A_26 = tpu.memref_squeeze %dma_start3A_25 : memref<1x320000xi32, #tpu.memory_space<hbm>> -> memref<320000xi32, #tpu.memory_space<hbm>>
    %dma_start3A_27 = tpu.memref_slice %dma_start3A_26[%add3A_10] : memref<320000xi32, #tpu.memory_space<hbm>> -> memref<4000xi32, #tpu.memory_space<hbm>>
    tpu.enqueue_dma source(%dma_start3A_27 : memref<4000xi32, #tpu.memory_space<hbm>>) target(%arg9 : memref<4000xi32, #tpu.memory_space<vmem>>) target_semaphore(%arg12 : memref<!tpu.dma_semaphore, #tpu.memory_space<semaphore_mem>>)
    %add3A_28 = arith.constant 4000 : i32
    %add3A_29 = arith.addi %mul3A_0, %add3A_28 : i32
    %dma_start3A_30 = arith.constant 0 : i32
    %dma_start3A_31 = arith.constant 0 : i32
    %dma_start3A_32 = tpu.memref_slice %arg3[%dma_start3A_30, %dma_start3A_31] : memref<2x320000xi32, #tpu.memory_space<hbm>> -> memref<1x320000xi32, #tpu.memory_space<hbm>>
    %dma_start3A_33 = tpu.memref_squeeze %dma_start3A_32 : memref<1x320000xi32, #tpu.memory_space<hbm>> -> memref<320000xi32, #tpu.memory_space<hbm>>
    %dma_start3A_34 = tpu.memref_slice %dma_start3A_33[%add3A_29] : memref<320000xi32, #tpu.memory_space<hbm>> -> memref<4000xi32, #tpu.memory_space<hbm>>
    %dma_start3A_35 = arith.constant 0 : i32
    %dma_start3A_36 = tpu.memref_slice %arg3[%dma_start3A_30, %dma_start3A_35] : memref<2x320000xi32, #tpu.memory_space<hbm>> -> memref<1x320000xi32, #tpu.memory_space<hbm>>
    %dma_start3A_37 = tpu.memref_squeeze %dma_start3A_36 : memref<1x320000xi32, #tpu.memory_space<hbm>> -> memref<320000xi32, #tpu.memory_space<hbm>>
    %dma_start3A_38 = tpu.memref_slice %dma_start3A_37[%add3A_29] : memref<320000xi32, #tpu.memory_space<hbm>> -> memref<4000xi32, #tpu.memory_space<hbm>>
    tpu.enqueue_dma source(%dma_start3A_38 : memref<4000xi32, #tpu.memory_space<hbm>>) target(%arg10 : memref<4000xi32, #tpu.memory_space<vmem>>) target_semaphore(%arg13 : memref<!tpu.dma_semaphore, #tpu.memory_space<semaphore_mem>>)
    %dma_start3A_39 = arith.constant 1 : i32
    %dma_start3A_40 = arith.constant 0 : i32
    %dma_start3A_41 = tpu.memref_slice %arg3[%dma_start3A_39, %dma_start3A_40] : memref<2x320000xi32, #tpu.memory_space<hbm>> -> memref<1x320000xi32, #tpu.memory_space<hbm>>
    %dma_start3A_42 = tpu.memref_squeeze %dma_start3A_41 : memref<1x320000xi32, #tpu.memory_space<hbm>> -> memref<320000xi32, #tpu.memory_space<hbm>>
    %dma_start3A_43 = tpu.memref_slice %dma_start3A_42[%add3A_29] : memref<320000xi32, #tpu.memory_space<hbm>> -> memref<4000xi32, #tpu.memory_space<hbm>>
    %dma_start3A_44 = arith.constant 0 : i32
    %dma_start3A_45 = tpu.memref_slice %arg3[%dma_start3A_39, %dma_start3A_44] : memref<2x320000xi32, #tpu.memory_space<hbm>> -> memref<1x320000xi32, #tpu.memory_space<hbm>>
    %dma_start3A_46 = tpu.memref_squeeze %dma_start3A_45 : memref<1x320000xi32, #tpu.memory_space<hbm>> -> memref<320000xi32, #tpu.memory_space<hbm>>
    %dma_start3A_47 = tpu.memref_slice %dma_start3A_46[%add3A_29] : memref<320000xi32, #tpu.memory_space<hbm>> -> memref<4000xi32, #tpu.memory_space<hbm>>
    tpu.enqueue_dma source(%dma_start3A_47 : memref<4000xi32, #tpu.memory_space<hbm>>) target(%arg11 : memref<4000xi32, #tpu.memory_space<vmem>>) target_semaphore(%arg13 : memref<!tpu.dma_semaphore, #tpu.memory_space<semaphore_mem>>)
    %scan3A = arith.constant 0 : i32
    %scan3A_48 = arith.constant 0 : i32
    %scan3A_49 = arith.constant 20 : i32
    %scan3A_50 = arith.addi %scan3A_48, %scan3A_49 : i32
    %scan3A_51 = arith.constant 1 : i32
    scf.for %scan3A_55 = %scan3A_48 to %scan3A_50 step %scan3A_51  : i32 {
      %mul3A_56 = arith.constant 2 : i32
      %mul3A_57 = arith.muli %scan3A_55, %mul3A_56 : i32
      %mul3A_58 = arith.constant 4000 : i32
      %mul3A_59 = arith.muli %mul3A_57, %mul3A_58 : i32
      %add3A_60 = arith.addi %mul3A_0, %mul3A_59 : i32
      %dma_wait3A = arith.constant 0 : i32
      %dma_wait3A_61 = arith.constant 0 : i32
      %dma_wait3A_62 = tpu.memref_slice %arg3[%dma_wait3A, %dma_wait3A_61] : memref<2x320000xi32, #tpu.memory_space<hbm>> -> memref<1x320000xi32, #tpu.memory_space<hbm>>
      %dma_wait3A_63 = tpu.memref_squeeze %dma_wait3A_62 : memref<1x320000xi32, #tpu.memory_space<hbm>> -> memref<320000xi32, #tpu.memory_space<hbm>>
      %dma_wait3A_64 = tpu.memref_slice %dma_wait3A_63[%add3A_60] : memref<320000xi32, #tpu.memory_space<hbm>> -> memref<4000xi32, #tpu.memory_space<hbm>>
      %dma_wait3A_65 = arith.constant 0 : i32
      %dma_wait3A_66 = tpu.memref_slice %arg3[%dma_wait3A, %dma_wait3A_65] : memref<2x320000xi32, #tpu.memory_space<hbm>> -> memref<1x320000xi32, #tpu.memory_space<hbm>>
      %dma_wait3A_67 = tpu.memref_squeeze %dma_wait3A_66 : memref<1x320000xi32, #tpu.memory_space<hbm>> -> memref<320000xi32, #tpu.memory_space<hbm>>
      %dma_wait3A_68 = tpu.memref_slice %dma_wait3A_67[%add3A_60] : memref<320000xi32, #tpu.memory_space<hbm>> -> memref<4000xi32, #tpu.memory_space<hbm>>
      tpu.wait_dma2 semaphore(%arg12 : memref<!tpu.dma_semaphore, #tpu.memory_space<semaphore_mem>>) src(%dma_wait3A_68 : memref<4000xi32, #tpu.memory_space<hbm>>) dst(%arg8 : memref<4000xi32, #tpu.memory_space<vmem>>)
      %dma_wait3A_69 = arith.constant 1 : i32
      %dma_wait3A_70 = arith.constant 0 : i32
      %dma_wait3A_71 = tpu.memref_slice %arg3[%dma_wait3A_69, %dma_wait3A_70] : memref<2x320000xi32, #tpu.memory_space<hbm>> -> memref<1x320000xi32, #tpu.memory_space<hbm>>
      %dma_wait3A_72 = tpu.memref_squeeze %dma_wait3A_71 : memref<1x320000xi32, #tpu.memory_space<hbm>> -> memref<320000xi32, #tpu.memory_space<hbm>>
      %dma_wait3A_73 = tpu.memref_slice %dma_wait3A_72[%add3A_60] : memref<320000xi32, #tpu.memory_space<hbm>> -> memref<4000xi32, #tpu.memory_space<hbm>>
      %dma_wait3A_74 = arith.constant 0 : i32
      %dma_wait3A_75 = tpu.memref_slice %arg3[%dma_wait3A_69, %dma_wait3A_74] : memref<2x320000xi32, #tpu.memory_space<hbm>> -> memref<1x320000xi32, #tpu.memory_space<hbm>>
      %dma_wait3A_76 = tpu.memref_squeeze %dma_wait3A_75 : memref<1x320000xi32, #tpu.memory_space<hbm>> -> memref<320000xi32, #tpu.memory_space<hbm>>
      %dma_wait3A_77 = tpu.memref_slice %dma_wait3A_76[%add3A_60] : memref<320000xi32, #tpu.memory_space<hbm>> -> memref<4000xi32, #tpu.memory_space<hbm>>
      tpu.wait_dma2 semaphore(%arg12 : memref<!tpu.dma_semaphore, #tpu.memory_space<semaphore_mem>>) src(%dma_wait3A_77 : memref<4000xi32, #tpu.memory_space<hbm>>) dst(%arg9 : memref<4000xi32, #tpu.memory_space<vmem>>)
      %parallel_loop3A = arith.constant 0 : i32
      %parallel_loop3A_78 = arith.constant 250 : i32
      %parallel_loop3A_79 = arith.constant 1 : i32
      scf.for %parallel_loop3A_117 = %parallel_loop3A to %parallel_loop3A_78 step %parallel_loop3A_79  : i32 {
        %parallel_loop3A_118 = arith.constant 16 : i32
        %parallel_loop3A_119 = arith.muli %parallel_loop3A_117, %parallel_loop3A_118 : i32
        %parallel_loop3A_120 = arith.index_cast %parallel_loop3A_119 : i32 to index
        %parallel_loop3A_121 = tpu.vector_load %arg8[%parallel_loop3A_120] {strides = array<i32>} : memref<4000xi32, #tpu.memory_space<vmem>>, vector<16xi32>,
        %parallel_loop3A_122 = arith.index_cast %parallel_loop3A_119 : i32 to index
        %parallel_loop3A_123 = tpu.vector_load %arg9[%parallel_loop3A_122] {strides = array<i32>} : memref<4000xi32, #tpu.memory_space<vmem>>, vector<16xi32>,
        %parallel_loop3A_124 = tpu.vector_load_idx %arg6[%broadcast_in_dim3A_3, %parallel_loop3A_121] : memref<4x10000xf32, #tpu.memory_space<vmem>>[vector<16xi32>, vector<16xi32>], vector<16xf32>,
        tpu.vector_store_idx %arg7[%broadcast_in_dim3A_3, %parallel_loop3A_123], %parallel_loop3A_124 {add = true} : memref<4x10000xf32, #tpu.memory_space<vmem>>[vector<16xi32>, vector<16xi32>], vector<16xf32>,
        %parallel_loop3A_125 = tpu.vector_load_idx %arg6[%broadcast_in_dim3A_5, %parallel_loop3A_121] : memref<4x10000xf32, #tpu.memory_space<vmem>>[vector<16xi32>, vector<16xi32>], vector<16xf32>,
        tpu.vector_store_idx %arg7[%broadcast_in_dim3A_5, %parallel_loop3A_123], %parallel_loop3A_125 {add = true} : memref<4x10000xf32, #tpu.memory_space<vmem>>[vector<16xi32>, vector<16xi32>], vector<16xf32>,
        %parallel_loop3A_126 = tpu.vector_load_idx %arg6[%broadcast_in_dim3A_7, %parallel_loop3A_121] : memref<4x10000xf32, #tpu.memory_space<vmem>>[vector<16xi32>, vector<16xi32>], vector<16xf32>,
        tpu.vector_store_idx %arg7[%broadcast_in_dim3A_7, %parallel_loop3A_123], %parallel_loop3A_126 {add = true} : memref<4x10000xf32, #tpu.memory_space<vmem>>[vector<16xi32>, vector<16xi32>], vector<16xf32>,
        %parallel_loop3A_127 = tpu.vector_load_idx %arg6[%broadcast_in_dim3A_9, %parallel_loop3A_121] : memref<4x10000xf32, #tpu.memory_space<vmem>>[vector<16xi32>, vector<16xi32>], vector<16xf32>,
        tpu.vector_store_idx %arg7[%broadcast_in_dim3A_9, %parallel_loop3A_123], %parallel_loop3A_127 {add = true} : memref<4x10000xf32, #tpu.memory_space<vmem>>[vector<16xi32>, vector<16xi32>], vector<16xf32>,
      } {sc.loop_unroll_factor = 12 : i64, sc.parallel_access}
      %add3A_80 = arith.constant 2 : i32
      %add3A_81 = arith.addi %mul3A_57, %add3A_80 : i32
      %lt3A = arith.constant 40 : i32
      %lt3A_82 = arith.cmpi slt, %add3A_81, %lt3A : i32
      %convert_element_type3A = arith.extui %lt3A_82 : i1 to i32
      %cond3A = arith.constant 0 : i32
      %cond3A_83 = arith.cmpi ne, %convert_element_type3A, %cond3A : i32
      scf.if %cond3A_83 {
        %add3A_117 = arith.constant 2 : i32
        %add3A_118 = arith.addi %mul3A_57, %add3A_117 : i32
        %mul3A_119 = arith.constant 4000 : i32
        %mul3A_120 = arith.muli %add3A_118, %mul3A_119 : i32
        %add3A_121 = arith.addi %mul3A_0, %mul3A_120 : i32
        %dma_start3A_122 = arith.constant 0 : i32
        %dma_start3A_123 = arith.constant 0 : i32
        %dma_start3A_124 = tpu.memref_slice %arg3[%dma_start3A_122, %dma_start3A_123] : memref<2x320000xi32, #tpu.memory_space<hbm>> -> memref<1x320000xi32, #tpu.memory_space<hbm>>
        %dma_start3A_125 = tpu.memref_squeeze %dma_start3A_124 : memref<1x320000xi32, #tpu.memory_space<hbm>> -> memref<320000xi32, #tpu.memory_space<hbm>>
        %dma_start3A_126 = tpu.memref_slice %dma_start3A_125[%add3A_121] : memref<320000xi32, #tpu.memory_space<hbm>> -> memref<4000xi32, #tpu.memory_space<hbm>>
        %dma_start3A_127 = arith.constant 0 : i32
        %dma_start3A_128 = tpu.memref_slice %arg3[%dma_start3A_122, %dma_start3A_127] : memref<2x320000xi32, #tpu.memory_space<hbm>> -> memref<1x320000xi32, #tpu.memory_space<hbm>>
        %dma_start3A_129 = tpu.memref_squeeze %dma_start3A_128 : memref<1x320000xi32, #tpu.memory_space<hbm>> -> memref<320000xi32, #tpu.memory_space<hbm>>
        %dma_start3A_130 = tpu.memref_slice %dma_start3A_129[%add3A_121] : memref<320000xi32, #tpu.memory_space<hbm>> -> memref<4000xi32, #tpu.memory_space<hbm>>
        tpu.enqueue_dma source(%dma_start3A_130 : memref<4000xi32, #tpu.memory_space<hbm>>) target(%arg8 : memref<4000xi32, #tpu.memory_space<vmem>>) target_semaphore(%arg12 : memref<!tpu.dma_semaphore, #tpu.memory_space<semaphore_mem>>)
        %dma_start3A_131 = arith.constant 1 : i32
        %dma_start3A_132 = arith.constant 0 : i32
        %dma_start3A_133 = tpu.memref_slice %arg3[%dma_start3A_131, %dma_start3A_132] : memref<2x320000xi32, #tpu.memory_space<hbm>> -> memref<1x320000xi32, #tpu.memory_space<hbm>>
        %dma_start3A_134 = tpu.memref_squeeze %dma_start3A_133 : memref<1x320000xi32, #tpu.memory_space<hbm>> -> memref<320000xi32, #tpu.memory_space<hbm>>
        %dma_start3A_135 = tpu.memref_slice %dma_start3A_134[%add3A_121] : memref<320000xi32, #tpu.memory_space<hbm>> -> memref<4000xi32, #tpu.memory_space<hbm>>
        %dma_start3A_136 = arith.constant 0 : i32
        %dma_start3A_137 = tpu.memref_slice %arg3[%dma_start3A_131, %dma_start3A_136] : memref<2x320000xi32, #tpu.memory_space<hbm>> -> memref<1x320000xi32, #tpu.memory_space<hbm>>
        %dma_start3A_138 = tpu.memref_squeeze %dma_start3A_137 : memref<1x320000xi32, #tpu.memory_space<hbm>> -> memref<320000xi32, #tpu.memory_space<hbm>>
        %dma_start3A_139 = tpu.memref_slice %dma_start3A_138[%add3A_121] : memref<320000xi32, #tpu.memory_space<hbm>> -> memref<4000xi32, #tpu.memory_space<hbm>>
        tpu.enqueue_dma source(%dma_start3A_139 : memref<4000xi32, #tpu.memory_space<hbm>>) target(%arg9 : memref<4000xi32, #tpu.memory_space<vmem>>) target_semaphore(%arg12 : memref<!tpu.dma_semaphore, #tpu.memory_space<semaphore_mem>>)
      } else {
      }
      %add3A_84 = arith.constant 1 : i32
      %add3A_85 = arith.addi %mul3A_57, %add3A_84 : i32
      %mul3A_86 = arith.constant 4000 : i32
      %mul3A_87 = arith.muli %add3A_85, %mul3A_86 : i32
      %add3A_88 = arith.addi %mul3A_0, %mul3A_87 : i32
      %dma_wait3A_89 = arith.constant 0 : i32
      %dma_wait3A_90 = arith.constant 0 : i32
      %dma_wait3A_91 = tpu.memref_slice %arg3[%dma_wait3A_89, %dma_wait3A_90] : memref<2x320000xi32, #tpu.memory_space<hbm>> -> memref<1x320000xi32, #tpu.memory_space<hbm>>
      %dma_wait3A_92 = tpu.memref_squeeze %dma_wait3A_91 : memref<1x320000xi32, #tpu.memory_space<hbm>> -> memref<320000xi32, #tpu.memory_space<hbm>>
      %dma_wait3A_93 = tpu.memref_slice %dma_wait3A_92[%add3A_88] : memref<320000xi32, #tpu.memory_space<hbm>> -> memref<4000xi32, #tpu.memory_space<hbm>>
      %dma_wait3A_94 = arith.constant 0 : i32
      %dma_wait3A_95 = tpu.memref_slice %arg3[%dma_wait3A_89, %dma_wait3A_94] : memref<2x320000xi32, #tpu.memory_space<hbm>> -> memref<1x320000xi32, #tpu.memory_space<hbm>>
      %dma_wait3A_96 = tpu.memref_squeeze %dma_wait3A_95 : memref<1x320000xi32, #tpu.memory_space<hbm>> -> memref<320000xi32, #tpu.memory_space<hbm>>
      %dma_wait3A_97 = tpu.memref_slice %dma_wait3A_96[%add3A_88] : memref<320000xi32, #tpu.memory_space<hbm>> -> memref<4000xi32, #tpu.memory_space<hbm>>
      tpu.wait_dma2 semaphore(%arg13 : memref<!tpu.dma_semaphore, #tpu.memory_space<semaphore_mem>>) src(%dma_wait3A_97 : memref<4000xi32, #tpu.memory_space<hbm>>) dst(%arg10 : memref<4000xi32, #tpu.memory_space<vmem>>)
      %dma_wait3A_98 = arith.constant 1 : i32
      %dma_wait3A_99 = arith.constant 0 : i32
      %dma_wait3A_100 = tpu.memref_slice %arg3[%dma_wait3A_98, %dma_wait3A_99] : memref<2x320000xi32, #tpu.memory_space<hbm>> -> memref<1x320000xi32, #tpu.memory_space<hbm>>
      %dma_wait3A_101 = tpu.memref_squeeze %dma_wait3A_100 : memref<1x320000xi32, #tpu.memory_space<hbm>> -> memref<320000xi32, #tpu.memory_space<hbm>>
      %dma_wait3A_102 = tpu.memref_slice %dma_wait3A_101[%add3A_88] : memref<320000xi32, #tpu.memory_space<hbm>> -> memref<4000xi32, #tpu.memory_space<hbm>>
      %dma_wait3A_103 = arith.constant 0 : i32
      %dma_wait3A_104 = tpu.memref_slice %arg3[%dma_wait3A_98, %dma_wait3A_103] : memref<2x320000xi32, #tpu.memory_space<hbm>> -> memref<1x320000xi32, #tpu.memory_space<hbm>>
      %dma_wait3A_105 = tpu.memref_squeeze %dma_wait3A_104 : memref<1x320000xi32, #tpu.memory_space<hbm>> -> memref<320000xi32, #tpu.memory_space<hbm>>
      %dma_wait3A_106 = tpu.memref_slice %dma_wait3A_105[%add3A_88] : memref<320000xi32, #tpu.memory_space<hbm>> -> memref<4000xi32, #tpu.memory_space<hbm>>
      tpu.wait_dma2 semaphore(%arg13 : memref<!tpu.dma_semaphore, #tpu.memory_space<semaphore_mem>>) src(%dma_wait3A_106 : memref<4000xi32, #tpu.memory_space<hbm>>) dst(%arg11 : memref<4000xi32, #tpu.memory_space<vmem>>)
      %parallel_loop3A_107 = arith.constant 0 : i32
      %parallel_loop3A_108 = arith.constant 250 : i32
      %parallel_loop3A_109 = arith.constant 1 : i32
      scf.for %parallel_loop3A_117 = %parallel_loop3A_107 to %parallel_loop3A_108 step %parallel_loop3A_109  : i32 {
        %parallel_loop3A_118 = arith.constant 16 : i32
        %parallel_loop3A_119 = arith.muli %parallel_loop3A_117, %parallel_loop3A_118 : i32
        %parallel_loop3A_120 = arith.index_cast %parallel_loop3A_119 : i32 to index
        %parallel_loop3A_121 = tpu.vector_load %arg10[%parallel_loop3A_120] {strides = array<i32>} : memref<4000xi32, #tpu.memory_space<vmem>>, vector<16xi32>,
        %parallel_loop3A_122 = arith.index_cast %parallel_loop3A_119 : i32 to index
        %parallel_loop3A_123 = tpu.vector_load %arg11[%parallel_loop3A_122] {strides = array<i32>} : memref<4000xi32, #tpu.memory_space<vmem>>, vector<16xi32>,
        %parallel_loop3A_124 = tpu.vector_load_idx %arg6[%broadcast_in_dim3A_3, %parallel_loop3A_121] : memref<4x10000xf32, #tpu.memory_space<vmem>>[vector<16xi32>, vector<16xi32>], vector<16xf32>,
        tpu.vector_store_idx %arg7[%broadcast_in_dim3A_3, %parallel_loop3A_123], %parallel_loop3A_124 {add = true} : memref<4x10000xf32, #tpu.memory_space<vmem>>[vector<16xi32>, vector<16xi32>], vector<16xf32>,
        %parallel_loop3A_125 = tpu.vector_load_idx %arg6[%broadcast_in_dim3A_5, %parallel_loop3A_121] : memref<4x10000xf32, #tpu.memory_space<vmem>>[vector<16xi32>, vector<16xi32>], vector<16xf32>,
        tpu.vector_store_idx %arg7[%broadcast_in_dim3A_5, %parallel_loop3A_123], %parallel_loop3A_125 {add = true} : memref<4x10000xf32, #tpu.memory_space<vmem>>[vector<16xi32>, vector<16xi32>], vector<16xf32>,
        %parallel_loop3A_126 = tpu.vector_load_idx %arg6[%broadcast_in_dim3A_7, %parallel_loop3A_121] : memref<4x10000xf32, #tpu.memory_space<vmem>>[vector<16xi32>, vector<16xi32>], vector<16xf32>,
        tpu.vector_store_idx %arg7[%broadcast_in_dim3A_7, %parallel_loop3A_123], %parallel_loop3A_126 {add = true} : memref<4x10000xf32, #tpu.memory_space<vmem>>[vector<16xi32>, vector<16xi32>], vector<16xf32>,
        %parallel_loop3A_127 = tpu.vector_load_idx %arg6[%broadcast_in_dim3A_9, %parallel_loop3A_121] : memref<4x10000xf32, #tpu.memory_space<vmem>>[vector<16xi32>, vector<16xi32>], vector<16xf32>,
        tpu.vector_store_idx %arg7[%broadcast_in_dim3A_9, %parallel_loop3A_123], %parallel_loop3A_127 {add = true} : memref<4x10000xf32, #tpu.memory_space<vmem>>[vector<16xi32>, vector<16xi32>], vector<16xf32>,
      } {sc.loop_unroll_factor = 12 : i64, sc.parallel_access}
      %add3A_110 = arith.constant 3 : i32
      %add3A_111 = arith.addi %mul3A_57, %add3A_110 : i32
      %lt3A_112 = arith.constant 40 : i32
      %lt3A_113 = arith.cmpi slt, %add3A_111, %lt3A_112 : i32
      %convert_element_type3A_114 = arith.extui %lt3A_113 : i1 to i32
      %cond3A_115 = arith.constant 0 : i32
      %cond3A_116 = arith.cmpi ne, %convert_element_type3A_114, %cond3A_115 : i32
      scf.if %cond3A_116 {
        %add3A_117 = arith.constant 3 : i32
        %add3A_118 = arith.addi %mul3A_57, %add3A_117 : i32
        %mul3A_119 = arith.constant 4000 : i32
        %mul3A_120 = arith.muli %add3A_118, %mul3A_119 : i32
        %add3A_121 = arith.addi %mul3A_0, %mul3A_120 : i32
        %dma_start3A_122 = arith.constant 0 : i32
        %dma_start3A_123 = arith.constant 0 : i32
        %dma_start3A_124 = tpu.memref_slice %arg3[%dma_start3A_122, %dma_start3A_123] : memref<2x320000xi32, #tpu.memory_space<hbm>> -> memref<1x320000xi32, #tpu.memory_space<hbm>>
        %dma_start3A_125 = tpu.memref_squeeze %dma_start3A_124 : memref<1x320000xi32, #tpu.memory_space<hbm>> -> memref<320000xi32, #tpu.memory_space<hbm>>
        %dma_start3A_126 = tpu.memref_slice %dma_start3A_125[%add3A_121] : memref<320000xi32, #tpu.memory_space<hbm>> -> memref<4000xi32, #tpu.memory_space<hbm>>
        %dma_start3A_127 = arith.constant 0 : i32
        %dma_start3A_128 = tpu.memref_slice %arg3[%dma_start3A_122, %dma_start3A_127] : memref<2x320000xi32, #tpu.memory_space<hbm>> -> memref<1x320000xi32, #tpu.memory_space<hbm>>
        %dma_start3A_129 = tpu.memref_squeeze %dma_start3A_128 : memref<1x320000xi32, #tpu.memory_space<hbm>> -> memref<320000xi32, #tpu.memory_space<hbm>>
        %dma_start3A_130 = tpu.memref_slice %dma_start3A_129[%add3A_121] : memref<320000xi32, #tpu.memory_space<hbm>> -> memref<4000xi32, #tpu.memory_space<hbm>>
        tpu.enqueue_dma source(%dma_start3A_130 : memref<4000xi32, #tpu.memory_space<hbm>>) target(%arg10 : memref<4000xi32, #tpu.memory_space<vmem>>) target_semaphore(%arg13 : memref<!tpu.dma_semaphore, #tpu.memory_space<semaphore_mem>>)
        %dma_start3A_131 = arith.constant 1 : i32
        %dma_start3A_132 = arith.constant 0 : i32
        %dma_start3A_133 = tpu.memref_slice %arg3[%dma_start3A_131, %dma_start3A_132] : memref<2x320000xi32, #tpu.memory_space<hbm>> -> memref<1x320000xi32, #tpu.memory_space<hbm>>
        %dma_start3A_134 = tpu.memref_squeeze %dma_start3A_133 : memref<1x320000xi32, #tpu.memory_space<hbm>> -> memref<320000xi32, #tpu.memory_space<hbm>>
        %dma_start3A_135 = tpu.memref_slice %dma_start3A_134[%add3A_121] : memref<320000xi32, #tpu.memory_space<hbm>> -> memref<4000xi32, #tpu.memory_space<hbm>>
        %dma_start3A_136 = arith.constant 0 : i32
        %dma_start3A_137 = tpu.memref_slice %arg3[%dma_start3A_131, %dma_start3A_136] : memref<2x320000xi32, #tpu.memory_space<hbm>> -> memref<1x320000xi32, #tpu.memory_space<hbm>>
        %dma_start3A_138 = tpu.memref_squeeze %dma_start3A_137 : memref<1x320000xi32, #tpu.memory_space<hbm>> -> memref<320000xi32, #tpu.memory_space<hbm>>
        %dma_start3A_139 = tpu.memref_slice %dma_start3A_138[%add3A_121] : memref<320000xi32, #tpu.memory_space<hbm>> -> memref<4000xi32, #tpu.memory_space<hbm>>
        tpu.enqueue_dma source(%dma_start3A_139 : memref<4000xi32, #tpu.memory_space<hbm>>) target(%arg11 : memref<4000xi32, #tpu.memory_space<vmem>>) target_semaphore(%arg13 : memref<!tpu.dma_semaphore, #tpu.memory_space<semaphore_mem>>)
      } else {
      }
    }
    %scan3A_52 = arith.constant 20 : i32
    %mul3A_53 = arith.constant 4 : i32
    %mul3A_54 = arith.muli %mul3A_53, %arg1 : i32
    "tpu.region"() ({
      %run_scoped3A = tpu.sem_alloc : memref<!tpu.dma_semaphore, #tpu.memory_space<semaphore_mem>>
      %dma_start3A_55 = arith.constant 0 : i32
      %dma_start3A_56 = arith.constant 0 : i32
      %dma_start3A_57 = tpu.memref_slice %arg5[%arg0, %dma_start3A_55, %dma_start3A_56] : memref<2x64x10000xf32, #tpu.memory_space<hbm>> -> memref<1x64x10000xf32, #tpu.memory_space<hbm>>
      %dma_start3A_58 = tpu.memref_squeeze %dma_start3A_57 : memref<1x64x10000xf32, #tpu.memory_space<hbm>> -> memref<64x10000xf32, #tpu.memory_space<hbm>>
      %dma_start3A_59 = arith.constant 0 : i32
      %dma_start3A_60 = tpu.memref_slice %dma_start3A_58[%mul3A_54, %dma_start3A_59] : memref<64x10000xf32, #tpu.memory_space<hbm>> -> memref<4x10000xf32, #tpu.memory_space<hbm>>
      %dma_start3A_61 = arith.constant 0 : i32
      %dma_start3A_62 = arith.constant 0 : i32
      %dma_start3A_63 = tpu.memref_slice %arg5[%arg0, %dma_start3A_61, %dma_start3A_62] : memref<2x64x10000xf32, #tpu.memory_space<hbm>> -> memref<1x64x10000xf32, #tpu.memory_space<hbm>>
      %dma_start3A_64 = tpu.memref_squeeze %dma_start3A_63 : memref<1x64x10000xf32, #tpu.memory_space<hbm>> -> memref<64x10000xf32, #tpu.memory_space<hbm>>
      %dma_start3A_65 = arith.constant 0 : i32
      %dma_start3A_66 = tpu.memref_slice %dma_start3A_64[%mul3A_54, %dma_start3A_65] : memref<64x10000xf32, #tpu.memory_space<hbm>> -> memref<4x10000xf32, #tpu.memory_space<hbm>>
      tpu.enqueue_dma source(%arg7 : memref<4x10000xf32, #tpu.memory_space<vmem>>) target(%dma_start3A_66 : memref<4x10000xf32, #tpu.memory_space<hbm>>) target_semaphore(%run_scoped3A : memref<!tpu.dma_semaphore, #tpu.memory_space<semaphore_mem>>)
      %dma_wait3A = arith.constant 0 : i32
      %dma_wait3A_67 = arith.constant 0 : i32
      %dma_wait3A_68 = tpu.memref_slice %arg5[%arg0, %dma_wait3A, %dma_wait3A_67] : memref<2x64x10000xf32, #tpu.memory_space<hbm>> -> memref<1x64x10000xf32, #tpu.memory_space<hbm>>
      %dma_wait3A_69 = tpu.memref_squeeze %dma_wait3A_68 : memref<1x64x10000xf32, #tpu.memory_space<hbm>> -> memref<64x10000xf32, #tpu.memory_space<hbm>>
      %dma_wait3A_70 = arith.constant 0 : i32
      %dma_wait3A_71 = tpu.memref_slice %dma_wait3A_69[%mul3A_54, %dma_wait3A_70] : memref<64x10000xf32, #tpu.memory_space<hbm>> -> memref<4x10000xf32, #tpu.memory_space<hbm>>
      %dma_wait3A_72 = arith.constant 0 : i32
      %dma_wait3A_73 = arith.constant 0 : i32
      %dma_wait3A_74 = tpu.memref_slice %arg5[%arg0, %dma_wait3A_72, %dma_wait3A_73] : memref<2x64x10000xf32, #tpu.memory_space<hbm>> -> memref<1x64x10000xf32, #tpu.memory_space<hbm>>
      %dma_wait3A_75 = tpu.memref_squeeze %dma_wait3A_74 : memref<1x64x10000xf32, #tpu.memory_space<hbm>> -> memref<64x10000xf32, #tpu.memory_space<hbm>>
      %dma_wait3A_76 = arith.constant 0 : i32
      %dma_wait3A_77 = tpu.memref_slice %dma_wait3A_75[%mul3A_54, %dma_wait3A_76] : memref<64x10000xf32, #tpu.memory_space<hbm>> -> memref<4x10000xf32, #tpu.memory_space<hbm>>
      tpu.wait_dma2 semaphore(%run_scoped3A : memref<!tpu.dma_semaphore, #tpu.memory_space<semaphore_mem>>) src(%arg7 : memref<4x10000xf32, #tpu.memory_space<vmem>>) dst(%dma_wait3A_77 : memref<4x10000xf32, #tpu.memory_space<hbm>>)
      tpu.yield
    }) : () -> ()
    return
  }
}

#map = affine_map<(d0, d1) -> (0, 0)>
#map1 = affine_map<(d0, d1) -> (0, 0, 0)>
module attributes {stable_mosaic.version = 14 : i64} {
  func.func @k(%arg0: i32, %arg1: i32, %arg2: memref<64x10000xf32, #tpu.memory_space<hbm>>, %arg3: memref<2x320000xi32, #tpu.memory_space<hbm>>, %arg4: memref<4x10000xf32, #tpu.memory_space<hbm>>, %arg5: memref<2x64x10000xf32, #tpu.memory_space<hbm>>, %arg6: memref<4x10000xf32, #tpu.memory_space<vmem>>, %arg7: memref<4x10000xf32, #tpu.memory_space<vmem>>, %arg8: memref<4000xi32, #tpu.memory_space<vmem>>, %arg9: memref<4000xi32, #tpu.memory_space<vmem>>, %arg10: memref<4000xi32, #tpu.memory_space<vmem>>, %arg11: memref<4000xi32, #tpu.memory_space<vmem>>, %arg12: memref<!tpu.dma_semaphore, #tpu.memory_space<semaphore_mem>>, %arg13: memref<!tpu.dma_semaphore, #tpu.memory_space<semaphore_mem>>) attributes {dimension_semantics = [#tpu.dimension_semantics<core_parallel>, #tpu.dimension_semantics<subcore_parallel>], iteration_bounds = array<i64: 2, 16>, scalar_prefetch = 0 : i64, scratch_operands = 8 : i64, tpu.core_type = #tpu.core_type<sc_vector_subcore>, window_params = [{transform_indices = #map}, {transform_indices = #map}, {transform_indices = #map}, {transform_indices = #map1}]} {
    %mul3A = arith.constant 160000 : i32
    %mul3A_0 = arith.muli %arg0, %mul3A : i32
    %mul3A_1 = arith.constant 4 : i32
    %mul3A_2 = arith.muli %mul3A_1, %arg1 : i32
    "tpu.region"() ({
      %run_scoped3A = tpu.sem_alloc : memref<!tpu.dma_semaphore, #tpu.memory_space<semaphore_mem>>
      %dma_start3A_55 = arith.constant 0 : i32
      %dma_start3A_56 = tpu.memref_slice %arg2[%mul3A_2, %dma_start3A_55] : memref<64x10000xf32, #tpu.memory_space<hbm>> -> memref<4x10000xf32, #tpu.memory_space<hbm>>
      %dma_start3A_57 = arith.constant 0 : i32
      %dma_start3A_58 = tpu.memref_slice %arg2[%mul3A_2, %dma_start3A_57] : memref<64x10000xf32, #tpu.memory_space<hbm>> -> memref<4x10000xf32, #tpu.memory_space<hbm>>
      tpu.enqueue_dma source(%dma_start3A_58 : memref<4x10000xf32, #tpu.memory_space<hbm>>) target(%arg6 : memref<4x10000xf32, #tpu.memory_space<vmem>>) target_semaphore(%run_scoped3A : memref<!tpu.dma_semaphore, #tpu.memory_space<semaphore_mem>>)
      %dma_wait3A = arith.constant 0 : i32
      %dma_wait3A_59 = tpu.memref_slice %arg2[%mul3A_2, %dma_wait3A] : memref<64x10000xf32, #tpu.memory_space<hbm>> -> memref<4x10000xf32, #tpu.memory_space<hbm>>
      %dma_wait3A_60 = arith.constant 0 : i32
      %dma_wait3A_61 = tpu.memref_slice %arg2[%mul3A_2, %dma_wait3A_60] : memref<64x10000xf32, #tpu.memory_space<hbm>> -> memref<4x10000xf32, #tpu.memory_space<hbm>>
      tpu.wait_dma2 semaphore(%run_scoped3A : memref<!tpu.dma_semaphore, #tpu.memory_space<semaphore_mem>>) src(%dma_wait3A_61 : memref<4x10000xf32, #tpu.memory_space<hbm>>) dst(%arg6 : memref<4x10000xf32, #tpu.memory_space<vmem>>)
      tpu.yield
    }) : () -> ()
    "tpu.region"() ({
      %run_scoped3A = tpu.sem_alloc : memref<!tpu.dma_semaphore, #tpu.memory_space<semaphore_mem>>
      tpu.enqueue_dma source(%arg4 : memref<4x10000xf32, #tpu.memory_space<hbm>>) target(%arg7 : memref<4x10000xf32, #tpu.memory_space<vmem>>) target_semaphore(%run_scoped3A : memref<!tpu.dma_semaphore, #tpu.memory_space<semaphore_mem>>)
      tpu.wait_dma2 semaphore(%run_scoped3A : memref<!tpu.dma_semaphore, #tpu.memory_space<semaphore_mem>>) src(%arg4 : memref<4x10000xf32, #tpu.memory_space<hbm>>) dst(%arg7 : memref<4x10000xf32, #tpu.memory_space<vmem>>)
      tpu.yield
    }) : () -> ()
    %broadcast_in_dim3A = arith.constant 0 : i32
    %broadcast_in_dim3A_3 = vector.broadcast %broadcast_in_dim3A : i32 to vector<16xi32>
    %broadcast_in_dim3A_4 = arith.constant 1 : i32
    %broadcast_in_dim3A_5 = vector.broadcast %broadcast_in_dim3A_4 : i32 to vector<16xi32>
    %broadcast_in_dim3A_6 = arith.constant 2 : i32
    %broadcast_in_dim3A_7 = vector.broadcast %broadcast_in_dim3A_6 : i32 to vector<16xi32>
    %broadcast_in_dim3A_8 = arith.constant 3 : i32
    %broadcast_in_dim3A_9 = vector.broadcast %broadcast_in_dim3A_8 : i32 to vector<16xi32>
    %add3A = arith.constant 0 : i32
    %add3A_10 = arith.addi %mul3A_0, %add3A : i32
    %dma_start3A = arith.constant 0 : i32
    %dma_start3A_11 = arith.constant 0 : i32
    %dma_start3A_12 = tpu.memref_slice %arg3[%dma_start3A, %dma_start3A_11] : memref<2x320000xi32, #tpu.memory_space<hbm>> -> memref<1x320000xi32, #tpu.memory_space<hbm>>
    %dma_start3A_13 = tpu.memref_squeeze %dma_start3A_12 : memref<1x320000xi32, #tpu.memory_space<hbm>> -> memref<320000xi32, #tpu.memory_space<hbm>>
    %dma_start3A_14 = tpu.memref_slice %dma_start3A_13[%add3A_10] : memref<320000xi32, #tpu.memory_space<hbm>> -> memref<4000xi32, #tpu.memory_space<hbm>>
    %dma_start3A_15 = arith.constant 0 : i32
    %dma_start3A_16 = tpu.memref_slice %arg3[%dma_start3A, %dma_start3A_15] : memref<2x320000xi32, #tpu.memory_space<hbm>> -> memref<1x320000xi32, #tpu.memory_space<hbm>>
    %dma_start3A_17 = tpu.memref_squeeze %dma_start3A_16 : memref<1x320000xi32, #tpu.memory_space<hbm>> -> memref<320000xi32, #tpu.memory_space<hbm>>
    %dma_start3A_18 = tpu.memref_slice %dma_start3A_17[%add3A_10] : memref<320000xi32, #tpu.memory_space<hbm>> -> memref<4000xi32, #tpu.memory_space<hbm>>
    tpu.enqueue_dma source(%dma_start3A_18 : memref<4000xi32, #tpu.memory_space<hbm>>) target(%arg8 : memref<4000xi32, #tpu.memory_space<vmem>>) target_semaphore(%arg12 : memref<!tpu.dma_semaphore, #tpu.memory_space<semaphore_mem>>)
    %dma_start3A_19 = arith.constant 1 : i32
    %dma_start3A_20 = arith.constant 0 : i32
    %dma_start3A_21 = tpu.memref_slice %arg3[%dma_start3A_19, %dma_start3A_20] : memref<2x320000xi32, #tpu.memory_space<hbm>> -> memref<1x320000xi32, #tpu.memory_space<hbm>>
    %dma_start3A_22 = tpu.memref_squeeze %dma_start3A_21 : memref<1x320000xi32, #tpu.memory_space<hbm>> -> memref<320000xi32, #tpu.memory_space<hbm>>
    %dma_start3A_23 = tpu.memref_slice %dma_start3A_22[%add3A_10] : memref<320000xi32, #tpu.memory_space<hbm>> -> memref<4000xi32, #tpu.memory_space<hbm>>
    %dma_start3A_24 = arith.constant 0 : i32
    %dma_start3A_25 = tpu.memref_slice %arg3[%dma_start3A_19, %dma_start3A_24] : memref<2x320000xi32, #tpu.memory_space<hbm>> -> memref<1x320000xi32, #tpu.memory_space<hbm>>
    %dma_start3A_26 = tpu.memref_squeeze %dma_start3A_25 : memref<1x320000xi32, #tpu.memory_space<hbm>> -> memref<320000xi32, #tpu.memory_space<hbm>>
    %dma_start3A_27 = tpu.memref_slice %dma_start3A_26[%add3A_10] : memref<320000xi32, #tpu.memory_space<hbm>> -> memref<4000xi32, #tpu.memory_space<hbm>>
    tpu.enqueue_dma source(%dma_start3A_27 : memref<4000xi32, #tpu.memory_space<hbm>>) target(%arg9 : memref<4000xi32, #tpu.memory_space<vmem>>) target_semaphore(%arg12 : memref<!tpu.dma_semaphore, #tpu.memory_space<semaphore_mem>>)
    %add3A_28 = arith.constant 4000 : i32
    %add3A_29 = arith.addi %mul3A_0, %add3A_28 : i32
    %dma_start3A_30 = arith.constant 0 : i32
    %dma_start3A_31 = arith.constant 0 : i32
    %dma_start3A_32 = tpu.memref_slice %arg3[%dma_start3A_30, %dma_start3A_31] : memref<2x320000xi32, #tpu.memory_space<hbm>> -> memref<1x320000xi32, #tpu.memory_space<hbm>>
    %dma_start3A_33 = tpu.memref_squeeze %dma_start3A_32 : memref<1x320000xi32, #tpu.memory_space<hbm>> -> memref<320000xi32, #tpu.memory_space<hbm>>
    %dma_start3A_34 = tpu.memref_slice %dma_start3A_33[%add3A_29] : memref<320000xi32, #tpu.memory_space<hbm>> -> memref<4000xi32, #tpu.memory_space<hbm>>
    %dma_start3A_35 = arith.constant 0 : i32
    %dma_start3A_36 = tpu.memref_slice %arg3[%dma_start3A_30, %dma_start3A_35] : memref<2x320000xi32, #tpu.memory_space<hbm>> -> memref<1x320000xi32, #tpu.memory_space<hbm>>
    %dma_start3A_37 = tpu.memref_squeeze %dma_start3A_36 : memref<1x320000xi32, #tpu.memory_space<hbm>> -> memref<320000xi32, #tpu.memory_space<hbm>>
    %dma_start3A_38 = tpu.memref_slice %dma_start3A_37[%add3A_29] : memref<320000xi32, #tpu.memory_space<hbm>> -> memref<4000xi32, #tpu.memory_space<hbm>>
    tpu.enqueue_dma source(%dma_start3A_38 : memref<4000xi32, #tpu.memory_space<hbm>>) target(%arg10 : memref<4000xi32, #tpu.memory_space<vmem>>) target_semaphore(%arg13 : memref<!tpu.dma_semaphore, #tpu.memory_space<semaphore_mem>>)
    %dma_start3A_39 = arith.constant 1 : i32
    %dma_start3A_40 = arith.constant 0 : i32
    %dma_start3A_41 = tpu.memref_slice %arg3[%dma_start3A_39, %dma_start3A_40] : memref<2x320000xi32, #tpu.memory_space<hbm>> -> memref<1x320000xi32, #tpu.memory_space<hbm>>
    %dma_start3A_42 = tpu.memref_squeeze %dma_start3A_41 : memref<1x320000xi32, #tpu.memory_space<hbm>> -> memref<320000xi32, #tpu.memory_space<hbm>>
    %dma_start3A_43 = tpu.memref_slice %dma_start3A_42[%add3A_29] : memref<320000xi32, #tpu.memory_space<hbm>> -> memref<4000xi32, #tpu.memory_space<hbm>>
    %dma_start3A_44 = arith.constant 0 : i32
    %dma_start3A_45 = tpu.memref_slice %arg3[%dma_start3A_39, %dma_start3A_44] : memref<2x320000xi32, #tpu.memory_space<hbm>> -> memref<1x320000xi32, #tpu.memory_space<hbm>>
    %dma_start3A_46 = tpu.memref_squeeze %dma_start3A_45 : memref<1x320000xi32, #tpu.memory_space<hbm>> -> memref<320000xi32, #tpu.memory_space<hbm>>
    %dma_start3A_47 = tpu.memref_slice %dma_start3A_46[%add3A_29] : memref<320000xi32, #tpu.memory_space<hbm>> -> memref<4000xi32, #tpu.memory_space<hbm>>
    tpu.enqueue_dma source(%dma_start3A_47 : memref<4000xi32, #tpu.memory_space<hbm>>) target(%arg11 : memref<4000xi32, #tpu.memory_space<vmem>>) target_semaphore(%arg13 : memref<!tpu.dma_semaphore, #tpu.memory_space<semaphore_mem>>)
    %scan3A = arith.constant 0 : i32
    %scan3A_48 = arith.constant 0 : i32
    %scan3A_49 = arith.constant 20 : i32
    %scan3A_50 = arith.addi %scan3A_48, %scan3A_49 : i32
    %scan3A_51 = arith.constant 1 : i32
    scf.for %scan3A_55 = %scan3A_48 to %scan3A_50 step %scan3A_51  : i32 {
      %mul3A_56 = arith.constant 2 : i32
      %mul3A_57 = arith.muli %scan3A_55, %mul3A_56 : i32
      %mul3A_58 = arith.constant 4000 : i32
      %mul3A_59 = arith.muli %mul3A_57, %mul3A_58 : i32
      %add3A_60 = arith.addi %mul3A_0, %mul3A_59 : i32
      %dma_wait3A = arith.constant 0 : i32
      %dma_wait3A_61 = arith.constant 0 : i32
      %dma_wait3A_62 = tpu.memref_slice %arg3[%dma_wait3A, %dma_wait3A_61] : memref<2x320000xi32, #tpu.memory_space<hbm>> -> memref<1x320000xi32, #tpu.memory_space<hbm>>
      %dma_wait3A_63 = tpu.memref_squeeze %dma_wait3A_62 : memref<1x320000xi32, #tpu.memory_space<hbm>> -> memref<320000xi32, #tpu.memory_space<hbm>>
      %dma_wait3A_64 = tpu.memref_slice %dma_wait3A_63[%add3A_60] : memref<320000xi32, #tpu.memory_space<hbm>> -> memref<4000xi32, #tpu.memory_space<hbm>>
      %dma_wait3A_65 = arith.constant 0 : i32
      %dma_wait3A_66 = tpu.memref_slice %arg3[%dma_wait3A, %dma_wait3A_65] : memref<2x320000xi32, #tpu.memory_space<hbm>> -> memref<1x320000xi32, #tpu.memory_space<hbm>>
      %dma_wait3A_67 = tpu.memref_squeeze %dma_wait3A_66 : memref<1x320000xi32, #tpu.memory_space<hbm>> -> memref<320000xi32, #tpu.memory_space<hbm>>
      %dma_wait3A_68 = tpu.memref_slice %dma_wait3A_67[%add3A_60] : memref<320000xi32, #tpu.memory_space<hbm>> -> memref<4000xi32, #tpu.memory_space<hbm>>
      tpu.wait_dma2 semaphore(%arg12 : memref<!tpu.dma_semaphore, #tpu.memory_space<semaphore_mem>>) src(%dma_wait3A_68 : memref<4000xi32, #tpu.memory_space<hbm>>) dst(%arg8 : memref<4000xi32, #tpu.memory_space<vmem>>)
      %dma_wait3A_69 = arith.constant 1 : i32
      %dma_wait3A_70 = arith.constant 0 : i32
      %dma_wait3A_71 = tpu.memref_slice %arg3[%dma_wait3A_69, %dma_wait3A_70] : memref<2x320000xi32, #tpu.memory_space<hbm>> -> memref<1x320000xi32, #tpu.memory_space<hbm>>
      %dma_wait3A_72 = tpu.memref_squeeze %dma_wait3A_71 : memref<1x320000xi32, #tpu.memory_space<hbm>> -> memref<320000xi32, #tpu.memory_space<hbm>>
      %dma_wait3A_73 = tpu.memref_slice %dma_wait3A_72[%add3A_60] : memref<320000xi32, #tpu.memory_space<hbm>> -> memref<4000xi32, #tpu.memory_space<hbm>>
      %dma_wait3A_74 = arith.constant 0 : i32
      %dma_wait3A_75 = tpu.memref_slice %arg3[%dma_wait3A_69, %dma_wait3A_74] : memref<2x320000xi32, #tpu.memory_space<hbm>> -> memref<1x320000xi32, #tpu.memory_space<hbm>>
      %dma_wait3A_76 = tpu.memref_squeeze %dma_wait3A_75 : memref<1x320000xi32, #tpu.memory_space<hbm>> -> memref<320000xi32, #tpu.memory_space<hbm>>
      %dma_wait3A_77 = tpu.memref_slice %dma_wait3A_76[%add3A_60] : memref<320000xi32, #tpu.memory_space<hbm>> -> memref<4000xi32, #tpu.memory_space<hbm>>
      tpu.wait_dma2 semaphore(%arg12 : memref<!tpu.dma_semaphore, #tpu.memory_space<semaphore_mem>>) src(%dma_wait3A_77 : memref<4000xi32, #tpu.memory_space<hbm>>) dst(%arg9 : memref<4000xi32, #tpu.memory_space<vmem>>)
      %parallel_loop3A = arith.constant 0 : i32
      %parallel_loop3A_78 = arith.constant 250 : i32
      %parallel_loop3A_79 = arith.constant 1 : i32
      scf.for %parallel_loop3A_117 = %parallel_loop3A to %parallel_loop3A_78 step %parallel_loop3A_79  : i32 {
        %parallel_loop3A_118 = arith.constant 16 : i32
        %parallel_loop3A_119 = arith.muli %parallel_loop3A_117, %parallel_loop3A_118 : i32
        %parallel_loop3A_120 = arith.index_cast %parallel_loop3A_119 : i32 to index
        %parallel_loop3A_121 = tpu.vector_load %arg8[%parallel_loop3A_120] {strides = array<i32>} : memref<4000xi32, #tpu.memory_space<vmem>>, vector<16xi32>,
        %parallel_loop3A_122 = arith.index_cast %parallel_loop3A_119 : i32 to index
        %parallel_loop3A_123 = tpu.vector_load %arg9[%parallel_loop3A_122] {strides = array<i32>} : memref<4000xi32, #tpu.memory_space<vmem>>, vector<16xi32>,
        %parallel_loop3A_124 = tpu.vector_load_idx %arg6[%broadcast_in_dim3A_3, %parallel_loop3A_121] : memref<4x10000xf32, #tpu.memory_space<vmem>>[vector<16xi32>, vector<16xi32>], vector<16xf32>,
        tpu.vector_store_idx %arg7[%broadcast_in_dim3A_3, %parallel_loop3A_123], %parallel_loop3A_124 {add = true} : memref<4x10000xf32, #tpu.memory_space<vmem>>[vector<16xi32>, vector<16xi32>], vector<16xf32>,
        %parallel_loop3A_125 = tpu.vector_load_idx %arg6[%broadcast_in_dim3A_5, %parallel_loop3A_121] : memref<4x10000xf32, #tpu.memory_space<vmem>>[vector<16xi32>, vector<16xi32>], vector<16xf32>,
        tpu.vector_store_idx %arg7[%broadcast_in_dim3A_5, %parallel_loop3A_123], %parallel_loop3A_125 {add = true} : memref<4x10000xf32, #tpu.memory_space<vmem>>[vector<16xi32>, vector<16xi32>], vector<16xf32>,
        %parallel_loop3A_126 = tpu.vector_load_idx %arg6[%broadcast_in_dim3A_7, %parallel_loop3A_121] : memref<4x10000xf32, #tpu.memory_space<vmem>>[vector<16xi32>, vector<16xi32>], vector<16xf32>,
        tpu.vector_store_idx %arg7[%broadcast_in_dim3A_7, %parallel_loop3A_123], %parallel_loop3A_126 {add = true} : memref<4x10000xf32, #tpu.memory_space<vmem>>[vector<16xi32>, vector<16xi32>], vector<16xf32>,
        %parallel_loop3A_127 = tpu.vector_load_idx %arg6[%broadcast_in_dim3A_9, %parallel_loop3A_121] : memref<4x10000xf32, #tpu.memory_space<vmem>>[vector<16xi32>, vector<16xi32>], vector<16xf32>,
        tpu.vector_store_idx %arg7[%broadcast_in_dim3A_9, %parallel_loop3A_123], %parallel_loop3A_127 {add = true} : memref<4x10000xf32, #tpu.memory_space<vmem>>[vector<16xi32>, vector<16xi32>], vector<16xf32>,
      } {sc.loop_unroll_factor = 12 : i64, sc.parallel_access}
      %add3A_80 = arith.constant 2 : i32
      %add3A_81 = arith.addi %mul3A_57, %add3A_80 : i32
      %lt3A = arith.constant 40 : i32
      %lt3A_82 = arith.cmpi slt, %add3A_81, %lt3A : i32
      %convert_element_type3A = arith.extui %lt3A_82 : i1 to i32
      %cond3A = arith.constant 0 : i32
      %cond3A_83 = arith.cmpi ne, %convert_element_type3A, %cond3A : i32
      scf.if %cond3A_83 {
        %add3A_117 = arith.constant 2 : i32
        %add3A_118 = arith.addi %mul3A_57, %add3A_117 : i32
        %mul3A_119 = arith.constant 4000 : i32
        %mul3A_120 = arith.muli %add3A_118, %mul3A_119 : i32
        %add3A_121 = arith.addi %mul3A_0, %mul3A_120 : i32
        %dma_start3A_122 = arith.constant 0 : i32
        %dma_start3A_123 = arith.constant 0 : i32
        %dma_start3A_124 = tpu.memref_slice %arg3[%dma_start3A_122, %dma_start3A_123] : memref<2x320000xi32, #tpu.memory_space<hbm>> -> memref<1x320000xi32, #tpu.memory_space<hbm>>
        %dma_start3A_125 = tpu.memref_squeeze %dma_start3A_124 : memref<1x320000xi32, #tpu.memory_space<hbm>> -> memref<320000xi32, #tpu.memory_space<hbm>>
        %dma_start3A_126 = tpu.memref_slice %dma_start3A_125[%add3A_121] : memref<320000xi32, #tpu.memory_space<hbm>> -> memref<4000xi32, #tpu.memory_space<hbm>>
        %dma_start3A_127 = arith.constant 0 : i32
        %dma_start3A_128 = tpu.memref_slice %arg3[%dma_start3A_122, %dma_start3A_127] : memref<2x320000xi32, #tpu.memory_space<hbm>> -> memref<1x320000xi32, #tpu.memory_space<hbm>>
        %dma_start3A_129 = tpu.memref_squeeze %dma_start3A_128 : memref<1x320000xi32, #tpu.memory_space<hbm>> -> memref<320000xi32, #tpu.memory_space<hbm>>
        %dma_start3A_130 = tpu.memref_slice %dma_start3A_129[%add3A_121] : memref<320000xi32, #tpu.memory_space<hbm>> -> memref<4000xi32, #tpu.memory_space<hbm>>
        tpu.enqueue_dma source(%dma_start3A_130 : memref<4000xi32, #tpu.memory_space<hbm>>) target(%arg8 : memref<4000xi32, #tpu.memory_space<vmem>>) target_semaphore(%arg12 : memref<!tpu.dma_semaphore, #tpu.memory_space<semaphore_mem>>)
        %dma_start3A_131 = arith.constant 1 : i32
        %dma_start3A_132 = arith.constant 0 : i32
        %dma_start3A_133 = tpu.memref_slice %arg3[%dma_start3A_131, %dma_start3A_132] : memref<2x320000xi32, #tpu.memory_space<hbm>> -> memref<1x320000xi32, #tpu.memory_space<hbm>>
        %dma_start3A_134 = tpu.memref_squeeze %dma_start3A_133 : memref<1x320000xi32, #tpu.memory_space<hbm>> -> memref<320000xi32, #tpu.memory_space<hbm>>
        %dma_start3A_135 = tpu.memref_slice %dma_start3A_134[%add3A_121] : memref<320000xi32, #tpu.memory_space<hbm>> -> memref<4000xi32, #tpu.memory_space<hbm>>
        %dma_start3A_136 = arith.constant 0 : i32
        %dma_start3A_137 = tpu.memref_slice %arg3[%dma_start3A_131, %dma_start3A_136] : memref<2x320000xi32, #tpu.memory_space<hbm>> -> memref<1x320000xi32, #tpu.memory_space<hbm>>
        %dma_start3A_138 = tpu.memref_squeeze %dma_start3A_137 : memref<1x320000xi32, #tpu.memory_space<hbm>> -> memref<320000xi32, #tpu.memory_space<hbm>>
        %dma_start3A_139 = tpu.memref_slice %dma_start3A_138[%add3A_121] : memref<320000xi32, #tpu.memory_space<hbm>> -> memref<4000xi32, #tpu.memory_space<hbm>>
        tpu.enqueue_dma source(%dma_start3A_139 : memref<4000xi32, #tpu.memory_space<hbm>>) target(%arg9 : memref<4000xi32, #tpu.memory_space<vmem>>) target_semaphore(%arg12 : memref<!tpu.dma_semaphore, #tpu.memory_space<semaphore_mem>>)
      } else {
      }
      %add3A_84 = arith.constant 1 : i32
      %add3A_85 = arith.addi %mul3A_57, %add3A_84 : i32
      %mul3A_86 = arith.constant 4000 : i32
      %mul3A_87 = arith.muli %add3A_85, %mul3A_86 : i32
      %add3A_88 = arith.addi %mul3A_0, %mul3A_87 : i32
      %dma_wait3A_89 = arith.constant 0 : i32
      %dma_wait3A_90 = arith.constant 0 : i32
      %dma_wait3A_91 = tpu.memref_slice %arg3[%dma_wait3A_89, %dma_wait3A_90] : memref<2x320000xi32, #tpu.memory_space<hbm>> -> memref<1x320000xi32, #tpu.memory_space<hbm>>
      %dma_wait3A_92 = tpu.memref_squeeze %dma_wait3A_91 : memref<1x320000xi32, #tpu.memory_space<hbm>> -> memref<320000xi32, #tpu.memory_space<hbm>>
      %dma_wait3A_93 = tpu.memref_slice %dma_wait3A_92[%add3A_88] : memref<320000xi32, #tpu.memory_space<hbm>> -> memref<4000xi32, #tpu.memory_space<hbm>>
      %dma_wait3A_94 = arith.constant 0 : i32
      %dma_wait3A_95 = tpu.memref_slice %arg3[%dma_wait3A_89, %dma_wait3A_94] : memref<2x320000xi32, #tpu.memory_space<hbm>> -> memref<1x320000xi32, #tpu.memory_space<hbm>>
      %dma_wait3A_96 = tpu.memref_squeeze %dma_wait3A_95 : memref<1x320000xi32, #tpu.memory_space<hbm>> -> memref<320000xi32, #tpu.memory_space<hbm>>
      %dma_wait3A_97 = tpu.memref_slice %dma_wait3A_96[%add3A_88] : memref<320000xi32, #tpu.memory_space<hbm>> -> memref<4000xi32, #tpu.memory_space<hbm>>
      tpu.wait_dma2 semaphore(%arg13 : memref<!tpu.dma_semaphore, #tpu.memory_space<semaphore_mem>>) src(%dma_wait3A_97 : memref<4000xi32, #tpu.memory_space<hbm>>) dst(%arg10 : memref<4000xi32, #tpu.memory_space<vmem>>)
      %dma_wait3A_98 = arith.constant 1 : i32
      %dma_wait3A_99 = arith.constant 0 : i32
      %dma_wait3A_100 = tpu.memref_slice %arg3[%dma_wait3A_98, %dma_wait3A_99] : memref<2x320000xi32, #tpu.memory_space<hbm>> -> memref<1x320000xi32, #tpu.memory_space<hbm>>
      %dma_wait3A_101 = tpu.memref_squeeze %dma_wait3A_100 : memref<1x320000xi32, #tpu.memory_space<hbm>> -> memref<320000xi32, #tpu.memory_space<hbm>>
      %dma_wait3A_102 = tpu.memref_slice %dma_wait3A_101[%add3A_88] : memref<320000xi32, #tpu.memory_space<hbm>> -> memref<4000xi32, #tpu.memory_space<hbm>>
      %dma_wait3A_103 = arith.constant 0 : i32
      %dma_wait3A_104 = tpu.memref_slice %arg3[%dma_wait3A_98, %dma_wait3A_103] : memref<2x320000xi32, #tpu.memory_space<hbm>> -> memref<1x320000xi32, #tpu.memory_space<hbm>>
      %dma_wait3A_105 = tpu.memref_squeeze %dma_wait3A_104 : memref<1x320000xi32, #tpu.memory_space<hbm>> -> memref<320000xi32, #tpu.memory_space<hbm>>
      %dma_wait3A_106 = tpu.memref_slice %dma_wait3A_105[%add3A_88] : memref<320000xi32, #tpu.memory_space<hbm>> -> memref<4000xi32, #tpu.memory_space<hbm>>
      tpu.wait_dma2 semaphore(%arg13 : memref<!tpu.dma_semaphore, #tpu.memory_space<semaphore_mem>>) src(%dma_wait3A_106 : memref<4000xi32, #tpu.memory_space<hbm>>) dst(%arg11 : memref<4000xi32, #tpu.memory_space<vmem>>)
      %parallel_loop3A_107 = arith.constant 0 : i32
      %parallel_loop3A_108 = arith.constant 250 : i32
      %parallel_loop3A_109 = arith.constant 1 : i32
      scf.for %parallel_loop3A_117 = %parallel_loop3A_107 to %parallel_loop3A_108 step %parallel_loop3A_109  : i32 {
        %parallel_loop3A_118 = arith.constant 16 : i32
        %parallel_loop3A_119 = arith.muli %parallel_loop3A_117, %parallel_loop3A_118 : i32
        %parallel_loop3A_120 = arith.index_cast %parallel_loop3A_119 : i32 to index
        %parallel_loop3A_121 = tpu.vector_load %arg10[%parallel_loop3A_120] {strides = array<i32>} : memref<4000xi32, #tpu.memory_space<vmem>>, vector<16xi32>,
        %parallel_loop3A_122 = arith.index_cast %parallel_loop3A_119 : i32 to index
        %parallel_loop3A_123 = tpu.vector_load %arg11[%parallel_loop3A_122] {strides = array<i32>} : memref<4000xi32, #tpu.memory_space<vmem>>, vector<16xi32>,
        %parallel_loop3A_124 = tpu.vector_load_idx %arg6[%broadcast_in_dim3A_3, %parallel_loop3A_121] : memref<4x10000xf32, #tpu.memory_space<vmem>>[vector<16xi32>, vector<16xi32>], vector<16xf32>,
        tpu.vector_store_idx %arg7[%broadcast_in_dim3A_3, %parallel_loop3A_123], %parallel_loop3A_124 {add = true} : memref<4x10000xf32, #tpu.memory_space<vmem>>[vector<16xi32>, vector<16xi32>], vector<16xf32>,
        %parallel_loop3A_125 = tpu.vector_load_idx %arg6[%broadcast_in_dim3A_5, %parallel_loop3A_121] : memref<4x10000xf32, #tpu.memory_space<vmem>>[vector<16xi32>, vector<16xi32>], vector<16xf32>,
        tpu.vector_store_idx %arg7[%broadcast_in_dim3A_5, %parallel_loop3A_123], %parallel_loop3A_125 {add = true} : memref<4x10000xf32, #tpu.memory_space<vmem>>[vector<16xi32>, vector<16xi32>], vector<16xf32>,
        %parallel_loop3A_126 = tpu.vector_load_idx %arg6[%broadcast_in_dim3A_7, %parallel_loop3A_121] : memref<4x10000xf32, #tpu.memory_space<vmem>>[vector<16xi32>, vector<16xi32>], vector<16xf32>,
        tpu.vector_store_idx %arg7[%broadcast_in_dim3A_7, %parallel_loop3A_123], %parallel_loop3A_126 {add = true} : memref<4x10000xf32, #tpu.memory_space<vmem>>[vector<16xi32>, vector<16xi32>], vector<16xf32>,
        %parallel_loop3A_127 = tpu.vector_load_idx %arg6[%broadcast_in_dim3A_9, %parallel_loop3A_121] : memref<4x10000xf32, #tpu.memory_space<vmem>>[vector<16xi32>, vector<16xi32>], vector<16xf32>,
        tpu.vector_store_idx %arg7[%broadcast_in_dim3A_9, %parallel_loop3A_123], %parallel_loop3A_127 {add = true} : memref<4x10000xf32, #tpu.memory_space<vmem>>[vector<16xi32>, vector<16xi32>], vector<16xf32>,
      } {sc.loop_unroll_factor = 12 : i64, sc.parallel_access}
      %add3A_110 = arith.constant 3 : i32
      %add3A_111 = arith.addi %mul3A_57, %add3A_110 : i32
      %lt3A_112 = arith.constant 40 : i32
      %lt3A_113 = arith.cmpi slt, %add3A_111, %lt3A_112 : i32
      %convert_element_type3A_114 = arith.extui %lt3A_113 : i1 to i32
      %cond3A_115 = arith.constant 0 : i32
      %cond3A_116 = arith.cmpi ne, %convert_element_type3A_114, %cond3A_115 : i32
      scf.if %cond3A_116 {
        %add3A_117 = arith.constant 3 : i32
        %add3A_118 = arith.addi %mul3A_57, %add3A_117 : i32
        %mul3A_119 = arith.constant 4000 : i32
        %mul3A_120 = arith.muli %add3A_118, %mul3A_119 : i32
        %add3A_121 = arith.addi %mul3A_0, %mul3A_120 : i32
        %dma_start3A_122 = arith.constant 0 : i32
        %dma_start3A_123 = arith.constant 0 : i32
        %dma_start3A_124 = tpu.memref_slice %arg3[%dma_start3A_122, %dma_start3A_123] : memref<2x320000xi32, #tpu.memory_space<hbm>> -> memref<1x320000xi32, #tpu.memory_space<hbm>>
        %dma_start3A_125 = tpu.memref_squeeze %dma_start3A_124 : memref<1x320000xi32, #tpu.memory_space<hbm>> -> memref<320000xi32, #tpu.memory_space<hbm>>
        %dma_start3A_126 = tpu.memref_slice %dma_start3A_125[%add3A_121] : memref<320000xi32, #tpu.memory_space<hbm>> -> memref<4000xi32, #tpu.memory_space<hbm>>
        %dma_start3A_127 = arith.constant 0 : i32
        %dma_start3A_128 = tpu.memref_slice %arg3[%dma_start3A_122, %dma_start3A_127] : memref<2x320000xi32, #tpu.memory_space<hbm>> -> memref<1x320000xi32, #tpu.memory_space<hbm>>
        %dma_start3A_129 = tpu.memref_squeeze %dma_start3A_128 : memref<1x320000xi32, #tpu.memory_space<hbm>> -> memref<320000xi32, #tpu.memory_space<hbm>>
        %dma_start3A_130 = tpu.memref_slice %dma_start3A_129[%add3A_121] : memref<320000xi32, #tpu.memory_space<hbm>> -> memref<4000xi32, #tpu.memory_space<hbm>>
        tpu.enqueue_dma source(%dma_start3A_130 : memref<4000xi32, #tpu.memory_space<hbm>>) target(%arg10 : memref<4000xi32, #tpu.memory_space<vmem>>) target_semaphore(%arg13 : memref<!tpu.dma_semaphore, #tpu.memory_space<semaphore_mem>>)
        %dma_start3A_131 = arith.constant 1 : i32
        %dma_start3A_132 = arith.constant 0 : i32
        %dma_start3A_133 = tpu.memref_slice %arg3[%dma_start3A_131, %dma_start3A_132] : memref<2x320000xi32, #tpu.memory_space<hbm>> -> memref<1x320000xi32, #tpu.memory_space<hbm>>
        %dma_start3A_134 = tpu.memref_squeeze %dma_start3A_133 : memref<1x320000xi32, #tpu.memory_space<hbm>> -> memref<320000xi32, #tpu.memory_space<hbm>>
        %dma_start3A_135 = tpu.memref_slice %dma_start3A_134[%add3A_121] : memref<320000xi32, #tpu.memory_space<hbm>> -> memref<4000xi32, #tpu.memory_space<hbm>>
        %dma_start3A_136 = arith.constant 0 : i32
        %dma_start3A_137 = tpu.memref_slice %arg3[%dma_start3A_131, %dma_start3A_136] : memref<2x320000xi32, #tpu.memory_space<hbm>> -> memref<1x320000xi32, #tpu.memory_space<hbm>>
        %dma_start3A_138 = tpu.memref_squeeze %dma_start3A_137 : memref<1x320000xi32, #tpu.memory_space<hbm>> -> memref<320000xi32, #tpu.memory_space<hbm>>
        %dma_start3A_139 = tpu.memref_slice %dma_start3A_138[%add3A_121] : memref<320000xi32, #tpu.memory_space<hbm>> -> memref<4000xi32, #tpu.memory_space<hbm>>
        tpu.enqueue_dma source(%dma_start3A_139 : memref<4000xi32, #tpu.memory_space<hbm>>) target(%arg11 : memref<4000xi32, #tpu.memory_space<vmem>>) target_semaphore(%arg13 : memref<!tpu.dma_semaphore, #tpu.memory_space<semaphore_mem>>)
      } else {
      }
    }
    %scan3A_52 = arith.constant 20 : i32
    %mul3A_53 = arith.constant 4 : i32
    %mul3A_54 = arith.muli %mul3A_53, %arg1 : i32
    "tpu.region"() ({
      %run_scoped3A = tpu.sem_alloc : memref<!tpu.dma_semaphore, #tpu.memory_space<semaphore_mem>>
      %dma_start3A_55 = arith.constant 0 : i32
      %dma_start3A_56 = arith.constant 0 : i32
      %dma_start3A_57 = tpu.memref_slice %arg5[%arg0, %dma_start3A_55, %dma_start3A_56] : memref<2x64x10000xf32, #tpu.memory_space<hbm>> -> memref<1x64x10000xf32, #tpu.memory_space<hbm>>
      %dma_start3A_58 = tpu.memref_squeeze %dma_start3A_57 : memref<1x64x10000xf32, #tpu.memory_space<hbm>> -> memref<64x10000xf32, #tpu.memory_space<hbm>>
      %dma_start3A_59 = arith.constant 0 : i32
      %dma_start3A_60 = tpu.memref_slice %dma_start3A_58[%mul3A_54, %dma_start3A_59] : memref<64x10000xf32, #tpu.memory_space<hbm>> -> memref<4x10000xf32, #tpu.memory_space<hbm>>
      %dma_start3A_61 = arith.constant 0 : i32
      %dma_start3A_62 = arith.constant 0 : i32
      %dma_start3A_63 = tpu.memref_slice %arg5[%arg0, %dma_start3A_61, %dma_start3A_62] : memref<2x64x10000xf32, #tpu.memory_space<hbm>> -> memref<1x64x10000xf32, #tpu.memory_space<hbm>>
      %dma_start3A_64 = tpu.memref_squeeze %dma_start3A_63 : memref<1x64x10000xf32, #tpu.memory_space<hbm>> -> memref<64x10000xf32, #tpu.memory_space<hbm>>
      %dma_start3A_65 = arith.constant 0 : i32
      %dma_start3A_66 = tpu.memref_slice %dma_start3A_64[%mul3A_54, %dma_start3A_65] : memref<64x10000xf32, #tpu.memory_space<hbm>> -> memref<4x10000xf32, #tpu.memory_space<hbm>>
      tpu.enqueue_dma source(%arg7 : memref<4x10000xf32, #tpu.memory_space<vmem>>) target(%dma_start3A_66 : memref<4x10000xf32, #tpu.memory_space<hbm>>) target_semaphore(%run_scoped3A : memref<!tpu.dma_semaphore, #tpu.memory_space<semaphore_mem>>)
      %dma_wait3A = arith.constant 0 : i32
      %dma_wait3A_67 = arith.constant 0 : i32
      %dma_wait3A_68 = tpu.memref_slice %arg5[%arg0, %dma_wait3A, %dma_wait3A_67] : memref<2x64x10000xf32, #tpu.memory_space<hbm>> -> memref<1x64x10000xf32, #tpu.memory_space<hbm>>
      %dma_wait3A_69 = tpu.memref_squeeze %dma_wait3A_68 : memref<1x64x10000xf32, #tpu.memory_space<hbm>> -> memref<64x10000xf32, #tpu.memory_space<hbm>>
      %dma_wait3A_70 = arith.constant 0 : i32
      %dma_wait3A_71 = tpu.memref_slice %dma_wait3A_69[%mul3A_54, %dma_wait3A_70] : memref<64x10000xf32, #tpu.memory_space<hbm>> -> memref<4x10000xf32, #tpu.memory_space<hbm>>
      %dma_wait3A_72 = arith.constant 0 : i32
      %dma_wait3A_73 = arith.constant 0 : i32
      %dma_wait3A_74 = tpu.memref_slice %arg5[%arg0, %dma_wait3A_72, %dma_wait3A_73] : memref<2x64x10000xf32, #tpu.memory_space<hbm>> -> memref<1x64x10000xf32, #tpu.memory_space<hbm>>
      %dma_wait3A_75 = tpu.memref_squeeze %dma_wait3A_74 : memref<1x64x10000xf32, #tpu.memory_space<hbm>> -> memref<64x10000xf32, #tpu.memory_space<hbm>>
      %dma_wait3A_76 = arith.constant 0 : i32
      %dma_wait3A_77 = tpu.memref_slice %dma_wait3A_75[%mul3A_54, %dma_wait3A_76] : memref<64x10000xf32, #tpu.memory_space<hbm>> -> memref<4x10000xf32, #tpu.memory_space<hbm>>
      tpu.wait_dma2 semaphore(%run_scoped3A : memref<!tpu.dma_semaphore, #tpu.memory_space<semaphore_mem>>) src(%arg7 : memref<4x10000xf32, #tpu.memory_space<vmem>>) dst(%dma_wait3A_77 : memref<4x10000xf32, #tpu.memory_space<hbm>>)
      tpu.yield
    }) : () -> ()
    return
  }
}

module attributes {stable_mosaic.version = 14 : i64} {
  func.func @_head_body(%arg0: memref<10000x128xf32, #tpu.memory_space<vmem>>, %arg1: memref<128x64xf32, #tpu.memory_space<vmem>>, %arg2: memref<128x64xf32, #tpu.memory_space<vmem>>, %arg3: memref<64xf32, #tpu.memory_space<vmem>>, %arg4: memref<64x10000xf32, #tpu.memory_space<vmem>>, %arg5: memref<64x10000xf32, #tpu.memory_space<vmem>>) attributes {dimension_semantics = [], scalar_prefetch = 0 : i64, scratch_operands = 0 : i64, tpu.core_type = #tpu.core_type<tc>} {
    %get3A = arith.constant 0 : index
    %get3A_0 = arith.constant 0 : index
    %get3A_1 = vector.load %arg0[%get3A, %get3A_0] : memref<10000x128xf32, #tpu.memory_space<vmem>>, vector<10000x128xf32>
    %get3A_2 = arith.constant 0 : index
    %get3A_3 = arith.constant 0 : index
    %get3A_4 = vector.load %arg1[%get3A_2, %get3A_3] : memref<128x64xf32, #tpu.memory_space<vmem>>, vector<128x64xf32>
    %dot_general3A = arith.constant dense<0.000000e+00> : vector<64x10000xf32>
    %dot_general3A_5 = tpu.matmul %get3A_4, %get3A_1, %dot_general3A {dimension_numbers = #tpu.dot_dimension_numbers<[0], [1], [1], [0], [0, 1, 1, 0], [], []>, transpose_lhs_hint = false} : vector<128x64xf32>, vector<10000x128xf32>, vector<64x10000xf32> -> vector<64x10000xf32>
    %swap3A = arith.constant 0 : index
    %swap3A_6 = arith.constant 0 : index
    %swap3A_7 = vector.load %arg4[%swap3A, %swap3A_6] : memref<64x10000xf32, #tpu.memory_space<vmem>>, vector<64x10000xf32>
    tpu.vector_store %arg4[%swap3A, %swap3A_6], %dot_general3A_5 {strides = array<i32>} : memref<64x10000xf32, #tpu.memory_space<vmem>>, vector<64x10000xf32>,
    %get3A_8 = arith.constant 0 : index
    %get3A_9 = arith.constant 0 : index
    %get3A_10 = vector.load %arg2[%get3A_8, %get3A_9] : memref<128x64xf32, #tpu.memory_space<vmem>>, vector<128x64xf32>
    %dot_general3A_11 = arith.constant dense<0.000000e+00> : vector<64x10000xf32>
    %dot_general3A_12 = tpu.matmul %get3A_10, %get3A_1, %dot_general3A_11 {dimension_numbers = #tpu.dot_dimension_numbers<[0], [1], [1], [0], [0, 1, 1, 0], [], []>, transpose_lhs_hint = false} : vector<128x64xf32>, vector<10000x128xf32>, vector<64x10000xf32> -> vector<64x10000xf32>
    %get3A_13 = arith.constant 0 : index
    %get3A_14 = vector.load %arg3[%get3A_13] : memref<64xf32, #tpu.memory_space<vmem>>, vector<64xf32>
    %broadcast_in_dim3A = vector.shape_cast %get3A_14 : vector<64xf32> to vector<64x1xf32>
    %add3A = vector.broadcast %broadcast_in_dim3A : vector<64x1xf32> to vector<64x10000xf32>
    %add3A_15 = arith.addf %dot_general3A_12, %add3A : vector<64x10000xf32>
    %max3A = arith.constant 0.000000e+00 : f32
    %max3A_16 = vector.broadcast %max3A : f32 to vector<64x10000xf32>
    %max3A_17 = arith.maximumf %add3A_15, %max3A_16 : vector<64x10000xf32>
    %swap3A_18 = arith.constant 0 : index
    %swap3A_19 = arith.constant 0 : index
    %swap3A_20 = vector.load %arg5[%swap3A_18, %swap3A_19] : memref<64x10000xf32, #tpu.memory_space<vmem>>, vector<64x10000xf32>
    tpu.vector_store %arg5[%swap3A_18, %swap3A_19], %max3A_17 {strides = array<i32>} : memref<64x10000xf32, #tpu.memory_space<vmem>>, vector<64x10000xf32>,
    return
  }
}

module attributes {stable_mosaic.version = 14 : i64} {
  func.func @_mid_body(%arg0: memref<2x64x10000xf32, #tpu.memory_space<vmem>>, %arg1: memref<64x10000xf32, #tpu.memory_space<vmem>>, %arg2: memref<64xf32, #tpu.memory_space<vmem>>, %arg3: memref<64xf32, #tpu.memory_space<vmem>>, %arg4: memref<64xf32, #tpu.memory_space<vmem>>, %arg5: memref<64x64xf32, #tpu.memory_space<vmem>>, %arg6: memref<64x64xf32, #tpu.memory_space<vmem>>, %arg7: memref<64xf32, #tpu.memory_space<vmem>>, %arg8: memref<64x10000xf32, #tpu.memory_space<vmem>>, %arg9: memref<64x10000xf32, #tpu.memory_space<vmem>>) attributes {dimension_semantics = [], scalar_prefetch = 0 : i64, scratch_operands = 0 : i64, tpu.core_type = #tpu.core_type<tc>} {
    %get3A = arith.constant 0 : index
    %get3A_0 = arith.constant 0 : index
    %get3A_1 = arith.constant 0 : index
    %get3A_2 = vector.load %arg0[%get3A, %get3A_0, %get3A_1] : memref<2x64x10000xf32, #tpu.memory_space<vmem>>, vector<1x64x10000xf32>
    %get3A_3 = vector.shape_cast %get3A_2 : vector<1x64x10000xf32> to vector<64x10000xf32>
    %get3A_4 = arith.constant 1 : index
    %get3A_5 = arith.constant 0 : index
    %get3A_6 = arith.constant 0 : index
    %get3A_7 = vector.load %arg0[%get3A_4, %get3A_5, %get3A_6] : memref<2x64x10000xf32, #tpu.memory_space<vmem>>, vector<1x64x10000xf32>
    %get3A_8 = vector.shape_cast %get3A_7 : vector<1x64x10000xf32> to vector<64x10000xf32>
    %add3A = arith.addf %get3A_3, %get3A_8 : vector<64x10000xf32>
    %get3A_9 = arith.constant 0 : index
    %get3A_10 = vector.load %arg2[%get3A_9] : memref<64xf32, #tpu.memory_space<vmem>>, vector<64xf32>
    %broadcast_in_dim3A = vector.shape_cast %get3A_10 : vector<64xf32> to vector<64x1xf32>
    %add3A_11 = vector.broadcast %broadcast_in_dim3A : vector<64x1xf32> to vector<64x10000xf32>
    %add3A_12 = arith.addf %add3A, %add3A_11 : vector<64x10000xf32>
    %max3A = arith.constant 0.000000e+00 : f32
    %max3A_13 = vector.broadcast %max3A : f32 to vector<64x10000xf32>
    %max3A_14 = arith.maximumf %add3A_12, %max3A_13 : vector<64x10000xf32>
    %get3A_15 = arith.constant 0 : index
    %get3A_16 = arith.constant 0 : index
    %get3A_17 = vector.load %arg1[%get3A_15, %get3A_16] : memref<64x10000xf32, #tpu.memory_space<vmem>>, vector<64x10000xf32>
    %add3A_18 = arith.addf %max3A_14, %get3A_17 : vector<64x10000xf32>
    %reduce_sum3A = arith.constant dense<0.000000e+00> : vector<64xf32>
    %reduce_sum3A_19 = vector.multi_reduction <add>, %add3A_18, %reduce_sum3A [1] : vector<64x10000xf32> to vector<64xf32>
    %broadcast_in_dim3A_20 = vector.shape_cast %reduce_sum3A_19 : vector<64xf32> to vector<64x1xf32>
    %div3A = arith.constant 1.000000e+04 : f32
    %div3A_21 = vector.broadcast %div3A : f32 to vector<64x1xf32>
    %div3A_22 = arith.divf %broadcast_in_dim3A_20, %div3A_21 : vector<64x1xf32>
    %sub3A = vector.broadcast %div3A_22 : vector<64x1xf32> to vector<64x10000xf32>
    %sub3A_23 = arith.subf %add3A_18, %sub3A : vector<64x10000xf32>
    %integer_pow3A = arith.mulf %sub3A_23, %sub3A_23 : vector<64x10000xf32>
    %reduce_sum3A_24 = arith.constant dense<0.000000e+00> : vector<64xf32>
    %reduce_sum3A_25 = vector.multi_reduction <add>, %integer_pow3A, %reduce_sum3A_24 [1] : vector<64x10000xf32> to vector<64xf32>
    %broadcast_in_dim3A_26 = vector.shape_cast %reduce_sum3A_25 : vector<64xf32> to vector<64x1xf32>
    %div3A_27 = arith.constant 1.000000e+04 : f32
    %div3A_28 = vector.broadcast %div3A_27 : f32 to vector<64x1xf32>
    %div3A_29 = arith.divf %broadcast_in_dim3A_26, %div3A_28 : vector<64x1xf32>
    %sub3A_30 = vector.broadcast %div3A_22 : vector<64x1xf32> to vector<64x10000xf32>
    %sub3A_31 = arith.subf %add3A_18, %sub3A_30 : vector<64x10000xf32>
    %add3A_32 = arith.constant 9.99999974E-6 : f32
    %add3A_33 = vector.broadcast %add3A_32 : f32 to vector<64x1xf32>
    %add3A_34 = arith.addf %div3A_29, %add3A_33 : vector<64x1xf32>
    %rsqrt3A = math.rsqrt %add3A_34 : vector<64x1xf32>
    %mul3A = vector.broadcast %rsqrt3A : vector<64x1xf32> to vector<64x10000xf32>
    %mul3A_35 = arith.mulf %sub3A_31, %mul3A : vector<64x10000xf32>
    %get3A_36 = arith.constant 0 : index
    %get3A_37 = vector.load %arg3[%get3A_36] : memref<64xf32, #tpu.memory_space<vmem>>, vector<64xf32>
    %broadcast_in_dim3A_38 = vector.shape_cast %get3A_37 : vector<64xf32> to vector<64x1xf32>
    %mul3A_39 = vector.broadcast %broadcast_in_dim3A_38 : vector<64x1xf32> to vector<64x10000xf32>
    %mul3A_40 = arith.mulf %mul3A_35, %mul3A_39 : vector<64x10000xf32>
    %get3A_41 = arith.constant 0 : index
    %get3A_42 = vector.load %arg4[%get3A_41] : memref<64xf32, #tpu.memory_space<vmem>>, vector<64xf32>
    %broadcast_in_dim3A_43 = vector.shape_cast %get3A_42 : vector<64xf32> to vector<64x1xf32>
    %add3A_44 = vector.broadcast %broadcast_in_dim3A_43 : vector<64x1xf32> to vector<64x10000xf32>
    %add3A_45 = arith.addf %mul3A_40, %add3A_44 : vector<64x10000xf32>
    %get3A_46 = arith.constant 0 : index
    %get3A_47 = arith.constant 0 : index
    %get3A_48 = vector.load %arg5[%get3A_46, %get3A_47] : memref<64x64xf32, #tpu.memory_space<vmem>>, vector<64x64xf32>
    %dot_general3A = arith.constant dense<0.000000e+00> : vector<64x10000xf32>
    %dot_general3A_49 = tpu.matmul %get3A_48, %add3A_45, %dot_general3A {dimension_numbers = #tpu.dot_dimension_numbers<[0], [0], [1], [1], [0, 1, 1, 1], [], []>, transpose_lhs_hint = false} : vector<64x64xf32>, vector<64x10000xf32>, vector<64x10000xf32> -> vector<64x10000xf32>
    %swap3A = arith.constant 0 : index
    %swap3A_50 = arith.constant 0 : index
    %swap3A_51 = vector.load %arg8[%swap3A, %swap3A_50] : memref<64x10000xf32, #tpu.memory_space<vmem>>, vector<64x10000xf32>
    tpu.vector_store %arg8[%swap3A, %swap3A_50], %dot_general3A_49 {strides = array<i32>} : memref<64x10000xf32, #tpu.memory_space<vmem>>, vector<64x10000xf32>,
    %get3A_52 = arith.constant 0 : index
    %get3A_53 = arith.constant 0 : index
    %get3A_54 = vector.load %arg6[%get3A_52, %get3A_53] : memref<64x64xf32, #tpu.memory_space<vmem>>, vector<64x64xf32>
    %dot_general3A_55 = arith.constant dense<0.000000e+00> : vector<64x10000xf32>
    %dot_general3A_56 = tpu.matmul %get3A_54, %add3A_45, %dot_general3A_55 {dimension_numbers = #tpu.dot_dimension_numbers<[0], [0], [1], [1], [0, 1, 1, 1], [], []>, transpose_lhs_hint = false} : vector<64x64xf32>, vector<64x10000xf32>, vector<64x10000xf32> -> vector<64x10000xf32>
    %get3A_57 = arith.constant 0 : index
    %get3A_58 = vector.load %arg7[%get3A_57] : memref<64xf32, #tpu.memory_space<vmem>>, vector<64xf32>
    %broadcast_in_dim3A_59 = vector.shape_cast %get3A_58 : vector<64xf32> to vector<64x1xf32>
    %add3A_60 = vector.broadcast %broadcast_in_dim3A_59 : vector<64x1xf32> to vector<64x10000xf32>
    %add3A_61 = arith.addf %dot_general3A_56, %add3A_60 : vector<64x10000xf32>
    %max3A_62 = arith.constant 0.000000e+00 : f32
    %max3A_63 = vector.broadcast %max3A_62 : f32 to vector<64x10000xf32>
    %max3A_64 = arith.maximumf %add3A_61, %max3A_63 : vector<64x10000xf32>
    %swap3A_65 = arith.constant 0 : index
    %swap3A_66 = arith.constant 0 : index
    %swap3A_67 = vector.load %arg9[%swap3A_65, %swap3A_66] : memref<64x10000xf32, #tpu.memory_space<vmem>>, vector<64x10000xf32>
    tpu.vector_store %arg9[%swap3A_65, %swap3A_66], %max3A_64 {strides = array<i32>} : memref<64x10000xf32, #tpu.memory_space<vmem>>, vector<64x10000xf32>,
    return
  }
}

module attributes {stable_mosaic.version = 14 : i64} {
  func.func @_tail_body(%arg0: memref<2x64x10000xf32, #tpu.memory_space<vmem>>, %arg1: memref<64x10000xf32, #tpu.memory_space<vmem>>, %arg2: memref<64xf32, #tpu.memory_space<vmem>>, %arg3: memref<64xf32, #tpu.memory_space<vmem>>, %arg4: memref<64xf32, #tpu.memory_space<vmem>>, %arg5: memref<64x10000xf32, #tpu.memory_space<vmem>>) attributes {dimension_semantics = [], scalar_prefetch = 0 : i64, scratch_operands = 0 : i64, tpu.core_type = #tpu.core_type<tc>} {
    %get3A = arith.constant 0 : index
    %get3A_0 = arith.constant 0 : index
    %get3A_1 = arith.constant 0 : index
    %get3A_2 = vector.load %arg0[%get3A, %get3A_0, %get3A_1] : memref<2x64x10000xf32, #tpu.memory_space<vmem>>, vector<1x64x10000xf32>
    %get3A_3 = vector.shape_cast %get3A_2 : vector<1x64x10000xf32> to vector<64x10000xf32>
    %get3A_4 = arith.constant 1 : index
    %get3A_5 = arith.constant 0 : index
    %get3A_6 = arith.constant 0 : index
    %get3A_7 = vector.load %arg0[%get3A_4, %get3A_5, %get3A_6] : memref<2x64x10000xf32, #tpu.memory_space<vmem>>, vector<1x64x10000xf32>
    %get3A_8 = vector.shape_cast %get3A_7 : vector<1x64x10000xf32> to vector<64x10000xf32>
    %add3A = arith.addf %get3A_3, %get3A_8 : vector<64x10000xf32>
    %get3A_9 = arith.constant 0 : index
    %get3A_10 = vector.load %arg2[%get3A_9] : memref<64xf32, #tpu.memory_space<vmem>>, vector<64xf32>
    %broadcast_in_dim3A = vector.shape_cast %get3A_10 : vector<64xf32> to vector<64x1xf32>
    %add3A_11 = vector.broadcast %broadcast_in_dim3A : vector<64x1xf32> to vector<64x10000xf32>
    %add3A_12 = arith.addf %add3A, %add3A_11 : vector<64x10000xf32>
    %max3A = arith.constant 0.000000e+00 : f32
    %max3A_13 = vector.broadcast %max3A : f32 to vector<64x10000xf32>
    %max3A_14 = arith.maximumf %add3A_12, %max3A_13 : vector<64x10000xf32>
    %get3A_15 = arith.constant 0 : index
    %get3A_16 = arith.constant 0 : index
    %get3A_17 = vector.load %arg1[%get3A_15, %get3A_16] : memref<64x10000xf32, #tpu.memory_space<vmem>>, vector<64x10000xf32>
    %add3A_18 = arith.addf %max3A_14, %get3A_17 : vector<64x10000xf32>
    %reduce_sum3A = arith.constant dense<0.000000e+00> : vector<64xf32>
    %reduce_sum3A_19 = vector.multi_reduction <add>, %add3A_18, %reduce_sum3A [1] : vector<64x10000xf32> to vector<64xf32>
    %broadcast_in_dim3A_20 = vector.shape_cast %reduce_sum3A_19 : vector<64xf32> to vector<64x1xf32>
    %div3A = arith.constant 1.000000e+04 : f32
    %div3A_21 = vector.broadcast %div3A : f32 to vector<64x1xf32>
    %div3A_22 = arith.divf %broadcast_in_dim3A_20, %div3A_21 : vector<64x1xf32>
    %sub3A = vector.broadcast %div3A_22 : vector<64x1xf32> to vector<64x10000xf32>
    %sub3A_23 = arith.subf %add3A_18, %sub3A : vector<64x10000xf32>
    %integer_pow3A = arith.mulf %sub3A_23, %sub3A_23 : vector<64x10000xf32>
    %reduce_sum3A_24 = arith.constant dense<0.000000e+00> : vector<64xf32>
    %reduce_sum3A_25 = vector.multi_reduction <add>, %integer_pow3A, %reduce_sum3A_24 [1] : vector<64x10000xf32> to vector<64xf32>
    %broadcast_in_dim3A_26 = vector.shape_cast %reduce_sum3A_25 : vector<64xf32> to vector<64x1xf32>
    %div3A_27 = arith.constant 1.000000e+04 : f32
    %div3A_28 = vector.broadcast %div3A_27 : f32 to vector<64x1xf32>
    %div3A_29 = arith.divf %broadcast_in_dim3A_26, %div3A_28 : vector<64x1xf32>
    %sub3A_30 = vector.broadcast %div3A_22 : vector<64x1xf32> to vector<64x10000xf32>
    %sub3A_31 = arith.subf %add3A_18, %sub3A_30 : vector<64x10000xf32>
    %add3A_32 = arith.constant 9.99999974E-6 : f32
    %add3A_33 = vector.broadcast %add3A_32 : f32 to vector<64x1xf32>
    %add3A_34 = arith.addf %div3A_29, %add3A_33 : vector<64x1xf32>
    %rsqrt3A = math.rsqrt %add3A_34 : vector<64x1xf32>
    %mul3A = vector.broadcast %rsqrt3A : vector<64x1xf32> to vector<64x10000xf32>
    %mul3A_35 = arith.mulf %sub3A_31, %mul3A : vector<64x10000xf32>
    %get3A_36 = arith.constant 0 : index
    %get3A_37 = vector.load %arg3[%get3A_36] : memref<64xf32, #tpu.memory_space<vmem>>, vector<64xf32>
    %broadcast_in_dim3A_38 = vector.shape_cast %get3A_37 : vector<64xf32> to vector<64x1xf32>
    %mul3A_39 = vector.broadcast %broadcast_in_dim3A_38 : vector<64x1xf32> to vector<64x10000xf32>
    %mul3A_40 = arith.mulf %mul3A_35, %mul3A_39 : vector<64x10000xf32>
    %get3A_41 = arith.constant 0 : index
    %get3A_42 = vector.load %arg4[%get3A_41] : memref<64xf32, #tpu.memory_space<vmem>>, vector<64xf32>
    %broadcast_in_dim3A_43 = vector.shape_cast %get3A_42 : vector<64xf32> to vector<64x1xf32>
    %add3A_44 = vector.broadcast %broadcast_in_dim3A_43 : vector<64x1xf32> to vector<64x10000xf32>
    %add3A_45 = arith.addf %mul3A_40, %add3A_44 : vector<64x10000xf32>
    %swap3A = arith.constant 0 : index
    %swap3A_46 = arith.constant 0 : index
    %swap3A_47 = vector.load %arg5[%swap3A, %swap3A_46] : memref<64x10000xf32, #tpu.memory_space<vmem>>, vector<64x10000xf32>
    tpu.vector_store %arg5[%swap3A, %swap3A_46], %add3A_45 {strides = array<i32>} : memref<64x10000xf32, #tpu.memory_space<vmem>>, vector<64x10000xf32>,
    return
  }
}

</mosaic_0001>

<sc_bundles>
// kernel: kernel.10.cloned.1.call-start
scs
__scs_entry_jumppad:
0x0: {  	(pc) =	sbr.rel $0x88, $3  }
0x1: {  	(tag) =	ssettag $0x0;
	lr =	simm.s32 $0x1  }
0x2: {  	[smem:$0x3F93] =	sst lr;
	_ =	strace $0xD0000000  }
0x3: {  	_ = 	snop  }
0x4: {  	_ = 	snop  }
0x5: {  	_ = 	snop  }
0x6: {  	_ = 	snop  }
0x7: {  	_ = 	snop  }
__scs_overlays_trampoline_lowered:
0x8: {  	[smem:$0x3FA2] =	sst s0  }
0x9: {  	[smem:$0x3FA3] =	sst s1  }
0xa: {  	[smem:$0x3FA4] =	sst s2  }
0xb: {  	[smem:$0x3FA5] =	sst s3  }
0xc: {  	[smem:$0x3FA6] =	sst s4  }
0xd: {  	[smem:$0x3FA7] =	sst s5  }
0xe: {  	[smem:$0x3FA8] =	sst s6  }
0xf: {  	[smem:$0x3FA9] =	sst s7  }
0x10: {  	[smem:$0x3FAA] =	sst s8  }
0x11: {  	[smem:$0x3FAB] =	sst s9;
	s0 =	simm.s32 @!p0 $0x0  }
0x12: {  	s1 =	sld [smem:$0x3F91];
	s0 =	simm.s32 @p0 $0x1  }
0x13: {  	[smem:$0x3FAC] =	sst s0;
	s0 =	simm.s32 @!p1 $0x0  }
0x14: {  	s2 =	sld [smem:$0x3F90];
	s0 =	simm.s32 @p1 $0x1  }
0x15: {  	[smem:$0x3FAD] =	sst s0;
	s0 =	simm.s32 @!p2 $0x0  }
0x16: {  	s3 =	sld [smem:$0x3FDB];
	s0 =	simm.s32 @p2 $0x1  }
0x17: {  	s4 =	simm.s32 $0x1BF5;
	[smem:$0x3FAF] =	sst s0  }
0x18: {  	s0 =	sld [smem:$0x3F92];
	_ =	swait.ge [sflag:s4], $0x0  }
0x19: {  	s7 =	sld [smem:$0x3F93]  }
0x1a: {  	s8 =	sadd.s32 $0xFFFFE003, lr  }
0x1b: {  	s9 =	sadd.s32 $0xFFFFFEF7, lr;
	s5 =	simm.s32 $0xFFFFFFFF;
	p2 =	slt.u32 s8, $0xFFFFF086  }
0x1c: {  	p1 =	slt.u32 s9, $0xF7A;
	s5 =	simm.s32 @!p2 $0x0  }
0x1d: {  	s5 =	simm.s32 @p1 $0x1;
	p0 =	seq.s32 s7, s2  }
0x1e: {  	s7 =	smul.u32 @!p0 $0xF7A, s2;
	p2 =	seq.s32 @!p0 s5, $0x0  }
0x1f: {  	s9 =	smul.u32 $0xF7A, s1;
	s8 =	simm.s32 @!p0 $0x1BF5;
	p2 =	por !p2, p0  }
0x20: {  	[sflag:s8] =	ssyncset.s32 @!p0 $0xFFFFF086;
	s6 =	sadd.s32 @!p0 s3, s7;
	s7 =	simm.s32 @!p0 $0x108  }
0x21: {  	s3 =	sadd.s32 s3, s9;
	s6 =	sadd.s32 @!p0 $0x88, s6;
	s7 =	simm.s32 @p2 $0x1082  }
0x22: {  	[simem:s7], [sflag:s8] =	dma.local @!p0 [hbm:s6], $0xF7A  }
0x23: {  	s9 =	sor.u32 $0xD0000000, s2;
	s6 =	simm.s32 $0x108;
	_ =	swait.ge @!p0 [sflag:s8], $0x0  }
0x24: {  	s3 =	sadd.s32 $0x88, s3;
	s6 =	simm.s32 @!p1 $0x1082;
	[sflag:s4] =	ssyncset.s32 $0xFFFFF086  }
0x25: {  	[simem:s6], [sflag:s4] =	dma.local [hbm:s3], $0xF7A  }
0x26: {  	[smem:$0x3F93] =	sst s1;
	(tag) =	ssettag s2;
	_ =	strace s9  }
0x27: {  	s1 =	sld [smem:$0x3FA3]  }
0x28: {  	s2 =	sld [smem:$0x3FA4]  }
0x29: {  	s4 =	sld [smem:$0x3FA6]  }
0x2a: {  	p0 =	seq.s32 s5, $0x0;
	s5 =	sld [smem:$0x3FA7]  }
0x2b: {  	s6 =	sld [smem:$0x3FA8]  }
0x2c: {  	s7 =	sld [smem:$0x3FA9]  }
0x2d: {  	s3 =	simm.s32 $0x108;
	s8 =	sld [smem:$0x3FAA]  }
0x2e: {  	s3 =	simm.s32 @!p0 $0x1082;
	s9 =	sld [smem:$0x3FAB]  }
0x2f: {  	lr =	sadd.s32 s0, s3;
	s0 =	sld [smem:$0x3FA2]  }
0x30: {  	s3 =	sld [smem:$0x3FA5]  }
0x31: {  	[smem:$0x3FAE] =	sst s10  }
0x32: {  	s10 =	sld [smem:$0x3FAC];
	_ =	sdelay $0x3  }
0x33: {  	p0 =	seq.s32 s10, $0x1;
	s10 =	sld [smem:$0x3FAE];
	_ =	sdelay $0x3  }
0x34: {  	[smem:$0x3FAE] =	sst s10  }
0x35: {  	s10 =	sld [smem:$0x3FAD];
	_ =	sdelay $0x3  }
0x36: {  	p1 =	seq.s32 s10, $0x1;
	s10 =	sld [smem:$0x3FAE];
	_ =	sdelay $0x3  }
0x37: {  	[smem:$0x3FAE] =	sst s10  }
0x38: {  	s10 =	sld [smem:$0x3FAF]  }
0x39: {  	_ = 	snop;
	(pc) =	sbr.ind lr, $3  }
0x3a: {  	_ = 	snop  }
0x3b: {  	_ = 	snop  }
0x3c: {  	p2 =	seq.s32 s10, $0x1;
	s10 =	sld [smem:$0x3FAE]  }
0x3d: {  	_ =	shalt  }
0x3e: {  	_ =	shalt  }
0x3f: {  	_ =	shalt  }
0x40: {  	_ =	shalt  }
0x41: {  	_ =	shalt  }
0x42: {  	_ =	shalt  }
0x43: {  	_ =	shalt  }
0x44: {  	_ =	shalt  }
0x45: {  	_ =	shalt  }
0x46: {  	_ =	shalt  }
0x47: {  	_ =	shalt  }
0x48: {  	_ =	shalt  }
0x49: {  	_ =	shalt  }
0x4a: {  	_ =	shalt  }
0x4b: {  	_ =	shalt  }
0x4c: {  	_ =	shalt  }
0x4d: {  	_ =	shalt  }
0x4e: {  	_ =	shalt  }
0x4f: {  	_ =	shalt  }
0x50: {  	_ =	shalt  }
0x51: {  	_ =	shalt  }
0x52: {  	_ =	shalt  }
0x53: {  	_ =	shalt  }
0x54: {  	_ =	shalt  }
0x55: {  	_ =	shalt  }
0x56: {  	_ =	shalt  }
0x57: {  	_ =	shalt  }
0x58: {  	_ =	shalt  }
0x59: {  	_ =	shalt  }
0x5a: {  	_ =	shalt  }
0x5b: {  	_ =	shalt  }
0x5c: {  	_ =	shalt  }
0x5d: {  	_ =	shalt  }
0x5e: {  	_ =	shalt  }
0x5f: {  	_ =	shalt  }
0x60: {  	_ =	shalt  }
0x61: {  	_ =	shalt  }
0x62: {  	_ =	shalt  }
0x63: {  	_ =	shalt  }
0x64: {  	_ =	shalt  }
0x65: {  	_ =	shalt  }
0x66: {  	_ =	shalt  }
0x67: {  	_ =	shalt  }
0x68: {  	_ =	shalt  }
0x69: {  	_ =	shalt  }
0x6a: {  	_ =	shalt  }
0x6b: {  	_ =	shalt  }
0x6c: {  	_ =	shalt  }
0x6d: {  	_ =	shalt  }
0x6e: {  	_ =	shalt  }
0x6f: {  	_ =	shalt  }
0x70: {  	_ =	shalt  }
0x71: {  	_ =	shalt  }
0x72: {  	_ =	shalt  }
0x73: {  	_ =	shalt  }
0x74: {  	_ =	shalt  }
0x75: {  	_ =	shalt  }
0x76: {  	_ =	shalt  }
0x77: {  	_ =	shalt  }
0x78: {  	_ =	shalt  }
0x79: {  	_ =	shalt  }
0x7a: {  	_ =	shalt  }
0x7b: {  	_ =	shalt  }
0x7c: {  	_ =	shalt  }
0x7d: {  	_ =	shalt  }
0x7e: {  	_ =	shalt  }
0x7f: {  	_ =	shalt  }
0x80: {  	_ =	shalt  }
0x81: {  	_ =	shalt  }
0x82: {  	_ =	shalt  }
0x83: {  	_ =	shalt  }
0x84: {  	_ =	shalt  }
0x85: {  	_ =	shalt  }
0x86: {  	_ =	shalt  }
0x87: {  	_ =	shalt  }
.Lfunc_end0:
.L_simem_size_0:
called_computation.1_lowered:
.L_overlay_start_0:
0x88: {  	s2 =	sld [smem:$0x3FD9]  }
0x89: {  	s3 =	sld [smem:$0x3FFE];
	_ =	sdelay $0x1  }
0x8a: {  	s1 =	srdreg.scid  }
0x8b: {  	s0 =	sand.u32 $0x1, s1  }
0x8c: {  	s17 =	sshll.u32 s0, $0xA;
	s2 =	sadd.s32 s3, s2  }
0x8d: {  	s2 =	sadd.s32 s2, s17  }
0x8e: {  	[smem:$0x3FBA] =	sst s2  }
0x8f: {  	_ = 	snop  }
0x90: {  	s2 =	sld [smem:$0x3FD0];
	(tm) =	ssettm $0x1  }
0x91: {  	s18 =	sld [smem:$0x3FFB];
	_ =	sdelay $0x3  }
0x92: {  	_ =	strace s18  }
0x93: {  	s3 =	sld [smem:$0x3FFC];
	_ =	sdelay $0x3  }
0x94: {  	_ =	strace s3  }
0x95: {  	s3 =	sld [smem:$0x3FFD];
	_ =	sdelay $0x3  }
0x96: {  	_ =	strace s3  }
0x97: {  	_ =	strace $0x8FFFFFFF  }
0x98: {  	s19 =	sld [smem:$0x3FDB];
	_ =	sdelay $0x1  }
0x99: {  	s4 =	simm.s32 $_scs_section_size  }
0x9a: {  	s5 =	simm.s32 $_size__tile_overlayer_lowered;
	s6 =	simm.s32 $_tile_overlayer_lowered  }
0x9b: {  	s22 =	simm.s32 $0x1BFF;
	s21 =	sshll.u32 s6, $0x1;
	s3 =	sadd.s32 s4, s19  }
0x9c: {  	s7 =	simm.s32 $0x0;
	s20 =	sshll.u32 s5, $0x1;
	s5 =	sadd.s32 s21, s3  }
0x9d: {  	[timem:s7], [sflag:s22] =	dma.local [hbm:s5], s20  }
0x9e: {  	_ =	swait.ge [sflag:s22], s20  }
0x9f: {  	s4 =	ssub.s32 $0x0, s20;
	[sflag:s22] =	ssyncset.done $0x0  }
0xa0: {  	[sflag:s22] =	ssyncadd.s32 s4;
	_ =	sdelay $0x1  }
0xa1: {  	s23 =	simm.s32 $0x1B8B  }
0xa2: {  	_ =	swait.ge [sflag:s23], $0x1  }
0xa3: {  	[sflag:s23] =	ssyncset.done $0x0  }
0xa4: {  	s25 =	simm.s32 $0x1B8E;
	s24 =	sld [smem:$0x3FFE];
	[sflag:s23] =	ssyncadd.s32 $0xFFFFFFFF  }
0xa5: {  	s26 =	simm.s32 $execute0_lowered;
	[smem:$0x3FD2] =	sst s25  }
0xa6: {  	s5 =	sshll.u32 s26, $0x1;
	_ =	strace $0x80000049;
	[dreg:$0x1] =	wrdreg $0xFFFFFFFF  }
0xa7: {  	s28 =	simm.s32 $_size_execute0_lowered;
	s3 =	sadd.s32 s3, s5;
	[dreg:$0x0] =	wrdreg $0x0  }
0xa8: {  	s5 =	sshll.u32 s28, $0x1;
	[dreg:$0x2] =	wrdreg s3  }
0xa9: {  	[dreg:$0x3] =	wrdreg s5  }
0xaa: {  	[dreg:$0x4] =	wrdreg $0xC0  }
0xab: {  	_ =	task [dreg:s7], $0x5FFFF  }
0xac: {  	[dreg:$0x1] =	wrdreg $0xFFFFFFFF  }
0xad: {  	[dreg:$0x0] =	wrdreg $0x60  }
0xae: {  	[dreg:$0x2] =	wrdreg s2  }
0xaf: {  	[dreg:$0x3] =	wrdreg s24  }
0xb0: {  	[dreg:$0x4] =	wrdreg $0x9  }
0xb1: {  	_ =	task.clear_ibuf [dreg:s7], $0x5FFFF;
	_ =	strace $0x90000049  }
0xb2: {  	s29 =	simm.s32 $0x9;
	_ =	strace $0x8000004B  }
0xb3: {  	_ =	swait.ge [sflag:s29], $0x1  }
0xb4: {  	[sflag:s29] =	ssyncadd.s32 $0xFFFFFFFF  }
0xb5: {  	_ =	strace $0x9000004B  }
0xb6: {  	_ =	sfence  }
0xb7: {  	s30 =	sld [smem:$0x0];
	_ =	sdelay $0x2  }
0xb8: {  	s31 =	sshll.u32 s1, $0xD;
	s1 =	sshrl.u32 s1, $0x2  }
0xb9: {  	s3 =	sand.u32 $0x4000, s31;
	s1 =	sadd.s32 s1, s30  }
0xba: {  	s0 =	sor.u32 s3, s0;
	s1 =	sshll.u32 s1, $0x11  }
0xbb: {  	s0 =	sor.u32 s1, s0  }
0xbc: {  	s0 =	sadd.s32 $0x8F2B, s0  }
0xbd: {  	[sflag:s0] =	ssyncadd.remote.s32 $0x1  }
0xbe: {  	_ =	sfence.sel $0xFFFF  }
0xbf: {  	[dreg:$0x0] =	wrdreg $0xFFFFFFFF;
	(pc) =	sbr.abs _section_cstart, $3  }
0xc0: {  	[dreg:$0x1] =	wrdreg $0xFFFFFFFF  }
0xc1: {  	_ =	task.clear_ibuf [dreg:s7], $0x2FFFF;
	_ =	strace $0x9FFFFFFF  }
0xc2: {  	(tm) =	ssettm $0x7FFFFFFF  }
0xc3: {  	_ =	shalt  }
tec
execute0_lowered:
.L_overlay_start_1:
0x0: {  	(tag) =	ssettag $0x1  }
0x1: {  	s5 =	rddreg [dreg:$0x0]  }
0x2: {  	s7 =	rddreg [dreg:$0x1]  }
0x3: {  	s0 =	rddreg [dreg:$0x2];
	s1 =	simm.s32 $0x0;
	s2 =	srdreg.scid  }
0x4: {  	s13 =	simm.s32 $0x9C40;
	s14 =	simm.s32 $0x13880;
	s16 =	simm.s32 $0x14820  }
0x5: {  	s17 =	simm.s32 $0x157C0;
	s19 =	simm.s32 $0x16760;
	s20 =	simm.s32 $0x1  }
0x6: {  	s21 =	simm.s32 $0x2;
	[smem:$0x7FF] =	sst s1;
	s4 =	sand.u32 $0x1, s2  }
0x7: {  	s3 =	sadd.s32 $0x2200, s7;
	s2 =	stileid.u32;
	s6 =	smul.u32 $0x13880, s4  }
0x8: {  	_ =	strace $0x8000004A;
	s8 =	ssub.s32 $0x2, s4;
	s10 =	smul.u32 $0x27100, s4  }
0x9: {  	s4 =	sadd.s32 $0x15C00, s7;
	s22 =	smul.u32 $0x1388, s2;
	s9 =	sshrl.u32 s8, $0x1  }
0xa: {  	s11 =	sadd.s32 s6, s7;
	s12 =	ssub.s32 s8, s9;
	s15 =	sshrl.u32 s10, $0x3  }
.Ltmp0:
0xb: {  	s5 =	sadd.s32 s5, s22;
	s7 =	sadd.s32 $0xBE40, s7;
	(pc) =	sbr.rel .LBB2_1-.Ltmp0, $4  }
0xc: {  	s9 =	sadd.s32 $0x1F40, s10;
	s10 =	sadd.s32 $0x2EE0, s10;
	s6 =	sadd.s32 s3, s15  }
0xd: {  	s18 =	sadd.s32 $0x1F4, s15;
	s23 =	sadd.s32 $0x17000, s11;
	s11 =	smax.u32 s12, $0x1  }
0xe: {  	s12 =	simm.s32 $0x3;
	s15 =	sadd.s32 s15, s7;
	s8 =	sadd.s32 s3, s18  }
0xf: {  	s18 =	sadd.s32 s18, s7;
	s22 =	sadd.s32 s22, s23;
	s23 =	simm.s32 $0x0  }
.LBB2_10:
0x10: {  	s23 =	sadd.s32 $0x1, s23  }
0x11: {  	p0 =	sne.s32 s23, s11  }
.Ltmp1:
0x12: {  	_ = 	snop;
	(pc) =	sbr.rel @!p0 .LBB2_11-.Ltmp1, $4  }
0x13: {  	[hbm4b:s22+s1] =	stream.linear.scatter [tilespmem:s13], [sflag:$0x3], $0x9C40, $0x38;
	[tilespmem:$0x17700] =	vst v63  }
0x14: {  	_ =	swait.ge [sflag:s12], $0x9C40  }
0x15: {  	[sflag:s12] =	ssyncset.done $0x0  }
0x16: {  	[sflag:s12] =	ssyncadd.s32 $0xFFFF63C0  }
.LBB2_1:
0x17: {  	[tilespmem:s1], [sflag:$0x3] =	stream.linear.gather [hbm4b:s5+s1], $0x9C40, $0x38;
	[tilespmem:$0x17700] =	vst v63  }
0x18: {  	_ =	swait.ge [sflag:s12], $0x9C40  }
0x19: {  	[sflag:s12] =	ssyncset.done $0x0  }
0x1a: {  	[sflag:s12] =	ssyncadd.s32 $0xFFFF63C0  }
0x1b: {  	[tilespmem:s13], [sflag:$0x3] =	stream.linear.gather [hbm4b:s4+s1], $0x9C40, $0x38;
	[tilespmem:$0x17700] =	vst v63  }
0x1c: {  	_ =	swait.ge [sflag:s12], $0x9C40  }
0x1d: {  	[sflag:s12] =	ssyncset.done $0x0  }
0x1e: {  	[sflag:s12] =	ssyncadd.s32 $0xFFFF63C0  }
0x1f: {  	[tilespmem:s14], [sflag:$0x1] =	stream.linear.gather [hbm4b:s6+s1], $0xFA0, $0x38;
	[tilespmem:$0x17700] =	vst v63  }
0x20: {  	_ = 	snop  }
0x21: {  	[tilespmem:s16], [sflag:$0x1] =	stream.linear.gather [hbm4b:s15+s1], $0xFA0, $0x38;
	[tilespmem:$0x17700] =	vst v63  }
0x22: {  	_ = 	snop  }
0x23: {  	[tilespmem:s17], [sflag:$0x2] =	stream.linear.gather [hbm4b:s8+s1], $0xFA0, $0x38;
	[tilespmem:$0x17700] =	vst v63  }
0x24: {  	s24 =	simm.s32 $0x0  }
0x25: {  	[tilespmem:s19], [sflag:$0x2] =	stream.linear.gather [hbm4b:s18+s1], $0xFA0, $0x38;
	[tilespmem:$0x17700] =	vst v63  }
.LBB2_2:
0x26: {  	_ =	swait.ge [sflag:s20], $0xFA0  }
0x27: {  	[sflag:s20] =	ssyncset.done $0x0  }
0x28: {  	[sflag:s20] =	ssyncadd.s32 $0xFFFFF060  }
0x29: {  	_ =	swait.ge [sflag:s20], $0xFA0  }
0x2a: {  	[sflag:s20] =	ssyncset.done $0x0  }
0x2b: {  	s28 =	simm.s32 $0x138E0;
	[sflag:s20] =	ssyncadd.s32 $0xFFFFF060  }
0x2c: {  	v10 =	vld [tilespmem:s28+$0x50]  }
0x2d: {  	v9 =	vld [tilespmem:s28+$0xFFFFFFB0]  }
0x2e: {  	v8 =	vld [tilespmem:s28+$0xFFFFFFC0]  }
0x2f: {  	v7 =	vld [tilespmem:s28+$0xFFFFFFD0]  }
0x30: {  	v5 =	vld [tilespmem:s28+$0xFFFFFFE0]  }
0x31: {  	s26 =	simm.s32 $0x14880;
	v6 =	vld [tilespmem:s28+$0xFFFFFFF0]  }
0x32: {  	v11 =	vld [tilespmem:s26+$0x50]  }
0x33: {  	v3 =	vld [tilespmem:s28+$0x0]  }
0x34: {  	v4 =	vld [tilespmem:s28+$0x10]  }
0x35: {  	v1 =	vld [tilespmem:s28+$0x20]  }
0x36: {  	v2 =	vld [tilespmem:s28+$0x30]  }
0x37: {  	v0 =	vld [tilespmem:s28+$0x40]  }
0x38: {  	v14 =	vld [tilespmem:s28+$0xFFFFFFA0]  }
0x39: {  	v24 =	vld [tilespmem:s26+$0xFFFFFFB0]  }
0x3a: {  	v26 =	vld [tilespmem:s26+$0xFFFFFFC0]  }
0x3b: {  	v27 =	vld [tilespmem:s26+$0xFFFFFFD0]  }
0x3c: {  	v28 =	vld [tilespmem:s26+$0xFFFFFFE0]  }
0x3d: {  	s25 =	simm.s32 $0x0;
	v29 =	vld [tilespmem:s26+$0xFFFFFFF0]  }
0x3e: {  	v12 =	vld.idx.msk [tilespmem:v10+s25+$0x0], $0xffff  }
0x3f: {  	v39 =	vld.idx.msk [tilespmem:v9+s25+$0x0], $0xffff  }
0x40: {  	v16 =	vld.idx.msk [tilespmem:v8+s25+$0x0], $0xffff  }
0x41: {  	v18 =	vld.idx.msk [tilespmem:v7+s25+$0x0], $0xffff  }
0x42: {  	v19 =	vld.idx.msk [tilespmem:v5+s25+$0x0], $0xffff  }
0x43: {  	v20 =	vld.idx.msk [tilespmem:v6+s25+$0x0], $0xffff  }
0x44: {  	v41 =	vld.idx.msk [tilespmem:v14+s25+$0x0], $0xffff  }
0x45: {  	v21 =	vld.idx.msk [tilespmem:v3+s25+$0x0], $0xffff  }
0x46: {  	v22 =	vld.idx.msk [tilespmem:v4+s25+$0x0], $0xffff  }
0x47: {  	v23 =	vld.idx.msk [tilespmem:v1+s25+$0x0], $0xffff  }
0x48: {  	v42 =	vld.idx.msk [tilespmem:v2+s25+$0x0], $0xffff  }
0x49: {  	v61 =	vld.idx.msk [tilespmem:v0+s25+$0x0], $0xffff  }
0x4a: {  	[tilespmem:v11+s13+$0x0] =	vst.idx.add.f32.msk $0xffff, v12  }
0x4b: {  	v13 =	vadd.s32 $0x2710, v10;
	[tilespmem:v24+s13+$0x0] =	vst.idx.add.f32.msk $0xffff, v39  }
0x4c: {  	v44 =	vadd.s32 $0x2710, v9;
	[tilespmem:v26+s13+$0x0] =	vst.idx.add.f32.msk $0xffff, v16  }
0x4d: {  	v46 =	vadd.s32 $0x2710, v7;
	[tilespmem:v27+s13+$0x0] =	vst.idx.add.f32.msk $0xffff, v18  }
0x4e: {  	[tilespmem:v28+s13+$0x0] =	vst.idx.add.f32.msk $0xffff, v19  }
0x4f: {  	[tilespmem:v29+s13+$0x0] =	vst.idx.add.f32.msk $0xffff, v20  }
0x50: {  	v15 =	vadd.s32 $0x2710, v11;
	v12 =	vld.idx.msk [tilespmem:v13+s25+$0x0], $0xffff  }
0x51: {  	v47 =	vadd.s32 $0x2710, v24;
	v13 =	vld.idx.msk [tilespmem:v44+s25+$0x0], $0xffff  }
0x52: {  	v49 =	vadd.s32 $0x2710, v27;
	v16 =	vld.idx.msk [tilespmem:v46+s25+$0x0], $0xffff  }
0x53: {  	v50 =	vadd.s32 $0x2710, v5;
	v18 =	vld [tilespmem:s26+$0x30]  }
0x54: {  	v17 =	vadd.s32 $0x4E20, v10;
	v19 =	vld [tilespmem:s26+$0x40]  }
0x55: {  	v45 =	vadd.s32 $0x2710, v8;
	[tilespmem:v15+s13+$0x0] =	vst.idx.add.f32.msk $0xffff, v12  }
0x56: {  	v32 =	vadd.s32 $0x4E20, v9;
	[tilespmem:v47+s13+$0x0] =	vst.idx.add.f32.msk $0xffff, v13  }
0x57: {  	v36 =	vadd.s32 $0x4E20, v7;
	[tilespmem:v49+s13+$0x0] =	vst.idx.add.f32.msk $0xffff, v16  }
0x58: {  	v13 =	vld.idx.msk [tilespmem:v50+s25+$0x0], $0xffff  }
0x59: {  	v12 =	vld.idx.msk [tilespmem:v17+s25+$0x0], $0xffff  }
0x5a: {  	v62 =	vadd.s32 $0x2710, v0;
	v17 =	vld.idx.msk [tilespmem:v45+s25+$0x0], $0xffff  }
0x5b: {  	v53 =	vadd.s32 $0x2710, v28;
	v20 =	vld.idx.msk [tilespmem:v32+s25+$0x0], $0xffff  }
0x5c: {  	v40 =	vadd.s32 $0x4E20, v11;
	v16 =	vld.idx.msk [tilespmem:v36+s25+$0x0], $0xffff  }
0x5d: {  	[tilespmem:v18+s13+$0x0] =	vst.idx.add.f32.msk $0xffff, v42  }
0x5e: {  	v48 =	vadd.s32 $0x2710, v26;
	[tilespmem:v19+s13+$0x0] =	vst.idx.add.f32.msk $0xffff, v61  }
0x5f: {  	v51 =	vadd.s32 $0x2710, v6;
	v15 =	vld.idx.msk [tilespmem:v62+s25+$0x0], $0xffff  }
0x60: {  	v37 =	vadd.s32 $0x4E20, v24;
	[tilespmem:v53+s13+$0x0] =	vst.idx.add.f32.msk $0xffff, v13  }
0x61: {  	v10 =	vadd.s32 $0x7530, v10;
	[tilespmem:v40+s13+$0x0] =	vst.idx.add.f32.msk $0xffff, v12  }
0x62: {  	v9 =	vadd.s32 $0x7530, v9;
	v12 =	vld [tilespmem:s26+$0xFFFFFFA0]  }
0x63: {  	v33 =	vadd.s32 $0x2710, v19;
	[tilespmem:v48+s13+$0x0] =	vst.idx.add.f32.msk $0xffff, v17  }
0x64: {  	v38 =	vadd.s32 $0x4E20, v5;
	v17 =	vld.idx.msk [tilespmem:v51+s25+$0x0], $0xffff  }
0x65: {  	v49 =	vadd.s32 $0x4E20, v0;
	[tilespmem:v37+s13+$0x0] =	vst.idx.add.f32.msk $0xffff, v20  }
0x66: {  	v55 =	vadd.s32 $0x2710, v29;
	v10 =	vld.idx.msk [tilespmem:v10+s25+$0x0], $0xffff  }
0x67: {  	v60 =	vadd.s32 $0x2710, v2;
	v9 =	vld.idx.msk [tilespmem:v9+s25+$0x0], $0xffff  }
0x68: {  	v11 =	vadd.s32 $0x7530, v11;
	[tilespmem:v33+s13+$0x0] =	vst.idx.add.f32.msk $0xffff, v15  }
0x69: {  	v15 =	vld.idx.msk [tilespmem:v38+s25+$0x0], $0xffff  }
0x6a: {  	v20 =	vld.idx.msk [tilespmem:v49+s25+$0x0], $0xffff  }
0x6b: {  	[tilespmem:v55+s13+$0x0] =	vst.idx.add.f32.msk $0xffff, v17  }
0x6c: {  	v25 =	vadd.s32 $0x2710, v14;
	v17 =	vld.idx.msk [tilespmem:v60+s25+$0x0], $0xffff  }
0x6d: {  	v53 =	vadd.s32 $0x4E20, v19;
	[tilespmem:v11+s13+$0x0] =	vst.idx.add.f32.msk $0xffff, v10  }
0x6e: {  	v0 =	vadd.s32 $0x7530, v0;
	v10 =	vld [tilespmem:s26+$0x0]  }
0x6f: {  	v31 =	vadd.s32 $0x2710, v18;
	v11 =	vld [tilespmem:s26+$0x10]  }
0x70: {  	[tilespmem:v12+s13+$0x0] =	vst.idx.add.f32.msk $0xffff, v41;
	v41 =	vadd.s32 $0x4E20, v27  }
0x71: {  	v43 =	vadd.s32 $0x2710, v12;
	v25 =	vld.idx.msk [tilespmem:v25+s25+$0x0], $0xffff  }
0x72: {  	[tilespmem:v53+s13+$0x0] =	vst.idx.add.f32.msk $0xffff, v20  }
0x73: {  	v0 =	vld.idx.msk [tilespmem:v0+s25+$0x0], $0xffff  }
0x74: {  	[tilespmem:v31+s13+$0x0] =	vst.idx.add.f32.msk $0xffff, v17  }
0x75: {  	v52 =	vadd.s32 $0x2710, v3;
	[tilespmem:v41+s13+$0x0] =	vst.idx.add.f32.msk $0xffff, v16  }
0x76: {  	v54 =	vadd.s32 $0x2710, v4;
	[tilespmem:v43+s13+$0x0] =	vst.idx.add.f32.msk $0xffff, v25  }
0x77: {  	v7 =	vadd.s32 $0x7530, v7;
	v25 =	vld [tilespmem:s26+$0x20]  }
0x78: {  	[tilespmem:v10+s13+$0x0] =	vst.idx.add.f32.msk $0xffff, v21;
	v43 =	vadd.s32 $0x4E20, v28  }
0x79: {  	v48 =	vadd.s32 $0x4E20, v2;
	[tilespmem:v11+s13+$0x0] =	vst.idx.add.f32.msk $0xffff, v22  }
0x7a: {  	v56 =	vadd.s32 $0x2710, v10;
	v21 =	vld.idx.msk [tilespmem:v52+s25+$0x0], $0xffff  }
0x7b: {  	v59 =	vadd.s32 $0x2710, v11;
	v58 =	vld.idx.msk [tilespmem:v54+s25+$0x0], $0xffff  }
0x7c: {  	v40 =	vadd.s32 $0x4E20, v6;
	v7 =	vld.idx.msk [tilespmem:v7+s25+$0x0], $0xffff  }
0x7d: {  	v5 =	vadd.s32 $0x7530, v5;
	[tilespmem:v43+s13+$0x0] =	vst.idx.add.f32.msk $0xffff, v15  }
0x7e: {  	v54 =	vadd.s32 $0x7530, v24;
	v15 =	vld.idx.msk [tilespmem:v48+s25+$0x0], $0xffff  }
0x7f: {  	v42 =	vadd.s32 $0x4E20, v3;
	[tilespmem:v56+s13+$0x0] =	vst.idx.add.f32.msk $0xffff, v21  }
0x80: {  	[tilespmem:v59+s13+$0x0] =	vst.idx.add.f32.msk $0xffff, v58  }
0x81: {  	v30 =	vadd.s32 $0x4E20, v14;
	v21 =	vld.idx.msk [tilespmem:v40+s25+$0x0], $0xffff  }
0x82: {  	v57 =	vadd.s32 $0x2710, v1;
	v5 =	vld.idx.msk [tilespmem:v5+s25+$0x0], $0xffff  }
0x83: {  	v52 =	vadd.s32 $0x4E20, v18;
	[tilespmem:v54+s13+$0x0] =	vst.idx.add.f32.msk $0xffff, v9  }
0x84: {  	v45 =	vadd.s32 $0x4E20, v29;
	v17 =	vld.idx.msk [tilespmem:v42+s25+$0x0], $0xffff  }
0x85: {  	v56 =	vadd.s32 $0x7530, v27;
	[tilespmem:v25+s13+$0x0] =	vst.idx.add.f32.msk $0xffff, v23  }
0x86: {  	v2 =	vadd.s32 $0x7530, v2;
	v23 =	vld.idx.msk [tilespmem:v30+s25+$0x0], $0xffff  }
0x87: {  	v47 =	vadd.s32 $0x4E20, v10;
	v13 =	vld.idx.msk [tilespmem:v57+s25+$0x0], $0xffff  }
0x88: {  	v6 =	vadd.s32 $0x7530, v6;
	[tilespmem:v52+s13+$0x0] =	vst.idx.add.f32.msk $0xffff, v15  }
0x89: {  	v35 =	vadd.s32 $0x4E20, v12;
	[tilespmem:v45+s13+$0x0] =	vst.idx.add.f32.msk $0xffff, v21  }
0x8a: {  	v3 =	vadd.s32 $0x7530, v3;
	[tilespmem:v56+s13+$0x0] =	vst.idx.add.f32.msk $0xffff, v7  }
0x8b: {  	v63 =	vadd.s32 $0x2710, v25;
	v2 =	vld.idx.msk [tilespmem:v2+s25+$0x0], $0xffff  }
0x8c: {  	v34 =	vadd.s32 $0x4E20, v8;
	[tilespmem:v47+s13+$0x0] =	vst.idx.add.f32.msk $0xffff, v17  }
0x8d: {  	v14 =	vadd.s32 $0x7530, v14;
	v6 =	vld.idx.msk [tilespmem:v6+s25+$0x0], $0xffff  }
0x8e: {  	v57 =	vadd.s32 $0x7530, v28;
	[tilespmem:v35+s13+$0x0] =	vst.idx.add.f32.msk $0xffff, v23  }
0x8f: {  	v46 =	vadd.s32 $0x4E20, v1;
	v3 =	vld.idx.msk [tilespmem:v3+s25+$0x0], $0xffff  }
0x90: {  	v62 =	vadd.s32 $0x7530, v18;
	[tilespmem:v63+s13+$0x0] =	vst.idx.add.f32.msk $0xffff, v13  }
0x91: {  	v58 =	vadd.s32 $0x7530, v29;
	v13 =	vld.idx.msk [tilespmem:v34+s25+$0x0], $0xffff  }
0x92: {  	v39 =	vadd.s32 $0x4E20, v26;
	v14 =	vld.idx.msk [tilespmem:v14+s25+$0x0], $0xffff  }
0x93: {  	v44 =	vadd.s32 $0x4E20, v4;
	[tilespmem:v57+s13+$0x0] =	vst.idx.add.f32.msk $0xffff, v5  }
0x94: {  	v59 =	vadd.s32 $0x7530, v10;
	v16 =	vld.idx.msk [tilespmem:v46+s25+$0x0], $0xffff  }
0x95: {  	v51 =	vadd.s32 $0x4E20, v25;
	[tilespmem:v62+s13+$0x0] =	vst.idx.add.f32.msk $0xffff, v2  }
0x96: {  	v8 =	vadd.s32 $0x7530, v8;
	[tilespmem:v58+s13+$0x0] =	vst.idx.add.f32.msk $0xffff, v6  }
0x97: {  	v1 =	vadd.s32 $0x7530, v1;
	[tilespmem:v39+s13+$0x0] =	vst.idx.add.f32.msk $0xffff, v13  }
0x98: {  	v50 =	vadd.s32 $0x4E20, v11;
	v13 =	vld.idx.msk [tilespmem:v44+s25+$0x0], $0xffff  }
0x99: {  	v4 =	vadd.s32 $0x7530, v4;
	[tilespmem:v59+s13+$0x0] =	vst.idx.add.f32.msk $0xffff, v3  }
0x9a: {  	v12 =	vadd.s32 $0x7530, v12;
	[tilespmem:v51+s13+$0x0] =	vst.idx.add.f32.msk $0xffff, v16  }
0x9b: {  	v63 =	vadd.s32 $0x7530, v19;
	v8 =	vld.idx.msk [tilespmem:v8+s25+$0x0], $0xffff  }
0x9c: {  	v55 =	vadd.s32 $0x7530, v26;
	v1 =	vld.idx.msk [tilespmem:v1+s25+$0x0], $0xffff  }
0x9d: {  	v61 =	vadd.s32 $0x7530, v25;
	[tilespmem:v50+s13+$0x0] =	vst.idx.add.f32.msk $0xffff, v13  }
0x9e: {  	v60 =	vadd.s32 $0x7530, v11;
	v4 =	vld.idx.msk [tilespmem:v4+s25+$0x0], $0xffff  }
0x9f: {  	[tilespmem:v12+s13+$0x0] =	vst.idx.add.f32.msk $0xffff, v14  }
0xa0: {  	[tilespmem:v63+s13+$0x0] =	vst.idx.add.f32.msk $0xffff, v0  }
0xa1: {  	[tilespmem:v55+s13+$0x0] =	vst.idx.add.f32.msk $0xffff, v8  }
0xa2: {  	[tilespmem:v61+s13+$0x0] =	vst.idx.add.f32.msk $0xffff, v1  }
0xa3: {  	s29 =	simm.s32 $0x139A0;
	s28 =	simm.s32 $0x0;
	[tilespmem:v60+s13+$0x0] =	vst.idx.add.f32.msk $0xffff, v4  }
.LBB2_3:
0xa4: {  	v21 =	vld [tilespmem:s29+$0x50]  }
0xa5: {  	v8 =	vld [tilespmem:s29+$0xFFFFFFB0]  }
0xa6: {  	v10 =	vld [tilespmem:s29+$0xFFFFFFC0]  }
0xa7: {  	v22 =	vld [tilespmem:s29+$0xFFFFFFD0]  }
0xa8: {  	v23 =	vld [tilespmem:s29+$0xFFFFFFE0]  }
0xa9: {  	v25 =	vld [tilespmem:s29+$0xFFFFFFF0]  }
0xaa: {  	v30 =	vld [tilespmem:s29+$0x0]  }
0xab: {  	v33 =	vld [tilespmem:s29+$0x10]  }
0xac: {  	v34 =	vld [tilespmem:s29+$0x20]  }
0xad: {  	v36 =	vld [tilespmem:s29+$0x30]  }
0xae: {  	v38 =	vld [tilespmem:s29+$0x40]  }
0xaf: {  	s26 =	sadd.s32 $0xC0, s26;
	v40 =	vld [tilespmem:s29+$0xFFFFFFA0]  }
0xb0: {  	v28 =	vld [tilespmem:s26+$0x50]  }
0xb1: {  	v57 =	vld [tilespmem:s26+$0xFFFFFFE0]  }
0xb2: {  	v59 =	vld [tilespmem:s26+$0xFFFFFFF0]  }
0xb3: {  	v62 =	vld [tilespmem:s26+$0x0]  }
0xb4: {  	v2 =	vld [tilespmem:s26+$0x10]  }
0xb5: {  	v3 =	vld [tilespmem:s26+$0x20]  }
0xb6: {  	v1 =	vld [tilespmem:s26+$0x30];
	v0 =	vadd.s32 $0x4E20, v8  }
0xb7: {  	[tilespmem:$0x1FF20] =	vst v0;
	v0 =	vld [tilespmem:s26+$0x40]  }
0xb8: {  	v7 =	vld.idx.msk [tilespmem:v21+s25+$0x0], $0xffff  }
0xb9: {  	v45 =	vld.idx.msk [tilespmem:v8+s25+$0x0], $0xffff  }
0xba: {  	v46 =	vld.idx.msk [tilespmem:v10+s25+$0x0], $0xffff  }
0xbb: {  	v49 =	vld.idx.msk [tilespmem:v22+s25+$0x0], $0xffff  }
0xbc: {  	v50 =	vld.idx.msk [tilespmem:v23+s25+$0x0], $0xffff  }
0xbd: {  	v51 =	vld.idx.msk [tilespmem:v25+s25+$0x0], $0xffff  }
0xbe: {  	v52 =	vld.idx.msk [tilespmem:v33+s25+$0x0], $0xffff  }
0xbf: {  	v27 =	vadd.s32 $0x2710, v22;
	v13 =	vadd.s32 $0x4E20, v22;
	v53 =	vld.idx.msk [tilespmem:v34+s25+$0x0], $0xffff  }
0xc0: {  	v14 =	vadd.s32 $0x7530, v22;
	v29 =	vadd.s32 $0x2710, v23;
	v15 =	vadd.s32 $0x4E20, v23;
	v54 =	vld.idx.msk [tilespmem:v36+s25+$0x0], $0xffff  }
0xc1: {  	v16 =	vadd.s32 $0x7530, v23;
	v17 =	vadd.s32 $0x7530, v25;
	v18 =	vadd.s32 $0x7530, v30;
	[tilespmem:$0x1FF50] =	vst v15;
	v55 =	vld.idx.msk [tilespmem:v38+s25+$0x0], $0xffff  }
0xc2: {  	v37 =	vadd.s32 $0x2710, v33;
	v19 =	vadd.s32 $0x7530, v33;
	[tilespmem:$0x1FFA0] =	vst v17;
	v17 =	vadd.s32 $0x4E20, v33;
	v33 =	vld [tilespmem:s26+$0xFFFFFFA0]  }
0xc3: {  	v39 =	vadd.s32 $0x2710, v34;
	v20 =	vadd.s32 $0x7530, v34;
	[tilespmem:$0x1FFB0] =	vst v18;
	v18 =	vadd.s32 $0x4E20, v34;
	v34 =	vld [tilespmem:s26+$0xFFFFFFB0]  }
0xc4: {  	v41 =	vadd.s32 $0x2710, v36;
	[tilespmem:$0x1FFC0] =	vst v19;
	v19 =	vadd.s32 $0x4E20, v36;
	v22 =	vadd.s32 $0x7530, v36;
	v36 =	vld [tilespmem:s26+$0xFFFFFFC0]  }
0xc5: {  	v42 =	vadd.s32 $0x2710, v38;
	[tilespmem:$0x1FFD0] =	vst v20;
	v20 =	vadd.s32 $0x4E20, v38;
	v23 =	vadd.s32 $0x7530, v38;
	v38 =	vld [tilespmem:s26+$0xFFFFFFD0]  }
0xc6: {  	[tilespmem:v28+s13+$0x0] =	vst.idx.add.f32.msk $0xffff, v7  }
0xc7: {  	v15 =	vadd.s32 $0x2710, v21;
	[tilespmem:v57+s13+$0x0] =	vst.idx.add.f32.msk $0xffff, v50  }
0xc8: {  	[tilespmem:v59+s13+$0x0] =	vst.idx.add.f32.msk $0xffff, v51  }
0xc9: {  	[tilespmem:v2+s13+$0x0] =	vst.idx.add.f32.msk $0xffff, v52  }
0xca: {  	[tilespmem:v3+s13+$0x0] =	vst.idx.add.f32.msk $0xffff, v53  }
0xcb: {  	v31 =	vadd.s32 $0x2710, v25;
	[tilespmem:v1+s13+$0x0] =	vst.idx.add.f32.msk $0xffff, v54  }
0xcc: {  	v43 =	vld.idx.msk [tilespmem:v15+s25+$0x0], $0xffff  }
0xcd: {  	v48 =	vadd.s32 $0x2710, v40;
	v32 =	vadd.s32 $0x4E20, v40;
	v15 =	vadd.s32 $0x7530, v40;
	v40 =	vld.idx.msk [tilespmem:v40+s25+$0x0], $0xffff  }
0xce: {  	[tilespmem:v0+s13+$0x0] =	vst.idx.add.f32.msk $0xffff, v55  }
0xcf: {  	v51 =	vld.idx.msk [tilespmem:v29+s25+$0x0], $0xffff  }
0xd0: {  	v52 =	vld.idx.msk [tilespmem:v31+s25+$0x0], $0xffff  }
0xd1: {  	v44 =	vadd.s32 $0x2710, v28;
	v54 =	vld.idx.msk [tilespmem:v37+s25+$0x0], $0xffff  }
0xd2: {  	[tilespmem:$0x1FF80] =	vst v14;
	v55 =	vld.idx.msk [tilespmem:v39+s25+$0x0], $0xffff  }
0xd3: {  	v5 =	vadd.s32 $0x2710, v57;
	[tilespmem:v34+s13+$0x0] =	vst.idx.add.f32.msk $0xffff, v45  }
0xd4: {  	v4 =	vadd.s32 $0x2710, v59;
	[tilespmem:v36+s13+$0x0] =	vst.idx.add.f32.msk $0xffff, v46  }
0xd5: {  	v47 =	vadd.s32 $0x4E20, v21;
	[tilespmem:v38+s13+$0x0] =	vst.idx.add.f32.msk $0xffff, v49  }
0xd6: {  	[tilespmem:v44+s13+$0x0] =	vst.idx.add.f32.msk $0xffff, v43  }
0xd7: {  	[tilespmem:v33+s13+$0x0] =	vst.idx.add.f32.msk $0xffff, v40  }
0xd8: {  	[tilespmem:v5+s13+$0x0] =	vst.idx.add.f32.msk $0xffff, v51  }
0xd9: {  	v11 =	vadd.s32 $0x4E20, v10;
	v12 =	vadd.s32 $0x7530, v10;
	v14 =	vadd.s32 $0x4E20, v25;
	[tilespmem:v4+s13+$0x0] =	vst.idx.add.f32.msk $0xffff, v52  }
0xda: {  	[tilespmem:$0x1FF70] =	vst v12;
	v12 =	vadd.s32 $0x4E20, v57;
	v6 =	vadd.s32 $0x4E20, v0;
	v50 =	vadd.s32 $0x7530, v0;
	v25 =	vld.idx.msk [tilespmem:v47+s25+$0x0], $0xffff  }
0xdb: {  	v45 =	vadd.s32 $0x2710, v2;
	v46 =	vadd.s32 $0x2710, v3;
	v43 =	vadd.s32 $0x4E20, v28;
	v47 =	vld.idx.msk [tilespmem:v30+s25+$0x0], $0xffff  }
0xdc: {  	v44 =	vadd.s32 $0x7530, v28;
	v28 =	vadd.s32 $0x7530, v57;
	v57 =	vadd.s32 $0x2710, v0;
	v0 =	vld.idx.msk [tilespmem:v48+s25+$0x0], $0xffff  }
0xdd: {  	v35 =	vadd.s32 $0x2710, v30;
	[tilespmem:$0x1FF30] =	vst v11;
	v48 =	vld.idx.msk [tilespmem:v27+s25+$0x0], $0xffff  }
0xde: {  	[tilespmem:$0x1FF90] =	vst v16;
	v16 =	vadd.s32 $0x4E20, v30;
	v11 =	vadd.s32 $0x4E20, v59;
	v30 =	vadd.s32 $0x7530, v59;
	v59 =	vld.idx.msk [tilespmem:v41+s25+$0x0], $0xffff  }
0xdf: {  	[tilespmem:$0x1FF40] =	vst v13;
	v41 =	vld [tilespmem:$0x1FF20]  }
0xe0: {  	[tilespmem:v45+s13+$0x0] =	vst.idx.add.f32.msk $0xffff, v54  }
0xe1: {  	[tilespmem:v46+s13+$0x0] =	vst.idx.add.f32.msk $0xffff, v55  }
0xe2: {  	v9 =	vadd.s32 $0x7530, v8;
	v45 =	vld [tilespmem:$0x1FF40]  }
0xe3: {  	[tilespmem:$0x1FF60] =	vst v9;
	v46 =	vld [tilespmem:$0x1FF50]  }
0xe4: {  	v24 =	vadd.s32 $0x2710, v8;
	v54 =	vld [tilespmem:$0x1FF60]  }
0xe5: {  	v26 =	vadd.s32 $0x2710, v10;
	v55 =	vld [tilespmem:$0x1FF70]  }
0xe6: {  	v56 =	vadd.s32 $0x2710, v33;
	v51 =	vld.idx.msk [tilespmem:v18+s25+$0x0], $0xffff  }
0xe7: {  	v63 =	vadd.s32 $0x2710, v38;
	[tilespmem:v43+s13+$0x0] =	vst.idx.add.f32.msk $0xffff, v25  }
0xe8: {  	v13 =	vadd.s32 $0x4E20, v38;
	v49 =	vadd.s32 $0x2710, v1;
	[tilespmem:v62+s13+$0x0] =	vst.idx.add.f32.msk $0xffff, v47  }
0xe9: {  	v7 =	vadd.s32 $0x4E20, v1;
	v25 =	vadd.s32 $0x7530, v38;
	v38 =	vadd.s32 $0x7530, v1;
	v1 =	vld.idx.msk [tilespmem:v24+s25+$0x0], $0xffff  }
0xea: {  	v47 =	vld.idx.msk [tilespmem:v26+s25+$0x0], $0xffff  }
0xeb: {  	[tilespmem:v56+s13+$0x0] =	vst.idx.add.f32.msk $0xffff, v0  }
0xec: {  	[tilespmem:v63+s13+$0x0] =	vst.idx.add.f32.msk $0xffff, v48  }
0xed: {  	v21 =	vadd.s32 $0x7530, v21;
	[tilespmem:v49+s13+$0x0] =	vst.idx.add.f32.msk $0xffff, v59  }
0xee: {  	v49 =	vld.idx.msk [tilespmem:v17+s25+$0x0], $0xffff  }
0xef: {  	v56 =	vld [tilespmem:$0x1FF80]  }
0xf0: {  	[tilespmem:$0x1FFF0] =	vst v23;
	v59 =	vld [tilespmem:$0x1FFB0]  }
0xf1: {  	v8 =	vadd.s32 $0x4E20, v3;
	v63 =	vld [tilespmem:$0x1FFF0]  }
0xf2: {  	v21 =	vld.idx.msk [tilespmem:v21+s25+$0x0], $0xffff  }
0xf3: {  	v53 =	vld.idx.msk [tilespmem:v35+s25+$0x0], $0xffff  }
0xf4: {  	v58 =	vadd.s32 $0x2710, v34;
	v0 =	vld.idx.msk [tilespmem:v32+s25+$0x0], $0xffff  }
0xf5: {  	v60 =	vadd.s32 $0x2710, v36;
	v52 =	vld.idx.msk [tilespmem:v19+s25+$0x0], $0xffff  }
0xf6: {  	v9 =	vadd.s32 $0x4E20, v2;
	[tilespmem:v8+s13+$0x0] =	vst.idx.add.f32.msk $0xffff, v51  }
0xf7: {  	v61 =	vadd.s32 $0x4E20, v36;
	v23 =	vadd.s32 $0x7530, v36;
	v36 =	vadd.s32 $0x7530, v3;
	v3 =	vld.idx.msk [tilespmem:v45+s25+$0x0], $0xffff  }
0xf8: {  	v4 =	vld.idx.msk [tilespmem:v46+s25+$0x0], $0xffff  }
0xf9: {  	[tilespmem:v58+s13+$0x0] =	vst.idx.add.f32.msk $0xffff, v1  }
0xfa: {  	[tilespmem:v60+s13+$0x0] =	vst.idx.add.f32.msk $0xffff, v47  }
0xfb: {  	v47 =	vld.idx.msk [tilespmem:v14+s25+$0x0], $0xffff  }
0xfc: {  	v40 =	vadd.s32 $0x2710, v62;
	[tilespmem:v9+s13+$0x0] =	vst.idx.add.f32.msk $0xffff, v49  }
0xfd: {  	v58 =	vld [tilespmem:$0x1FFA0]  }
0xfe: {  	v60 =	vld [tilespmem:$0x1FFC0]  }
0xff: {  	v43 =	vadd.s32 $0x4E20, v33;
	[tilespmem:v44+s13+$0x0] =	vst.idx.add.f32.msk $0xffff, v21  }
0x100: {  	v10 =	vadd.s32 $0x4E20, v62;
	v21 =	vadd.s32 $0x7530, v33;
	v33 =	vadd.s32 $0x7530, v62;
	v62 =	vld.idx.msk [tilespmem:v42+s25+$0x0], $0xffff  }
0x101: {  	[tilespmem:v40+s13+$0x0] =	vst.idx.add.f32.msk $0xffff, v53  }
0x102: {  	v1 =	vld.idx.msk [tilespmem:v41+s25+$0x0], $0xffff  }
0x103: {  	v42 =	vld [tilespmem:$0x1FF30]  }
0x104: {  	[tilespmem:v43+s13+$0x0] =	vst.idx.add.f32.msk $0xffff, v0  }
0x105: {  	[tilespmem:v7+s13+$0x0] =	vst.idx.add.f32.msk $0xffff, v52  }
0x106: {  	v48 =	vld.idx.msk [tilespmem:v16+s25+$0x0], $0xffff  }
0x107: {  	v0 =	vld.idx.msk [tilespmem:v15+s25+$0x0], $0xffff  }
0x108: {  	v44 =	vadd.s32 $0x4E20, v34;
	[tilespmem:v13+s13+$0x0] =	vst.idx.add.f32.msk $0xffff, v3  }
0x109: {  	[tilespmem:v12+s13+$0x0] =	vst.idx.add.f32.msk $0xffff, v4  }
0x10a: {  	[tilespmem:v11+s13+$0x0] =	vst.idx.add.f32.msk $0xffff, v47  }
0x10b: {  	v3 =	vld.idx.msk [tilespmem:v56+s25+$0x0], $0xffff  }
0x10c: {  	[tilespmem:v57+s13+$0x0] =	vst.idx.add.f32.msk $0xffff, v62  }
0x10d: {  	[tilespmem:v44+s13+$0x0] =	vst.idx.add.f32.msk $0xffff, v1  }
0x10e: {  	[tilespmem:$0x1FFE0] =	vst v22;
	v57 =	vld [tilespmem:$0x1FF90]  }
0x10f: {  	v62 =	vld [tilespmem:$0x1FFE0]  }
0x110: {  	v53 =	vld.idx.msk [tilespmem:v20+s25+$0x0], $0xffff  }
0x111: {  	[tilespmem:v10+s13+$0x0] =	vst.idx.add.f32.msk $0xffff, v48  }
0x112: {  	v1 =	vld.idx.msk [tilespmem:v54+s25+$0x0], $0xffff  }
0x113: {  	[tilespmem:v21+s13+$0x0] =	vst.idx.add.f32.msk $0xffff, v0  }
0x114: {  	v5 =	vld.idx.msk [tilespmem:v58+s25+$0x0], $0xffff  }
0x115: {  	v22 =	vadd.s32 $0x7530, v34;
	v7 =	vld.idx.msk [tilespmem:v60+s25+$0x0], $0xffff  }
0x116: {  	v34 =	vadd.s32 $0x7530, v2;
	v2 =	vld.idx.msk [tilespmem:v42+s25+$0x0], $0xffff  }
0x117: {  	[tilespmem:v25+s13+$0x0] =	vst.idx.add.f32.msk $0xffff, v3  }
0x118: {  	[tilespmem:v6+s13+$0x0] =	vst.idx.add.f32.msk $0xffff, v53  }
0x119: {  	v6 =	vld.idx.msk [tilespmem:v59+s25+$0x0], $0xffff  }
0x11a: {  	[tilespmem:v22+s13+$0x0] =	vst.idx.add.f32.msk $0xffff, v1  }
0x11b: {  	[tilespmem:v61+s13+$0x0] =	vst.idx.add.f32.msk $0xffff, v2  }
0x11c: {  	v61 =	vld [tilespmem:$0x1FFD0]  }
0x11d: {  	v10 =	vld.idx.msk [tilespmem:v63+s25+$0x0], $0xffff  }
0x11e: {  	[tilespmem:v30+s13+$0x0] =	vst.idx.add.f32.msk $0xffff, v5  }
0x11f: {  	[tilespmem:v34+s13+$0x0] =	vst.idx.add.f32.msk $0xffff, v7  }
0x120: {  	v4 =	vld.idx.msk [tilespmem:v57+s25+$0x0], $0xffff  }
0x121: {  	v9 =	vld.idx.msk [tilespmem:v62+s25+$0x0], $0xffff  }
0x122: {  	v2 =	vld.idx.msk [tilespmem:v55+s25+$0x0], $0xffff  }
0x123: {  	s28 =	sadd.s32 $0xC, s28;
	[tilespmem:v33+s13+$0x0] =	vst.idx.add.f32.msk $0xffff, v6  }
0x124: {  	p0 =	slt.u32 s28, $0xE4;
	v8 =	vld.idx.msk [tilespmem:v61+s25+$0x0], $0xffff  }
.Ltmp2:
0x125: {  	[tilespmem:v50+s13+$0x0] =	vst.idx.add.f32.msk $0xffff, v10;
	(pc) =	sbr.rel @p0 .LBB2_3-.Ltmp2, $4  }
0x126: {  	[tilespmem:v28+s13+$0x0] =	vst.idx.add.f32.msk $0xffff, v4  }
0x127: {  	[tilespmem:v38+s13+$0x0] =	vst.idx.add.f32.msk $0xffff, v9  }
0x128: {  	[tilespmem:v23+s13+$0x0] =	vst.idx.add.f32.msk $0xffff, v2  }
0x129: {  	s29 =	sadd.s32 $0xC0, s29;
	[tilespmem:v36+s13+$0x0] =	vst.idx.add.f32.msk $0xffff, v8  }
.LBB2_4:
0x12a: {  	s26 =	sshra.s32 s25, $0x2  }
0x12b: {  	v0 =	vld [tilespmem:s26+$0x14780];
	_ =	sdelay $0x4  }
0x12c: {  	v1 =	vld [tilespmem:s26+$0x15720];
	_ =	sdelay $0x2  }
0x12d: {  	v2 =	vld.idx.msk [tilespmem:v0+s1+$0x0], $0xffff  }
0x12e: {  	v3 =	vadd.s32 $0x2710, v0;
	_ =	sdelay $0x3  }
0x12f: {  	[tilespmem:v1+s13+$0x0] =	vst.idx.add.f32.msk $0xffff, v2  }
0x130: {  	v62 =	vadd.s32 $0x2710, v1;
	v2 =	vld.idx.msk [tilespmem:v3+s1+$0x0], $0xffff  }
0x131: {  	v4 =	vadd.s32 $0x4E20, v0;
	_ =	sdelay $0x3  }
0x132: {  	[tilespmem:v62+s13+$0x0] =	vst.idx.add.f32.msk $0xffff, v2  }
0x133: {  	v63 =	vadd.s32 $0x4E20, v1;
	v2 =	vld.idx.msk [tilespmem:v4+s1+$0x0], $0xffff  }
0x134: {  	v0 =	vadd.s32 $0x7530, v0;
	_ =	sdelay $0x3  }
0x135: {  	[tilespmem:v63+s13+$0x0] =	vst.idx.add.f32.msk $0xffff, v2  }
0x136: {  	p0 =	sne.s32 s25, $0x240;
	v1 =	vadd.s32 $0x7530, v1;
	v0 =	vld.idx.msk [tilespmem:v0+s1+$0x0], $0xffff  }
.Ltmp3:
0x137: {  	_ = 	snop;
	(pc) =	sbr.rel @p0 .LBB2_4-.Ltmp3, $2  }
0x138: {  	_ =	sdelay $0x2  }
0x139: {  	s25 =	sadd.s32 $0x40, s25;
	[tilespmem:v1+s13+$0x0] =	vst.idx.add.f32.msk $0xffff, v0  }
0x13a: {  	p0 =	seq.s32 s24, $0x13  }
0x13b: {  	s25 =	smul.u32 @!p0 $0x1F40, s24;
	_ =	sdelay $0x1  }
0x13c: {  	s25 =	sadd.s32 @!p0 s25, s9  }
0x13d: {  	s25 =	sshrl.u32 @!p0 s25, $0x3  }
0x13e: {  	s28 =	simm.s32 @!p0 $0x0;
	s29 =	simm.s32 @!p0 $0x13880;
	s26 =	sadd.s32 @!p0 s3, s25  }
0x13f: {  	[tilespmem:s29], [sflag:$0x1] =	stream.linear.gather @!p0 [hbm4b:s26+s28], $0xFA0, $0x38;
	[tilespmem:$0x17700] =	vst v63  }
0x140: {  	s25 =	sadd.s32 @!p0 s7, s25;
	s26 =	simm.s32 @!p0 $0x14820  }
0x141: {  	[tilespmem:s26], [sflag:$0x1] =	stream.linear.gather @!p0 [hbm4b:s25+s28], $0xFA0, $0x38;
	[tilespmem:$0x17700] =	vst v63  }
0x142: {  	_ =	swait.ge [sflag:s21], $0xFA0  }
0x143: {  	[sflag:s21] =	ssyncset.done $0x0  }
0x144: {  	[sflag:s21] =	ssyncadd.s32 $0xFFFFF060  }
0x145: {  	_ =	swait.ge [sflag:s21], $0xFA0  }
0x146: {  	[sflag:s21] =	ssyncset.done $0x0  }
0x147: {  	s28 =	simm.s32 $0x15820;
	[sflag:s21] =	ssyncadd.s32 $0xFFFFF060  }
0x148: {  	v10 =	vld [tilespmem:s28+$0x50]  }
0x149: {  	v9 =	vld [tilespmem:s28+$0xFFFFFFB0]  }
0x14a: {  	v8 =	vld [tilespmem:s28+$0xFFFFFFC0]  }
0x14b: {  	v7 =	vld [tilespmem:s28+$0xFFFFFFD0]  }
0x14c: {  	v5 =	vld [tilespmem:s28+$0xFFFFFFE0]  }
0x14d: {  	s26 =	simm.s32 $0x167C0;
	v6 =	vld [tilespmem:s28+$0xFFFFFFF0]  }
0x14e: {  	v11 =	vld [tilespmem:s26+$0x50]  }
0x14f: {  	v3 =	vld [tilespmem:s28+$0x0]  }
0x150: {  	v4 =	vld [tilespmem:s28+$0x10]  }
0x151: {  	v1 =	vld [tilespmem:s28+$0x20]  }
0x152: {  	v2 =	vld [tilespmem:s28+$0x30]  }
0x153: {  	v0 =	vld [tilespmem:s28+$0x40]  }
0x154: {  	v14 =	vld [tilespmem:s28+$0xFFFFFFA0]  }
0x155: {  	v24 =	vld [tilespmem:s26+$0xFFFFFFB0]  }
0x156: {  	v26 =	vld [tilespmem:s26+$0xFFFFFFC0]  }
0x157: {  	v27 =	vld [tilespmem:s26+$0xFFFFFFD0]  }
0x158: {  	v28 =	vld [tilespmem:s26+$0xFFFFFFE0]  }
0x159: {  	s25 =	simm.s32 $0x0;
	v29 =	vld [tilespmem:s26+$0xFFFFFFF0]  }
0x15a: {  	v12 =	vld.idx.msk [tilespmem:v10+s25+$0x0], $0xffff  }
0x15b: {  	v39 =	vld.idx.msk [tilespmem:v9+s25+$0x0], $0xffff  }
0x15c: {  	v16 =	vld.idx.msk [tilespmem:v8+s25+$0x0], $0xffff  }
0x15d: {  	v18 =	vld.idx.msk [tilespmem:v7+s25+$0x0], $0xffff  }
0x15e: {  	v19 =	vld.idx.msk [tilespmem:v5+s25+$0x0], $0xffff  }
0x15f: {  	v20 =	vld.idx.msk [tilespmem:v6+s25+$0x0], $0xffff  }
0x160: {  	v41 =	vld.idx.msk [tilespmem:v14+s25+$0x0], $0xffff  }
0x161: {  	v21 =	vld.idx.msk [tilespmem:v3+s25+$0x0], $0xffff  }
0x162: {  	v22 =	vld.idx.msk [tilespmem:v4+s25+$0x0], $0xffff  }
0x163: {  	v23 =	vld.idx.msk [tilespmem:v1+s25+$0x0], $0xffff  }
0x164: {  	v42 =	vld.idx.msk [tilespmem:v2+s25+$0x0], $0xffff  }
0x165: {  	v61 =	vld.idx.msk [tilespmem:v0+s25+$0x0], $0xffff  }
0x166: {  	[tilespmem:v11+s13+$0x0] =	vst.idx.add.f32.msk $0xffff, v12  }
0x167: {  	v13 =	vadd.s32 $0x2710, v10;
	[tilespmem:v24+s13+$0x0] =	vst.idx.add.f32.msk $0xffff, v39  }
0x168: {  	v44 =	vadd.s32 $0x2710, v9;
	[tilespmem:v26+s13+$0x0] =	vst.idx.add.f32.msk $0xffff, v16  }
0x169: {  	v46 =	vadd.s32 $0x2710, v7;
	[tilespmem:v27+s13+$0x0] =	vst.idx.add.f32.msk $0xffff, v18  }
0x16a: {  	[tilespmem:v28+s13+$0x0] =	vst.idx.add.f32.msk $0xffff, v19  }
0x16b: {  	[tilespmem:v29+s13+$0x0] =	vst.idx.add.f32.msk $0xffff, v20  }
0x16c: {  	v15 =	vadd.s32 $0x2710, v11;
	v12 =	vld.idx.msk [tilespmem:v13+s25+$0x0], $0xffff  }
0x16d: {  	v47 =	vadd.s32 $0x2710, v24;
	v13 =	vld.idx.msk [tilespmem:v44+s25+$0x0], $0xffff  }
0x16e: {  	v49 =	vadd.s32 $0x2710, v27;
	v16 =	vld.idx.msk [tilespmem:v46+s25+$0x0], $0xffff  }
0x16f: {  	v50 =	vadd.s32 $0x2710, v5;
	v18 =	vld [tilespmem:s26+$0x30]  }
0x170: {  	v17 =	vadd.s32 $0x4E20, v10;
	v19 =	vld [tilespmem:s26+$0x40]  }
0x171: {  	v45 =	vadd.s32 $0x2710, v8;
	[tilespmem:v15+s13+$0x0] =	vst.idx.add.f32.msk $0xffff, v12  }
0x172: {  	v32 =	vadd.s32 $0x4E20, v9;
	[tilespmem:v47+s13+$0x0] =	vst.idx.add.f32.msk $0xffff, v13  }
0x173: {  	v36 =	vadd.s32 $0x4E20, v7;
	[tilespmem:v49+s13+$0x0] =	vst.idx.add.f32.msk $0xffff, v16  }
0x174: {  	v13 =	vld.idx.msk [tilespmem:v50+s25+$0x0], $0xffff  }
0x175: {  	v12 =	vld.idx.msk [tilespmem:v17+s25+$0x0], $0xffff  }
0x176: {  	v62 =	vadd.s32 $0x2710, v0;
	v17 =	vld.idx.msk [tilespmem:v45+s25+$0x0], $0xffff  }
0x177: {  	v53 =	vadd.s32 $0x2710, v28;
	v20 =	vld.idx.msk [tilespmem:v32+s25+$0x0], $0xffff  }
0x178: {  	v40 =	vadd.s32 $0x4E20, v11;
	v16 =	vld.idx.msk [tilespmem:v36+s25+$0x0], $0xffff  }
0x179: {  	[tilespmem:v18+s13+$0x0] =	vst.idx.add.f32.msk $0xffff, v42  }
0x17a: {  	v48 =	vadd.s32 $0x2710, v26;
	[tilespmem:v19+s13+$0x0] =	vst.idx.add.f32.msk $0xffff, v61  }
0x17b: {  	v51 =	vadd.s32 $0x2710, v6;
	v15 =	vld.idx.msk [tilespmem:v62+s25+$0x0], $0xffff  }
0x17c: {  	v37 =	vadd.s32 $0x4E20, v24;
	[tilespmem:v53+s13+$0x0] =	vst.idx.add.f32.msk $0xffff, v13  }
0x17d: {  	v10 =	vadd.s32 $0x7530, v10;
	[tilespmem:v40+s13+$0x0] =	vst.idx.add.f32.msk $0xffff, v12  }
0x17e: {  	v9 =	vadd.s32 $0x7530, v9;
	v12 =	vld [tilespmem:s26+$0xFFFFFFA0]  }
0x17f: {  	v33 =	vadd.s32 $0x2710, v19;
	[tilespmem:v48+s13+$0x0] =	vst.idx.add.f32.msk $0xffff, v17  }
0x180: {  	v38 =	vadd.s32 $0x4E20, v5;
	v17 =	vld.idx.msk [tilespmem:v51+s25+$0x0], $0xffff  }
0x181: {  	v49 =	vadd.s32 $0x4E20, v0;
	[tilespmem:v37+s13+$0x0] =	vst.idx.add.f32.msk $0xffff, v20  }
0x182: {  	v55 =	vadd.s32 $0x2710, v29;
	v10 =	vld.idx.msk [tilespmem:v10+s25+$0x0], $0xffff  }
0x183: {  	v60 =	vadd.s32 $0x2710, v2;
	v9 =	vld.idx.msk [tilespmem:v9+s25+$0x0], $0xffff  }
0x184: {  	v11 =	vadd.s32 $0x7530, v11;
	[tilespmem:v33+s13+$0x0] =	vst.idx.add.f32.msk $0xffff, v15  }
0x185: {  	v15 =	vld.idx.msk [tilespmem:v38+s25+$0x0], $0xffff  }
0x186: {  	v20 =	vld.idx.msk [tilespmem:v49+s25+$0x0], $0xffff  }
0x187: {  	[tilespmem:v55+s13+$0x0] =	vst.idx.add.f32.msk $0xffff, v17  }
0x188: {  	v25 =	vadd.s32 $0x2710, v14;
	v17 =	vld.idx.msk [tilespmem:v60+s25+$0x0], $0xffff  }
0x189: {  	v53 =	vadd.s32 $0x4E20, v19;
	[tilespmem:v11+s13+$0x0] =	vst.idx.add.f32.msk $0xffff, v10  }
0x18a: {  	v0 =	vadd.s32 $0x7530, v0;
	v10 =	vld [tilespmem:s26+$0x0]  }
0x18b: {  	v31 =	vadd.s32 $0x2710, v18;
	v11 =	vld [tilespmem:s26+$0x10]  }
0x18c: {  	[tilespmem:v12+s13+$0x0] =	vst.idx.add.f32.msk $0xffff, v41;
	v41 =	vadd.s32 $0x4E20, v27  }
0x18d: {  	v43 =	vadd.s32 $0x2710, v12;
	v25 =	vld.idx.msk [tilespmem:v25+s25+$0x0], $0xffff  }
0x18e: {  	[tilespmem:v53+s13+$0x0] =	vst.idx.add.f32.msk $0xffff, v20  }
0x18f: {  	v0 =	vld.idx.msk [tilespmem:v0+s25+$0x0], $0xffff  }
0x190: {  	[tilespmem:v31+s13+$0x0] =	vst.idx.add.f32.msk $0xffff, v17  }
0x191: {  	v52 =	vadd.s32 $0x2710, v3;
	[tilespmem:v41+s13+$0x0] =	vst.idx.add.f32.msk $0xffff, v16  }
0x192: {  	v54 =	vadd.s32 $0x2710, v4;
	[tilespmem:v43+s13+$0x0] =	vst.idx.add.f32.msk $0xffff, v25  }
0x193: {  	v7 =	vadd.s32 $0x7530, v7;
	v25 =	vld [tilespmem:s26+$0x20]  }
0x194: {  	[tilespmem:v10+s13+$0x0] =	vst.idx.add.f32.msk $0xffff, v21;
	v43 =	vadd.s32 $0x4E20, v28  }
0x195: {  	v48 =	vadd.s32 $0x4E20, v2;
	[tilespmem:v11+s13+$0x0] =	vst.idx.add.f32.msk $0xffff, v22  }
0x196: {  	v56 =	vadd.s32 $0x2710, v10;
	v21 =	vld.idx.msk [tilespmem:v52+s25+$0x0], $0xffff  }
0x197: {  	v59 =	vadd.s32 $0x2710, v11;
	v58 =	vld.idx.msk [tilespmem:v54+s25+$0x0], $0xffff  }
0x198: {  	v40 =	vadd.s32 $0x4E20, v6;
	v7 =	vld.idx.msk [tilespmem:v7+s25+$0x0], $0xffff  }
0x199: {  	v5 =	vadd.s32 $0x7530, v5;
	[tilespmem:v43+s13+$0x0] =	vst.idx.add.f32.msk $0xffff, v15  }
0x19a: {  	v54 =	vadd.s32 $0x7530, v24;
	v15 =	vld.idx.msk [tilespmem:v48+s25+$0x0], $0xffff  }
0x19b: {  	v42 =	vadd.s32 $0x4E20, v3;
	[tilespmem:v56+s13+$0x0] =	vst.idx.add.f32.msk $0xffff, v21  }
0x19c: {  	[tilespmem:v59+s13+$0x0] =	vst.idx.add.f32.msk $0xffff, v58  }
0x19d: {  	v30 =	vadd.s32 $0x4E20, v14;
	v21 =	vld.idx.msk [tilespmem:v40+s25+$0x0], $0xffff  }
0x19e: {  	v57 =	vadd.s32 $0x2710, v1;
	v5 =	vld.idx.msk [tilespmem:v5+s25+$0x0], $0xffff  }
0x19f: {  	v52 =	vadd.s32 $0x4E20, v18;
	[tilespmem:v54+s13+$0x0] =	vst.idx.add.f32.msk $0xffff, v9  }
0x1a0: {  	v45 =	vadd.s32 $0x4E20, v29;
	v17 =	vld.idx.msk [tilespmem:v42+s25+$0x0], $0xffff  }
0x1a1: {  	v56 =	vadd.s32 $0x7530, v27;
	[tilespmem:v25+s13+$0x0] =	vst.idx.add.f32.msk $0xffff, v23  }
0x1a2: {  	v2 =	vadd.s32 $0x7530, v2;
	v23 =	vld.idx.msk [tilespmem:v30+s25+$0x0], $0xffff  }
0x1a3: {  	v47 =	vadd.s32 $0x4E20, v10;
	v13 =	vld.idx.msk [tilespmem:v57+s25+$0x0], $0xffff  }
0x1a4: {  	v6 =	vadd.s32 $0x7530, v6;
	[tilespmem:v52+s13+$0x0] =	vst.idx.add.f32.msk $0xffff, v15  }
0x1a5: {  	v35 =	vadd.s32 $0x4E20, v12;
	[tilespmem:v45+s13+$0x0] =	vst.idx.add.f32.msk $0xffff, v21  }
0x1a6: {  	v3 =	vadd.s32 $0x7530, v3;
	[tilespmem:v56+s13+$0x0] =	vst.idx.add.f32.msk $0xffff, v7  }
0x1a7: {  	v63 =	vadd.s32 $0x2710, v25;
	v2 =	vld.idx.msk [tilespmem:v2+s25+$0x0], $0xffff  }
0x1a8: {  	v34 =	vadd.s32 $0x4E20, v8;
	[tilespmem:v47+s13+$0x0] =	vst.idx.add.f32.msk $0xffff, v17  }
0x1a9: {  	v14 =	vadd.s32 $0x7530, v14;
	v6 =	vld.idx.msk [tilespmem:v6+s25+$0x0], $0xffff  }
0x1aa: {  	v57 =	vadd.s32 $0x7530, v28;
	[tilespmem:v35+s13+$0x0] =	vst.idx.add.f32.msk $0xffff, v23  }
0x1ab: {  	v46 =	vadd.s32 $0x4E20, v1;
	v3 =	vld.idx.msk [tilespmem:v3+s25+$0x0], $0xffff  }
0x1ac: {  	v62 =	vadd.s32 $0x7530, v18;
	[tilespmem:v63+s13+$0x0] =	vst.idx.add.f32.msk $0xffff, v13  }
0x1ad: {  	v58 =	vadd.s32 $0x7530, v29;
	v13 =	vld.idx.msk [tilespmem:v34+s25+$0x0], $0xffff  }
0x1ae: {  	v39 =	vadd.s32 $0x4E20, v26;
	v14 =	vld.idx.msk [tilespmem:v14+s25+$0x0], $0xffff  }
0x1af: {  	v44 =	vadd.s32 $0x4E20, v4;
	[tilespmem:v57+s13+$0x0] =	vst.idx.add.f32.msk $0xffff, v5  }
0x1b0: {  	v59 =	vadd.s32 $0x7530, v10;
	v16 =	vld.idx.msk [tilespmem:v46+s25+$0x0], $0xffff  }
0x1b1: {  	v51 =	vadd.s32 $0x4E20, v25;
	[tilespmem:v62+s13+$0x0] =	vst.idx.add.f32.msk $0xffff, v2  }
0x1b2: {  	v8 =	vadd.s32 $0x7530, v8;
	[tilespmem:v58+s13+$0x0] =	vst.idx.add.f32.msk $0xffff, v6  }
0x1b3: {  	v1 =	vadd.s32 $0x7530, v1;
	[tilespmem:v39+s13+$0x0] =	vst.idx.add.f32.msk $0xffff, v13  }
0x1b4: {  	v50 =	vadd.s32 $0x4E20, v11;
	v13 =	vld.idx.msk [tilespmem:v44+s25+$0x0], $0xffff  }
0x1b5: {  	v4 =	vadd.s32 $0x7530, v4;
	[tilespmem:v59+s13+$0x0] =	vst.idx.add.f32.msk $0xffff, v3  }
0x1b6: {  	v12 =	vadd.s32 $0x7530, v12;
	[tilespmem:v51+s13+$0x0] =	vst.idx.add.f32.msk $0xffff, v16  }
0x1b7: {  	v63 =	vadd.s32 $0x7530, v19;
	v8 =	vld.idx.msk [tilespmem:v8+s25+$0x0], $0xffff  }
0x1b8: {  	v55 =	vadd.s32 $0x7530, v26;
	v1 =	vld.idx.msk [tilespmem:v1+s25+$0x0], $0xffff  }
0x1b9: {  	v61 =	vadd.s32 $0x7530, v25;
	[tilespmem:v50+s13+$0x0] =	vst.idx.add.f32.msk $0xffff, v13  }
0x1ba: {  	v60 =	vadd.s32 $0x7530, v11;
	v4 =	vld.idx.msk [tilespmem:v4+s25+$0x0], $0xffff  }
0x1bb: {  	[tilespmem:v12+s13+$0x0] =	vst.idx.add.f32.msk $0xffff, v14  }
0x1bc: {  	[tilespmem:v63+s13+$0x0] =	vst.idx.add.f32.msk $0xffff, v0  }
0x1bd: {  	[tilespmem:v55+s13+$0x0] =	vst.idx.add.f32.msk $0xffff, v8  }
0x1be: {  	[tilespmem:v61+s13+$0x0] =	vst.idx.add.f32.msk $0xffff, v1  }
0x1bf: {  	s29 =	simm.s32 $0x158E0;
	s28 =	simm.s32 $0x0;
	[tilespmem:v60+s13+$0x0] =	vst.idx.add.f32.msk $0xffff, v4  }
.LBB2_6:
0x1c0: {  	v21 =	vld [tilespmem:s29+$0x50]  }
0x1c1: {  	v8 =	vld [tilespmem:s29+$0xFFFFFFB0]  }
0x1c2: {  	v10 =	vld [tilespmem:s29+$0xFFFFFFC0]  }
0x1c3: {  	v22 =	vld [tilespmem:s29+$0xFFFFFFD0]  }
0x1c4: {  	v23 =	vld [tilespmem:s29+$0xFFFFFFE0]  }
0x1c5: {  	v25 =	vld [tilespmem:s29+$0xFFFFFFF0]  }
0x1c6: {  	v30 =	vld [tilespmem:s29+$0x0]  }
0x1c7: {  	v33 =	vld [tilespmem:s29+$0x10]  }
0x1c8: {  	v34 =	vld [tilespmem:s29+$0x20]  }
0x1c9: {  	v36 =	vld [tilespmem:s29+$0x30]  }
0x1ca: {  	v38 =	vld [tilespmem:s29+$0x40]  }
0x1cb: {  	s26 =	sadd.s32 $0xC0, s26;
	v40 =	vld [tilespmem:s29+$0xFFFFFFA0]  }
0x1cc: {  	v28 =	vld [tilespmem:s26+$0x50]  }
0x1cd: {  	v57 =	vld [tilespmem:s26+$0xFFFFFFE0]  }
0x1ce: {  	v59 =	vld [tilespmem:s26+$0xFFFFFFF0]  }
0x1cf: {  	v62 =	vld [tilespmem:s26+$0x0]  }
0x1d0: {  	v2 =	vld [tilespmem:s26+$0x10]  }
0x1d1: {  	v3 =	vld [tilespmem:s26+$0x20]  }
0x1d2: {  	v1 =	vld [tilespmem:s26+$0x30];
	v0 =	vadd.s32 $0x4E20, v8  }
0x1d3: {  	[tilespmem:$0x1FE40] =	vst v0;
	v0 =	vld [tilespmem:s26+$0x40]  }
0x1d4: {  	v7 =	vld.idx.msk [tilespmem:v21+s25+$0x0], $0xffff  }
0x1d5: {  	v45 =	vld.idx.msk [tilespmem:v8+s25+$0x0], $0xffff  }
0x1d6: {  	v46 =	vld.idx.msk [tilespmem:v10+s25+$0x0], $0xffff  }
0x1d7: {  	v49 =	vld.idx.msk [tilespmem:v22+s25+$0x0], $0xffff  }
0x1d8: {  	v50 =	vld.idx.msk [tilespmem:v23+s25+$0x0], $0xffff  }
0x1d9: {  	v51 =	vld.idx.msk [tilespmem:v25+s25+$0x0], $0xffff  }
0x1da: {  	v52 =	vld.idx.msk [tilespmem:v33+s25+$0x0], $0xffff  }
0x1db: {  	v27 =	vadd.s32 $0x2710, v22;
	v13 =	vadd.s32 $0x4E20, v22;
	v53 =	vld.idx.msk [tilespmem:v34+s25+$0x0], $0xffff  }
0x1dc: {  	v14 =	vadd.s32 $0x7530, v22;
	v29 =	vadd.s32 $0x2710, v23;
	v15 =	vadd.s32 $0x4E20, v23;
	v54 =	vld.idx.msk [tilespmem:v36+s25+$0x0], $0xffff  }
0x1dd: {  	v16 =	vadd.s32 $0x7530, v23;
	v17 =	vadd.s32 $0x7530, v25;
	v18 =	vadd.s32 $0x7530, v30;
	[tilespmem:$0x1FE70] =	vst v15;
	v55 =	vld.idx.msk [tilespmem:v38+s25+$0x0], $0xffff  }
0x1de: {  	v37 =	vadd.s32 $0x2710, v33;
	v19 =	vadd.s32 $0x7530, v33;
	[tilespmem:$0x1FEC0] =	vst v17;
	v17 =	vadd.s32 $0x4E20, v33;
	v33 =	vld [tilespmem:s26+$0xFFFFFFA0]  }
0x1df: {  	v39 =	vadd.s32 $0x2710, v34;
	v20 =	vadd.s32 $0x7530, v34;
	[tilespmem:$0x1FED0] =	vst v18;
	v18 =	vadd.s32 $0x4E20, v34;
	v34 =	vld [tilespmem:s26+$0xFFFFFFB0]  }
0x1e0: {  	v41 =	vadd.s32 $0x2710, v36;
	[tilespmem:$0x1FEE0] =	vst v19;
	v19 =	vadd.s32 $0x4E20, v36;
	v22 =	vadd.s32 $0x7530, v36;
	v36 =	vld [tilespmem:s26+$0xFFFFFFC0]  }
0x1e1: {  	v42 =	vadd.s32 $0x2710, v38;
	[tilespmem:$0x1FEF0] =	vst v20;
	v20 =	vadd.s32 $0x4E20, v38;
	v23 =	vadd.s32 $0x7530, v38;
	v38 =	vld [tilespmem:s26+$0xFFFFFFD0]  }
0x1e2: {  	[tilespmem:v28+s13+$0x0] =	vst.idx.add.f32.msk $0xffff, v7  }
0x1e3: {  	v15 =	vadd.s32 $0x2710, v21;
	[tilespmem:v57+s13+$0x0] =	vst.idx.add.f32.msk $0xffff, v50  }
0x1e4: {  	[tilespmem:v59+s13+$0x0] =	vst.idx.add.f32.msk $0xffff, v51  }
0x1e5: {  	[tilespmem:v2+s13+$0x0] =	vst.idx.add.f32.msk $0xffff, v52  }
0x1e6: {  	[tilespmem:v3+s13+$0x0] =	vst.idx.add.f32.msk $0xffff, v53  }
0x1e7: {  	v31 =	vadd.s32 $0x2710, v25;
	[tilespmem:v1+s13+$0x0] =	vst.idx.add.f32.msk $0xffff, v54  }
0x1e8: {  	v43 =	vld.idx.msk [tilespmem:v15+s25+$0x0], $0xffff  }
0x1e9: {  	v48 =	vadd.s32 $0x2710, v40;
	v32 =	vadd.s32 $0x4E20, v40;
	v15 =	vadd.s32 $0x7530, v40;
	v40 =	vld.idx.msk [tilespmem:v40+s25+$0x0], $0xffff  }
0x1ea: {  	[tilespmem:v0+s13+$0x0] =	vst.idx.add.f32.msk $0xffff, v55  }
0x1eb: {  	v51 =	vld.idx.msk [tilespmem:v29+s25+$0x0], $0xffff  }
0x1ec: {  	v52 =	vld.idx.msk [tilespmem:v31+s25+$0x0], $0xffff  }
0x1ed: {  	v44 =	vadd.s32 $0x2710, v28;
	v54 =	vld.idx.msk [tilespmem:v37+s25+$0x0], $0xffff  }
0x1ee: {  	[tilespmem:$0x1FEA0] =	vst v14;
	v55 =	vld.idx.msk [tilespmem:v39+s25+$0x0], $0xffff  }
0x1ef: {  	v5 =	vadd.s32 $0x2710, v57;
	[tilespmem:v34+s13+$0x0] =	vst.idx.add.f32.msk $0xffff, v45  }
0x1f0: {  	v4 =	vadd.s32 $0x2710, v59;
	[tilespmem:v36+s13+$0x0] =	vst.idx.add.f32.msk $0xffff, v46  }
0x1f1: {  	v47 =	vadd.s32 $0x4E20, v21;
	[tilespmem:v38+s13+$0x0] =	vst.idx.add.f32.msk $0xffff, v49  }
0x1f2: {  	[tilespmem:v44+s13+$0x0] =	vst.idx.add.f32.msk $0xffff, v43  }
0x1f3: {  	[tilespmem:v33+s13+$0x0] =	vst.idx.add.f32.msk $0xffff, v40  }
0x1f4: {  	[tilespmem:v5+s13+$0x0] =	vst.idx.add.f32.msk $0xffff, v51  }
0x1f5: {  	v11 =	vadd.s32 $0x4E20, v10;
	v12 =	vadd.s32 $0x7530, v10;
	v14 =	vadd.s32 $0x4E20, v25;
	[tilespmem:v4+s13+$0x0] =	vst.idx.add.f32.msk $0xffff, v52  }
0x1f6: {  	[tilespmem:$0x1FE90] =	vst v12;
	v12 =	vadd.s32 $0x4E20, v57;
	v6 =	vadd.s32 $0x4E20, v0;
	v50 =	vadd.s32 $0x7530, v0;
	v25 =	vld.idx.msk [tilespmem:v47+s25+$0x0], $0xffff  }
0x1f7: {  	v45 =	vadd.s32 $0x2710, v2;
	v46 =	vadd.s32 $0x2710, v3;
	v43 =	vadd.s32 $0x4E20, v28;
	v47 =	vld.idx.msk [tilespmem:v30+s25+$0x0], $0xffff  }
0x1f8: {  	v44 =	vadd.s32 $0x7530, v28;
	v28 =	vadd.s32 $0x7530, v57;
	v57 =	vadd.s32 $0x2710, v0;
	v0 =	vld.idx.msk [tilespmem:v48+s25+$0x0], $0xffff  }
0x1f9: {  	v35 =	vadd.s32 $0x2710, v30;
	[tilespmem:$0x1FE50] =	vst v11;
	v48 =	vld.idx.msk [tilespmem:v27+s25+$0x0], $0xffff  }
0x1fa: {  	[tilespmem:$0x1FEB0] =	vst v16;
	v16 =	vadd.s32 $0x4E20, v30;
	v11 =	vadd.s32 $0x4E20, v59;
	v30 =	vadd.s32 $0x7530, v59;
	v59 =	vld.idx.msk [tilespmem:v41+s25+$0x0], $0xffff  }
0x1fb: {  	[tilespmem:$0x1FE60] =	vst v13;
	v41 =	vld [tilespmem:$0x1FE40]  }
0x1fc: {  	[tilespmem:v45+s13+$0x0] =	vst.idx.add.f32.msk $0xffff, v54  }
0x1fd: {  	[tilespmem:v46+s13+$0x0] =	vst.idx.add.f32.msk $0xffff, v55  }
0x1fe: {  	v9 =	vadd.s32 $0x7530, v8;
	v45 =	vld [tilespmem:$0x1FE60]  }
0x1ff: {  	[tilespmem:$0x1FE80] =	vst v9;
	v46 =	vld [tilespmem:$0x1FE70]  }
0x200: {  	v24 =	vadd.s32 $0x2710, v8;
	v54 =	vld [tilespmem:$0x1FE80]  }
0x201: {  	v26 =	vadd.s32 $0x2710, v10;
	v55 =	vld [tilespmem:$0x1FE90]  }
0x202: {  	v56 =	vadd.s32 $0x2710, v33;
	v51 =	vld.idx.msk [tilespmem:v18+s25+$0x0], $0xffff  }
0x203: {  	v63 =	vadd.s32 $0x2710, v38;
	[tilespmem:v43+s13+$0x0] =	vst.idx.add.f32.msk $0xffff, v25  }
0x204: {  	v13 =	vadd.s32 $0x4E20, v38;
	v49 =	vadd.s32 $0x2710, v1;
	[tilespmem:v62+s13+$0x0] =	vst.idx.add.f32.msk $0xffff, v47  }
0x205: {  	v7 =	vadd.s32 $0x4E20, v1;
	v25 =	vadd.s32 $0x7530, v38;
	v38 =	vadd.s32 $0x7530, v1;
	v1 =	vld.idx.msk [tilespmem:v24+s25+$0x0], $0xffff  }
0x206: {  	v47 =	vld.idx.msk [tilespmem:v26+s25+$0x0], $0xffff  }
0x207: {  	[tilespmem:v56+s13+$0x0] =	vst.idx.add.f32.msk $0xffff, v0  }
0x208: {  	[tilespmem:v63+s13+$0x0] =	vst.idx.add.f32.msk $0xffff, v48  }
0x209: {  	v21 =	vadd.s32 $0x7530, v21;
	[tilespmem:v49+s13+$0x0] =	vst.idx.add.f32.msk $0xffff, v59  }
0x20a: {  	v49 =	vld.idx.msk [tilespmem:v17+s25+$0x0], $0xffff  }
0x20b: {  	v56 =	vld [tilespmem:$0x1FEA0]  }
0x20c: {  	[tilespmem:$0x1FF10] =	vst v23;
	v59 =	vld [tilespmem:$0x1FED0]  }
0x20d: {  	v8 =	vadd.s32 $0x4E20, v3;
	v63 =	vld [tilespmem:$0x1FF10]  }
0x20e: {  	v21 =	vld.idx.msk [tilespmem:v21+s25+$0x0], $0xffff  }
0x20f: {  	v53 =	vld.idx.msk [tilespmem:v35+s25+$0x0], $0xffff  }
0x210: {  	v58 =	vadd.s32 $0x2710, v34;
	v0 =	vld.idx.msk [tilespmem:v32+s25+$0x0], $0xffff  }
0x211: {  	v60 =	vadd.s32 $0x2710, v36;
	v52 =	vld.idx.msk [tilespmem:v19+s25+$0x0], $0xffff  }
0x212: {  	v9 =	vadd.s32 $0x4E20, v2;
	[tilespmem:v8+s13+$0x0] =	vst.idx.add.f32.msk $0xffff, v51  }
0x213: {  	v61 =	vadd.s32 $0x4E20, v36;
	v23 =	vadd.s32 $0x7530, v36;
	v36 =	vadd.s32 $0x7530, v3;
	v3 =	vld.idx.msk [tilespmem:v45+s25+$0x0], $0xffff  }
0x214: {  	v4 =	vld.idx.msk [tilespmem:v46+s25+$0x0], $0xffff  }
0x215: {  	[tilespmem:v58+s13+$0x0] =	vst.idx.add.f32.msk $0xffff, v1  }
0x216: {  	[tilespmem:v60+s13+$0x0] =	vst.idx.add.f32.msk $0xffff, v47  }
0x217: {  	v47 =	vld.idx.msk [tilespmem:v14+s25+$0x0], $0xffff  }
0x218: {  	v40 =	vadd.s32 $0x2710, v62;
	[tilespmem:v9+s13+$0x0] =	vst.idx.add.f32.msk $0xffff, v49  }
0x219: {  	v58 =	vld [tilespmem:$0x1FEC0]  }
0x21a: {  	v60 =	vld [tilespmem:$0x1FEE0]  }
0x21b: {  	v43 =	vadd.s32 $0x4E20, v33;
	[tilespmem:v44+s13+$0x0] =	vst.idx.add.f32.msk $0xffff, v21  }
0x21c: {  	v10 =	vadd.s32 $0x4E20, v62;
	v21 =	vadd.s32 $0x7530, v33;
	v33 =	vadd.s32 $0x7530, v62;
	v62 =	vld.idx.msk [tilespmem:v42+s25+$0x0], $0xffff  }
0x21d: {  	[tilespmem:v40+s13+$0x0] =	vst.idx.add.f32.msk $0xffff, v53  }
0x21e: {  	v1 =	vld.idx.msk [tilespmem:v41+s25+$0x0], $0xffff  }
0x21f: {  	v42 =	vld [tilespmem:$0x1FE50]  }
0x220: {  	[tilespmem:v43+s13+$0x0] =	vst.idx.add.f32.msk $0xffff, v0  }
0x221: {  	[tilespmem:v7+s13+$0x0] =	vst.idx.add.f32.msk $0xffff, v52  }
0x222: {  	v48 =	vld.idx.msk [tilespmem:v16+s25+$0x0], $0xffff  }
0x223: {  	v0 =	vld.idx.msk [tilespmem:v15+s25+$0x0], $0xffff  }
0x224: {  	v44 =	vadd.s32 $0x4E20, v34;
	[tilespmem:v13+s13+$0x0] =	vst.idx.add.f32.msk $0xffff, v3  }
0x225: {  	[tilespmem:v12+s13+$0x0] =	vst.idx.add.f32.msk $0xffff, v4  }
0x226: {  	[tilespmem:v11+s13+$0x0] =	vst.idx.add.f32.msk $0xffff, v47  }
0x227: {  	v3 =	vld.idx.msk [tilespmem:v56+s25+$0x0], $0xffff  }
0x228: {  	[tilespmem:v57+s13+$0x0] =	vst.idx.add.f32.msk $0xffff, v62  }
0x229: {  	[tilespmem:v44+s13+$0x0] =	vst.idx.add.f32.msk $0xffff, v1  }
0x22a: {  	[tilespmem:$0x1FF00] =	vst v22;
	v57 =	vld [tilespmem:$0x1FEB0]  }
0x22b: {  	v62 =	vld [tilespmem:$0x1FF00]  }
0x22c: {  	v53 =	vld.idx.msk [tilespmem:v20+s25+$0x0], $0xffff  }
0x22d: {  	[tilespmem:v10+s13+$0x0] =	vst.idx.add.f32.msk $0xffff, v48  }
0x22e: {  	v1 =	vld.idx.msk [tilespmem:v54+s25+$0x0], $0xffff  }
0x22f: {  	[tilespmem:v21+s13+$0x0] =	vst.idx.add.f32.msk $0xffff, v0  }
0x230: {  	v5 =	vld.idx.msk [tilespmem:v58+s25+$0x0], $0xffff  }
0x231: {  	v22 =	vadd.s32 $0x7530, v34;
	v7 =	vld.idx.msk [tilespmem:v60+s25+$0x0], $0xffff  }
0x232: {  	v34 =	vadd.s32 $0x7530, v2;
	v2 =	vld.idx.msk [tilespmem:v42+s25+$0x0], $0xffff  }
0x233: {  	[tilespmem:v25+s13+$0x0] =	vst.idx.add.f32.msk $0xffff, v3  }
0x234: {  	[tilespmem:v6+s13+$0x0] =	vst.idx.add.f32.msk $0xffff, v53  }
0x235: {  	v6 =	vld.idx.msk [tilespmem:v59+s25+$0x0], $0xffff  }
0x236: {  	[tilespmem:v22+s13+$0x0] =	vst.idx.add.f32.msk $0xffff, v1  }
0x237: {  	[tilespmem:v61+s13+$0x0] =	vst.idx.add.f32.msk $0xffff, v2  }
0x238: {  	v61 =	vld [tilespmem:$0x1FEF0]  }
0x239: {  	v10 =	vld.idx.msk [tilespmem:v63+s25+$0x0], $0xffff  }
0x23a: {  	[tilespmem:v30+s13+$0x0] =	vst.idx.add.f32.msk $0xffff, v5  }
0x23b: {  	[tilespmem:v34+s13+$0x0] =	vst.idx.add.f32.msk $0xffff, v7  }
0x23c: {  	v4 =	vld.idx.msk [tilespmem:v57+s25+$0x0], $0xffff  }
0x23d: {  	v9 =	vld.idx.msk [tilespmem:v62+s25+$0x0], $0xffff  }
0x23e: {  	v2 =	vld.idx.msk [tilespmem:v55+s25+$0x0], $0xffff  }
0x23f: {  	s28 =	sadd.s32 $0xC, s28;
	[tilespmem:v33+s13+$0x0] =	vst.idx.add.f32.msk $0xffff, v6  }
0x240: {  	p1 =	slt.u32 s28, $0xE4;
	v8 =	vld.idx.msk [tilespmem:v61+s25+$0x0], $0xffff  }
.Ltmp4:
0x241: {  	[tilespmem:v50+s13+$0x0] =	vst.idx.add.f32.msk $0xffff, v10;
	(pc) =	sbr.rel @p1 .LBB2_6-.Ltmp4, $4  }
0x242: {  	[tilespmem:v28+s13+$0x0] =	vst.idx.add.f32.msk $0xffff, v4  }
0x243: {  	[tilespmem:v38+s13+$0x0] =	vst.idx.add.f32.msk $0xffff, v9  }
0x244: {  	[tilespmem:v23+s13+$0x0] =	vst.idx.add.f32.msk $0xffff, v2  }
0x245: {  	s29 =	sadd.s32 $0xC0, s29;
	[tilespmem:v36+s13+$0x0] =	vst.idx.add.f32.msk $0xffff, v8  }
.LBB2_7:
0x246: {  	s26 =	sshra.s32 s25, $0x2  }
0x247: {  	v0 =	vld [tilespmem:s26+$0x166C0];
	_ =	sdelay $0x4  }
0x248: {  	v1 =	vld [tilespmem:s26+$0x17660];
	_ =	sdelay $0x2  }
0x249: {  	v2 =	vld.idx.msk [tilespmem:v0+s1+$0x0], $0xffff  }
0x24a: {  	v3 =	vadd.s32 $0x2710, v0;
	_ =	sdelay $0x3  }
0x24b: {  	[tilespmem:v1+s13+$0x0] =	vst.idx.add.f32.msk $0xffff, v2  }
0x24c: {  	v62 =	vadd.s32 $0x2710, v1;
	v2 =	vld.idx.msk [tilespmem:v3+s1+$0x0], $0xffff  }
0x24d: {  	v4 =	vadd.s32 $0x4E20, v0;
	_ =	sdelay $0x3  }
0x24e: {  	[tilespmem:v62+s13+$0x0] =	vst.idx.add.f32.msk $0xffff, v2  }
0x24f: {  	v63 =	vadd.s32 $0x4E20, v1;
	v2 =	vld.idx.msk [tilespmem:v4+s1+$0x0], $0xffff  }
0x250: {  	v0 =	vadd.s32 $0x7530, v0;
	_ =	sdelay $0x3  }
0x251: {  	[tilespmem:v63+s13+$0x0] =	vst.idx.add.f32.msk $0xffff, v2  }
0x252: {  	p1 =	sne.s32 s25, $0x240;
	v1 =	vadd.s32 $0x7530, v1;
	v0 =	vld.idx.msk [tilespmem:v0+s1+$0x0], $0xffff  }
.Ltmp5:
0x253: {  	_ = 	snop;
	(pc) =	sbr.rel @p1 .LBB2_7-.Ltmp5, $2  }
0x254: {  	_ =	sdelay $0x2  }
0x255: {  	s25 =	sadd.s32 $0x40, s25;
	[tilespmem:v1+s13+$0x0] =	vst.idx.add.f32.msk $0xffff, v0  }
.Ltmp6:
0x256: {  	(pc) =	sbr.rel @p0 .LBB2_10-.Ltmp6, $1  }
0x257: {  	_ =	sdelay $0x3  }
0x258: {  	s25 =	smul.u32 $0x1F40, s24;
	_ =	sdelay $0x1  }
0x259: {  	s25 =	sadd.s32 s25, s10  }
.Ltmp7:
0x25a: {  	s25 =	sshrl.u32 s25, $0x3;
	(pc) =	sbr.rel .LBB2_2-.Ltmp7, $4  }
0x25b: {  	s26 =	sadd.s32 s3, s25  }
0x25c: {  	[tilespmem:s17], [sflag:$0x2] =	stream.linear.gather [hbm4b:s26+s1], $0xFA0, $0x38;
	[tilespmem:$0x17700] =	vst v63  }
0x25d: {  	s24 =	sadd.s32 $0x1, s24;
	s25 =	sadd.s32 s7, s25  }
0x25e: {  	[tilespmem:s19], [sflag:$0x2] =	stream.linear.gather [hbm4b:s25+s1], $0xFA0, $0x38;
	[tilespmem:$0x17700] =	vst v63  }
.LBB2_11:
0x25f: {  	_ =	sfence.sel $0x180000  }
0x260: {  	[bflag:$0x0] =	sbarrier.arrive $0xFFFF  }
0x261: {  	p0 =	sne.s32 s2, $0x0;
	_ =	strace $0x9000004A  }
0x262: {  	s0 =	sadd.s32 @!p0 $0x100000, s0;
	[bflag:$0x2] =	sbarrier.arrive $0xFFFF  }
0x263: {  	[sflag:s0] =	ssyncadd.tile.s32 @!p0 $0x1;
	_ =	shalt  }
.Lfunc_end2:
_tile_overlayer_lowered:
.L_overlay_start_2:
0x264: {  	(tag) =	ssettag $0x2  }
0x265: {  	s0 =	rddreg [dreg:$0x0];
	s2 =	stileid.u32  }
0x266: {  	s1 =	rddreg [dreg:$0x1];
	p0 =	sne.s32 s2, $0x0  }
0x267: {  	s3 =	rddreg [dreg:$0x2];
	[bflag:$0x3] =	sbarrier.arrive $0xFFFF;
	s2 =	simm.s32 @!p0 $0x1C03  }
0x268: {  	[timem:s3], [sflag:s2] =	dma.local @!p0 [hbm:s0], s1  }
0x269: {  	s0 =	simm.s32 @!p0 $0x3  }
0x26a: {  	_ =	swait.ge @!p0 [sflag:s0], s1  }
0x26b: {  	s1 =	ssub.s32 @!p0 $0x0, s1;
	[sflag:s0] =	ssyncset.done @!p0 $0x0  }
0x26c: {  	[sflag:s0] =	ssyncadd.s32 @!p0 s1  }
0x26d: {  	[bflag:$0x3] =	sbarrier.arrive $0xFFFF  }
0x26e: {  	_ =	shalt  }

// kernel: kernel.7.cloned.1.call-start
scs
__scs_entry_jumppad:
0x0: {  	(pc) =	sbr.rel $0x88, $3  }
0x1: {  	(tag) =	ssettag $0x0;
	lr =	simm.s32 $0x1  }
0x2: {  	[smem:$0x3F93] =	sst lr;
	_ =	strace $0xD0000000  }
0x3: {  	_ = 	snop  }
0x4: {  	_ = 	snop  }
0x5: {  	_ = 	snop  }
0x6: {  	_ = 	snop  }
0x7: {  	_ = 	snop  }
__scs_overlays_trampoline_lowered:
0x8: {  	[smem:$0x3FA2] =	sst s0  }
0x9: {  	[smem:$0x3FA3] =	sst s1  }
0xa: {  	[smem:$0x3FA4] =	sst s2  }
0xb: {  	[smem:$0x3FA5] =	sst s3  }
0xc: {  	[smem:$0x3FA6] =	sst s4  }
0xd: {  	[smem:$0x3FA7] =	sst s5  }
0xe: {  	[smem:$0x3FA8] =	sst s6  }
0xf: {  	[smem:$0x3FA9] =	sst s7  }
0x10: {  	[smem:$0x3FAA] =	sst s8  }
0x11: {  	[smem:$0x3FAB] =	sst s9;
	s0 =	simm.s32 @!p0 $0x0  }
0x12: {  	s1 =	sld [smem:$0x3F91];
	s0 =	simm.s32 @p0 $0x1  }
0x13: {  	[smem:$0x3FAC] =	sst s0;
	s0 =	simm.s32 @!p1 $0x0  }
0x14: {  	s2 =	sld [smem:$0x3F90];
	s0 =	simm.s32 @p1 $0x1  }
0x15: {  	[smem:$0x3FAD] =	sst s0;
	s0 =	simm.s32 @!p2 $0x0  }
0x16: {  	s3 =	sld [smem:$0x3FDB];
	s0 =	simm.s32 @p2 $0x1  }
0x17: {  	s4 =	simm.s32 $0x1BF5;
	[smem:$0x3FAF] =	sst s0  }
0x18: {  	s0 =	sld [smem:$0x3F92];
	_ =	swait.ge [sflag:s4], $0x0  }
0x19: {  	s7 =	sld [smem:$0x3F93]  }
0x1a: {  	s8 =	sadd.s32 $0xFFFFE003, lr  }
0x1b: {  	s9 =	sadd.s32 $0xFFFFFEF7, lr;
	s5 =	simm.s32 $0xFFFFFFFF;
	p2 =	slt.u32 s8, $0xFFFFF086  }
0x1c: {  	p1 =	slt.u32 s9, $0xF7A;
	s5 =	simm.s32 @!p2 $0x0  }
0x1d: {  	s5 =	simm.s32 @p1 $0x1;
	p0 =	seq.s32 s7, s2  }
0x1e: {  	s7 =	smul.u32 @!p0 $0xF7A, s2;
	p2 =	seq.s32 @!p0 s5, $0x0  }
0x1f: {  	s9 =	smul.u32 $0xF7A, s1;
	s8 =	simm.s32 @!p0 $0x1BF5;
	p2 =	por !p2, p0  }
0x20: {  	[sflag:s8] =	ssyncset.s32 @!p0 $0xFFFFF086;
	s6 =	sadd.s32 @!p0 s3, s7;
	s7 =	simm.s32 @!p0 $0x108  }
0x21: {  	s3 =	sadd.s32 s3, s9;
	s6 =	sadd.s32 @!p0 $0x88, s6;
	s7 =	simm.s32 @p2 $0x1082  }
0x22: {  	[simem:s7], [sflag:s8] =	dma.local @!p0 [hbm:s6], $0xF7A  }
0x23: {  	s9 =	sor.u32 $0xD0000000, s2;
	s6 =	simm.s32 $0x108;
	_ =	swait.ge @!p0 [sflag:s8], $0x0  }
0x24: {  	s3 =	sadd.s32 $0x88, s3;
	s6 =	simm.s32 @!p1 $0x1082;
	[sflag:s4] =	ssyncset.s32 $0xFFFFF086  }
0x25: {  	[simem:s6], [sflag:s4] =	dma.local [hbm:s3], $0xF7A  }
0x26: {  	[smem:$0x3F93] =	sst s1;
	(tag) =	ssettag s2;
	_ =	strace s9  }
0x27: {  	s1 =	sld [smem:$0x3FA3]  }
0x28: {  	s2 =	sld [smem:$0x3FA4]  }
0x29: {  	s4 =	sld [smem:$0x3FA6]  }
0x2a: {  	p0 =	seq.s32 s5, $0x0;
	s5 =	sld [smem:$0x3FA7]  }
0x2b: {  	s6 =	sld [smem:$0x3FA8]  }
0x2c: {  	s7 =	sld [smem:$0x3FA9]  }
0x2d: {  	s3 =	simm.s32 $0x108;
	s8 =	sld [smem:$0x3FAA]  }
0x2e: {  	s3 =	simm.s32 @!p0 $0x1082;
	s9 =	sld [smem:$0x3FAB]  }
0x2f: {  	lr =	sadd.s32 s0, s3;
	s0 =	sld [smem:$0x3FA2]  }
0x30: {  	s3 =	sld [smem:$0x3FA5]  }
0x31: {  	[smem:$0x3FAE] =	sst s10  }
0x32: {  	s10 =	sld [smem:$0x3FAC];
	_ =	sdelay $0x3  }
0x33: {  	p0 =	seq.s32 s10, $0x1;
	s10 =	sld [smem:$0x3FAE];
	_ =	sdelay $0x3  }
0x34: {  	[smem:$0x3FAE] =	sst s10  }
0x35: {  	s10 =	sld [smem:$0x3FAD];
	_ =	sdelay $0x3  }
0x36: {  	p1 =	seq.s32 s10, $0x1;
	s10 =	sld [smem:$0x3FAE];
	_ =	sdelay $0x3  }
0x37: {  	[smem:$0x3FAE] =	sst s10  }
0x38: {  	s10 =	sld [smem:$0x3FAF]  }
0x39: {  	_ = 	snop;
	(pc) =	sbr.ind lr, $3  }
0x3a: {  	_ = 	snop  }
0x3b: {  	_ = 	snop  }
0x3c: {  	p2 =	seq.s32 s10, $0x1;
	s10 =	sld [smem:$0x3FAE]  }
0x3d: {  	_ =	shalt  }
0x3e: {  	_ =	shalt  }
0x3f: {  	_ =	shalt  }
0x40: {  	_ =	shalt  }
0x41: {  	_ =	shalt  }
0x42: {  	_ =	shalt  }
0x43: {  	_ =	shalt  }
0x44: {  	_ =	shalt  }
0x45: {  	_ =	shalt  }
0x46: {  	_ =	shalt  }
0x47: {  	_ =	shalt  }
0x48: {  	_ =	shalt  }
0x49: {  	_ =	shalt  }
0x4a: {  	_ =	shalt  }
0x4b: {  	_ =	shalt  }
0x4c: {  	_ =	shalt  }
0x4d: {  	_ =	shalt  }
0x4e: {  	_ =	shalt  }
0x4f: {  	_ =	shalt  }
0x50: {  	_ =	shalt  }
0x51: {  	_ =	shalt  }
0x52: {  	_ =	shalt  }
0x53: {  	_ =	shalt  }
0x54: {  	_ =	shalt  }
0x55: {  	_ =	shalt  }
0x56: {  	_ =	shalt  }
0x57: {  	_ =	shalt  }
0x58: {  	_ =	shalt  }
0x59: {  	_ =	shalt  }
0x5a: {  	_ =	shalt  }
0x5b: {  	_ =	shalt  }
0x5c: {  	_ =	shalt  }
0x5d: {  	_ =	shalt  }
0x5e: {  	_ =	shalt  }
0x5f: {  	_ =	shalt  }
0x60: {  	_ =	shalt  }
0x61: {  	_ =	shalt  }
0x62: {  	_ =	shalt  }
0x63: {  	_ =	shalt  }
0x64: {  	_ =	shalt  }
0x65: {  	_ =	shalt  }
0x66: {  	_ =	shalt  }
0x67: {  	_ =	shalt  }
0x68: {  	_ =	shalt  }
0x69: {  	_ =	shalt  }
0x6a: {  	_ =	shalt  }
0x6b: {  	_ =	shalt  }
0x6c: {  	_ =	shalt  }
0x6d: {  	_ =	shalt  }
0x6e: {  	_ =	shalt  }
0x6f: {  	_ =	shalt  }
0x70: {  	_ =	shalt  }
0x71: {  	_ =	shalt  }
0x72: {  	_ =	shalt  }
0x73: {  	_ =	shalt  }
0x74: {  	_ =	shalt  }
0x75: {  	_ =	shalt  }
0x76: {  	_ =	shalt  }
0x77: {  	_ =	shalt  }
0x78: {  	_ =	shalt  }
0x79: {  	_ =	shalt  }
0x7a: {  	_ =	shalt  }
0x7b: {  	_ =	shalt  }
0x7c: {  	_ =	shalt  }
0x7d: {  	_ =	shalt  }
0x7e: {  	_ =	shalt  }
0x7f: {  	_ =	shalt  }
0x80: {  	_ =	shalt  }
0x81: {  	_ =	shalt  }
0x82: {  	_ =	shalt  }
0x83: {  	_ =	shalt  }
0x84: {  	_ =	shalt  }
0x85: {  	_ =	shalt  }
0x86: {  	_ =	shalt  }
0x87: {  	_ =	shalt  }
.Lfunc_end0:
.L_simem_size_0:
called_computation_lowered:
.L_overlay_start_0:
0x88: {  	s2 =	sld [smem:$0x3FD9]  }
0x89: {  	s3 =	sld [smem:$0x3FFE];
	_ =	sdelay $0x1  }
0x8a: {  	s1 =	srdreg.scid  }
0x8b: {  	s0 =	sand.u32 $0x1, s1  }
0x8c: {  	s17 =	sshll.u32 s0, $0xA;
	s2 =	sadd.s32 s3, s2  }
0x8d: {  	s2 =	sadd.s32 s2, s17  }
0x8e: {  	[smem:$0x3FBA] =	sst s2  }
0x8f: {  	_ = 	snop  }
0x90: {  	s2 =	sld [smem:$0x3FD0];
	(tm) =	ssettm $0x1  }
0x91: {  	s18 =	sld [smem:$0x3FFB];
	_ =	sdelay $0x3  }
0x92: {  	_ =	strace s18  }
0x93: {  	s3 =	sld [smem:$0x3FFC];
	_ =	sdelay $0x3  }
0x94: {  	_ =	strace s3  }
0x95: {  	s3 =	sld [smem:$0x3FFD];
	_ =	sdelay $0x3  }
0x96: {  	_ =	strace s3  }
0x97: {  	_ =	strace $0x8FFFFFFF  }
0x98: {  	s19 =	sld [smem:$0x3FDB];
	_ =	sdelay $0x1  }
0x99: {  	s4 =	simm.s32 $_scs_section_size  }
0x9a: {  	s5 =	simm.s32 $_size__tile_overlayer_lowered;
	s6 =	simm.s32 $_tile_overlayer_lowered  }
0x9b: {  	s22 =	simm.s32 $0x1BFF;
	s21 =	sshll.u32 s6, $0x1;
	s3 =	sadd.s32 s4, s19  }
0x9c: {  	s7 =	simm.s32 $0x0;
	s20 =	sshll.u32 s5, $0x1;
	s5 =	sadd.s32 s21, s3  }
0x9d: {  	[timem:s7], [sflag:s22] =	dma.local [hbm:s5], s20  }
0x9e: {  	_ =	swait.ge [sflag:s22], s20  }
0x9f: {  	s4 =	ssub.s32 $0x0, s20;
	[sflag:s22] =	ssyncset.done $0x0  }
0xa0: {  	[sflag:s22] =	ssyncadd.s32 s4;
	_ =	sdelay $0x1  }
0xa1: {  	s23 =	simm.s32 $0x1B8B  }
0xa2: {  	_ =	swait.ge [sflag:s23], $0x1  }
0xa3: {  	[sflag:s23] =	ssyncset.done $0x0  }
0xa4: {  	s25 =	simm.s32 $0x1B8E;
	s24 =	sld [smem:$0x3FFE];
	[sflag:s23] =	ssyncadd.s32 $0xFFFFFFFF  }
0xa5: {  	s26 =	simm.s32 $execute0_lowered;
	[smem:$0x3FD2] =	sst s25  }
0xa6: {  	s5 =	sshll.u32 s26, $0x1;
	_ =	strace $0x80000046;
	[dreg:$0x1] =	wrdreg $0xFFFFFFFF  }
0xa7: {  	s28 =	simm.s32 $_size_execute0_lowered;
	s3 =	sadd.s32 s3, s5;
	[dreg:$0x0] =	wrdreg $0x0  }
0xa8: {  	s5 =	sshll.u32 s28, $0x1;
	[dreg:$0x2] =	wrdreg s3  }
0xa9: {  	[dreg:$0x3] =	wrdreg s5  }
0xaa: {  	[dreg:$0x4] =	wrdreg $0xC0  }
0xab: {  	_ =	task [dreg:s7], $0x5FFFF  }
0xac: {  	[dreg:$0x1] =	wrdreg $0xFFFFFFFF  }
0xad: {  	[dreg:$0x0] =	wrdreg $0x60  }
0xae: {  	[dreg:$0x2] =	wrdreg s2  }
0xaf: {  	[dreg:$0x3] =	wrdreg s24  }
0xb0: {  	[dreg:$0x4] =	wrdreg $0x9  }
0xb1: {  	_ =	task.clear_ibuf [dreg:s7], $0x5FFFF;
	_ =	strace $0x90000046  }
0xb2: {  	s29 =	simm.s32 $0x9;
	_ =	strace $0x80000048  }
0xb3: {  	_ =	swait.ge [sflag:s29], $0x1  }
0xb4: {  	[sflag:s29] =	ssyncadd.s32 $0xFFFFFFFF  }
0xb5: {  	_ =	strace $0x90000048  }
0xb6: {  	_ =	sfence  }
0xb7: {  	s30 =	sld [smem:$0x0];
	_ =	sdelay $0x2  }
0xb8: {  	s31 =	sshll.u32 s1, $0xD;
	s1 =	sshrl.u32 s1, $0x2  }
0xb9: {  	s3 =	sand.u32 $0x4000, s31;
	s1 =	sadd.s32 s1, s30  }
0xba: {  	s0 =	sor.u32 s3, s0;
	s1 =	sshll.u32 s1, $0x11  }
0xbb: {  	s0 =	sor.u32 s1, s0  }
0xbc: {  	s0 =	sadd.s32 $0x8F2B, s0  }
0xbd: {  	[sflag:s0] =	ssyncadd.remote.s32 $0x1  }
0xbe: {  	_ =	sfence.sel $0xFFFF  }
0xbf: {  	[dreg:$0x0] =	wrdreg $0xFFFFFFFF;
	(pc) =	sbr.abs _section_cstart, $3  }
0xc0: {  	[dreg:$0x1] =	wrdreg $0xFFFFFFFF  }
0xc1: {  	_ =	task.clear_ibuf [dreg:s7], $0x2FFFF;
	_ =	strace $0x9FFFFFFF  }
0xc2: {  	(tm) =	ssettm $0x7FFFFFFF  }
0xc3: {  	_ =	shalt  }
tec
execute0_lowered:
.L_overlay_start_1:
0x0: {  	(tag) =	ssettag $0x1  }
0x1: {  	s5 =	rddreg [dreg:$0x0]  }
0x2: {  	s7 =	rddreg [dreg:$0x1]  }
0x3: {  	s0 =	rddreg [dreg:$0x2];
	s1 =	simm.s32 $0x0;
	s2 =	srdreg.scid  }
0x4: {  	s13 =	simm.s32 $0x9C40;
	s14 =	simm.s32 $0x13880;
	s16 =	simm.s32 $0x14820  }
0x5: {  	s17 =	simm.s32 $0x157C0;
	s19 =	simm.s32 $0x16760;
	s20 =	simm.s32 $0x1  }
0x6: {  	s21 =	simm.s32 $0x2;
	[smem:$0x7FF] =	sst s1;
	s4 =	sand.u32 $0x1, s2  }
0x7: {  	s3 =	sadd.s32 $0x2200, s7;
	s2 =	stileid.u32;
	s6 =	smul.u32 $0x13880, s4  }
0x8: {  	_ =	strace $0x80000047;
	s8 =	ssub.s32 $0x2, s4;
	s10 =	smul.u32 $0x27100, s4  }
0x9: {  	s4 =	sadd.s32 $0x15C00, s7;
	s22 =	smul.u32 $0x1388, s2;
	s9 =	sshrl.u32 s8, $0x1  }
0xa: {  	s11 =	sadd.s32 s6, s7;
	s12 =	ssub.s32 s8, s9;
	s15 =	sshrl.u32 s10, $0x3  }
.Ltmp0:
0xb: {  	s5 =	sadd.s32 s5, s22;
	s7 =	sadd.s32 $0xBE40, s7;
	(pc) =	sbr.rel .LBB2_1-.Ltmp0, $4  }
0xc: {  	s9 =	sadd.s32 $0x1F40, s10;
	s10 =	sadd.s32 $0x2EE0, s10;
	s6 =	sadd.s32 s3, s15  }
0xd: {  	s18 =	sadd.s32 $0x1F4, s15;
	s23 =	sadd.s32 $0x17000, s11;
	s11 =	smax.u32 s12, $0x1  }
0xe: {  	s12 =	simm.s32 $0x3;
	s15 =	sadd.s32 s15, s7;
	s8 =	sadd.s32 s3, s18  }
0xf: {  	s18 =	sadd.s32 s18, s7;
	s22 =	sadd.s32 s22, s23;
	s23 =	simm.s32 $0x0  }
.LBB2_10:
0x10: {  	s23 =	sadd.s32 $0x1, s23  }
0x11: {  	p0 =	sne.s32 s23, s11  }
.Ltmp1:
0x12: {  	_ = 	snop;
	(pc) =	sbr.rel @!p0 .LBB2_11-.Ltmp1, $4  }
0x13: {  	[hbm4b:s22+s1] =	stream.linear.scatter [tilespmem:s13], [sflag:$0x3], $0x9C40, $0x38;
	[tilespmem:$0x17700] =	vst v63  }
0x14: {  	_ =	swait.ge [sflag:s12], $0x9C40  }
0x15: {  	[sflag:s12] =	ssyncset.done $0x0  }
0x16: {  	[sflag:s12] =	ssyncadd.s32 $0xFFFF63C0  }
.LBB2_1:
0x17: {  	[tilespmem:s1], [sflag:$0x3] =	stream.linear.gather [hbm4b:s5+s1], $0x9C40, $0x38;
	[tilespmem:$0x17700] =	vst v63  }
0x18: {  	_ =	swait.ge [sflag:s12], $0x9C40  }
0x19: {  	[sflag:s12] =	ssyncset.done $0x0  }
0x1a: {  	[sflag:s12] =	ssyncadd.s32 $0xFFFF63C0  }
0x1b: {  	[tilespmem:s13], [sflag:$0x3] =	stream.linear.gather [hbm4b:s4+s1], $0x9C40, $0x38;
	[tilespmem:$0x17700] =	vst v63  }
0x1c: {  	_ =	swait.ge [sflag:s12], $0x9C40  }
0x1d: {  	[sflag:s12] =	ssyncset.done $0x0  }
0x1e: {  	[sflag:s12] =	ssyncadd.s32 $0xFFFF63C0  }
0x1f: {  	[tilespmem:s14], [sflag:$0x1] =	stream.linear.gather [hbm4b:s6+s1], $0xFA0, $0x38;
	[tilespmem:$0x17700] =	vst v63  }
0x20: {  	_ = 	snop  }
0x21: {  	[tilespmem:s16], [sflag:$0x1] =	stream.linear.gather [hbm4b:s15+s1], $0xFA0, $0x38;
	[tilespmem:$0x17700] =	vst v63  }
0x22: {  	_ = 	snop  }
0x23: {  	[tilespmem:s17], [sflag:$0x2] =	stream.linear.gather [hbm4b:s8+s1], $0xFA0, $0x38;
	[tilespmem:$0x17700] =	vst v63  }
0x24: {  	s24 =	simm.s32 $0x0  }
0x25: {  	[tilespmem:s19], [sflag:$0x2] =	stream.linear.gather [hbm4b:s18+s1], $0xFA0, $0x38;
	[tilespmem:$0x17700] =	vst v63  }
.LBB2_2:
0x26: {  	_ =	swait.ge [sflag:s20], $0xFA0  }
0x27: {  	[sflag:s20] =	ssyncset.done $0x0  }
0x28: {  	[sflag:s20] =	ssyncadd.s32 $0xFFFFF060  }
0x29: {  	_ =	swait.ge [sflag:s20], $0xFA0  }
0x2a: {  	[sflag:s20] =	ssyncset.done $0x0  }
0x2b: {  	s28 =	simm.s32 $0x138E0;
	[sflag:s20] =	ssyncadd.s32 $0xFFFFF060  }
0x2c: {  	v10 =	vld [tilespmem:s28+$0x50]  }
0x2d: {  	v9 =	vld [tilespmem:s28+$0xFFFFFFB0]  }
0x2e: {  	v8 =	vld [tilespmem:s28+$0xFFFFFFC0]  }
0x2f: {  	v7 =	vld [tilespmem:s28+$0xFFFFFFD0]  }
0x30: {  	v5 =	vld [tilespmem:s28+$0xFFFFFFE0]  }
0x31: {  	s26 =	simm.s32 $0x14880;
	v6 =	vld [tilespmem:s28+$0xFFFFFFF0]  }
0x32: {  	v11 =	vld [tilespmem:s26+$0x50]  }
0x33: {  	v3 =	vld [tilespmem:s28+$0x0]  }
0x34: {  	v4 =	vld [tilespmem:s28+$0x10]  }
0x35: {  	v1 =	vld [tilespmem:s28+$0x20]  }
0x36: {  	v2 =	vld [tilespmem:s28+$0x30]  }
0x37: {  	v0 =	vld [tilespmem:s28+$0x40]  }
0x38: {  	v14 =	vld [tilespmem:s28+$0xFFFFFFA0]  }
0x39: {  	v24 =	vld [tilespmem:s26+$0xFFFFFFB0]  }
0x3a: {  	v26 =	vld [tilespmem:s26+$0xFFFFFFC0]  }
0x3b: {  	v27 =	vld [tilespmem:s26+$0xFFFFFFD0]  }
0x3c: {  	v28 =	vld [tilespmem:s26+$0xFFFFFFE0]  }
0x3d: {  	s25 =	simm.s32 $0x0;
	v29 =	vld [tilespmem:s26+$0xFFFFFFF0]  }
0x3e: {  	v12 =	vld.idx.msk [tilespmem:v10+s25+$0x0], $0xffff  }
0x3f: {  	v39 =	vld.idx.msk [tilespmem:v9+s25+$0x0], $0xffff  }
0x40: {  	v16 =	vld.idx.msk [tilespmem:v8+s25+$0x0], $0xffff  }
0x41: {  	v18 =	vld.idx.msk [tilespmem:v7+s25+$0x0], $0xffff  }
0x42: {  	v19 =	vld.idx.msk [tilespmem:v5+s25+$0x0], $0xffff  }
0x43: {  	v20 =	vld.idx.msk [tilespmem:v6+s25+$0x0], $0xffff  }
0x44: {  	v41 =	vld.idx.msk [tilespmem:v14+s25+$0x0], $0xffff  }
0x45: {  	v21 =	vld.idx.msk [tilespmem:v3+s25+$0x0], $0xffff  }
0x46: {  	v22 =	vld.idx.msk [tilespmem:v4+s25+$0x0], $0xffff  }
0x47: {  	v23 =	vld.idx.msk [tilespmem:v1+s25+$0x0], $0xffff  }
0x48: {  	v42 =	vld.idx.msk [tilespmem:v2+s25+$0x0], $0xffff  }
0x49: {  	v61 =	vld.idx.msk [tilespmem:v0+s25+$0x0], $0xffff  }
0x4a: {  	[tilespmem:v11+s13+$0x0] =	vst.idx.add.f32.msk $0xffff, v12  }
0x4b: {  	v13 =	vadd.s32 $0x2710, v10;
	[tilespmem:v24+s13+$0x0] =	vst.idx.add.f32.msk $0xffff, v39  }
0x4c: {  	v44 =	vadd.s32 $0x2710, v9;
	[tilespmem:v26+s13+$0x0] =	vst.idx.add.f32.msk $0xffff, v16  }
0x4d: {  	v46 =	vadd.s32 $0x2710, v7;
	[tilespmem:v27+s13+$0x0] =	vst.idx.add.f32.msk $0xffff, v18  }
0x4e: {  	[tilespmem:v28+s13+$0x0] =	vst.idx.add.f32.msk $0xffff, v19  }
0x4f: {  	[tilespmem:v29+s13+$0x0] =	vst.idx.add.f32.msk $0xffff, v20  }
0x50: {  	v15 =	vadd.s32 $0x2710, v11;
	v12 =	vld.idx.msk [tilespmem:v13+s25+$0x0], $0xffff  }
0x51: {  	v47 =	vadd.s32 $0x2710, v24;
	v13 =	vld.idx.msk [tilespmem:v44+s25+$0x0], $0xffff  }
0x52: {  	v49 =	vadd.s32 $0x2710, v27;
	v16 =	vld.idx.msk [tilespmem:v46+s25+$0x0], $0xffff  }
0x53: {  	v50 =	vadd.s32 $0x2710, v5;
	v18 =	vld [tilespmem:s26+$0x30]  }
0x54: {  	v17 =	vadd.s32 $0x4E20, v10;
	v19 =	vld [tilespmem:s26+$0x40]  }
0x55: {  	v45 =	vadd.s32 $0x2710, v8;
	[tilespmem:v15+s13+$0x0] =	vst.idx.add.f32.msk $0xffff, v12  }
0x56: {  	v32 =	vadd.s32 $0x4E20, v9;
	[tilespmem:v47+s13+$0x0] =	vst.idx.add.f32.msk $0xffff, v13  }
0x57: {  	v36 =	vadd.s32 $0x4E20, v7;
	[tilespmem:v49+s13+$0x0] =	vst.idx.add.f32.msk $0xffff, v16  }
0x58: {  	v13 =	vld.idx.msk [tilespmem:v50+s25+$0x0], $0xffff  }
0x59: {  	v12 =	vld.idx.msk [tilespmem:v17+s25+$0x0], $0xffff  }
0x5a: {  	v62 =	vadd.s32 $0x2710, v0;
	v17 =	vld.idx.msk [tilespmem:v45+s25+$0x0], $0xffff  }
0x5b: {  	v53 =	vadd.s32 $0x2710, v28;
	v20 =	vld.idx.msk [tilespmem:v32+s25+$0x0], $0xffff  }
0x5c: {  	v40 =	vadd.s32 $0x4E20, v11;
	v16 =	vld.idx.msk [tilespmem:v36+s25+$0x0], $0xffff  }
0x5d: {  	[tilespmem:v18+s13+$0x0] =	vst.idx.add.f32.msk $0xffff, v42  }
0x5e: {  	v48 =	vadd.s32 $0x2710, v26;
	[tilespmem:v19+s13+$0x0] =	vst.idx.add.f32.msk $0xffff, v61  }
0x5f: {  	v51 =	vadd.s32 $0x2710, v6;
	v15 =	vld.idx.msk [tilespmem:v62+s25+$0x0], $0xffff  }
0x60: {  	v37 =	vadd.s32 $0x4E20, v24;
	[tilespmem:v53+s13+$0x0] =	vst.idx.add.f32.msk $0xffff, v13  }
0x61: {  	v10 =	vadd.s32 $0x7530, v10;
	[tilespmem:v40+s13+$0x0] =	vst.idx.add.f32.msk $0xffff, v12  }
0x62: {  	v9 =	vadd.s32 $0x7530, v9;
	v12 =	vld [tilespmem:s26+$0xFFFFFFA0]  }
0x63: {  	v33 =	vadd.s32 $0x2710, v19;
	[tilespmem:v48+s13+$0x0] =	vst.idx.add.f32.msk $0xffff, v17  }
0x64: {  	v38 =	vadd.s32 $0x4E20, v5;
	v17 =	vld.idx.msk [tilespmem:v51+s25+$0x0], $0xffff  }
0x65: {  	v49 =	vadd.s32 $0x4E20, v0;
	[tilespmem:v37+s13+$0x0] =	vst.idx.add.f32.msk $0xffff, v20  }
0x66: {  	v55 =	vadd.s32 $0x2710, v29;
	v10 =	vld.idx.msk [tilespmem:v10+s25+$0x0], $0xffff  }
0x67: {  	v60 =	vadd.s32 $0x2710, v2;
	v9 =	vld.idx.msk [tilespmem:v9+s25+$0x0], $0xffff  }
0x68: {  	v11 =	vadd.s32 $0x7530, v11;
	[tilespmem:v33+s13+$0x0] =	vst.idx.add.f32.msk $0xffff, v15  }
0x69: {  	v15 =	vld.idx.msk [tilespmem:v38+s25+$0x0], $0xffff  }
0x6a: {  	v20 =	vld.idx.msk [tilespmem:v49+s25+$0x0], $0xffff  }
0x6b: {  	[tilespmem:v55+s13+$0x0] =	vst.idx.add.f32.msk $0xffff, v17  }
0x6c: {  	v25 =	vadd.s32 $0x2710, v14;
	v17 =	vld.idx.msk [tilespmem:v60+s25+$0x0], $0xffff  }
0x6d: {  	v53 =	vadd.s32 $0x4E20, v19;
	[tilespmem:v11+s13+$0x0] =	vst.idx.add.f32.msk $0xffff, v10  }
0x6e: {  	v0 =	vadd.s32 $0x7530, v0;
	v10 =	vld [tilespmem:s26+$0x0]  }
0x6f: {  	v31 =	vadd.s32 $0x2710, v18;
	v11 =	vld [tilespmem:s26+$0x10]  }
0x70: {  	[tilespmem:v12+s13+$0x0] =	vst.idx.add.f32.msk $0xffff, v41;
	v41 =	vadd.s32 $0x4E20, v27  }
0x71: {  	v43 =	vadd.s32 $0x2710, v12;
	v25 =	vld.idx.msk [tilespmem:v25+s25+$0x0], $0xffff  }
0x72: {  	[tilespmem:v53+s13+$0x0] =	vst.idx.add.f32.msk $0xffff, v20  }
0x73: {  	v0 =	vld.idx.msk [tilespmem:v0+s25+$0x0], $0xffff  }
0x74: {  	[tilespmem:v31+s13+$0x0] =	vst.idx.add.f32.msk $0xffff, v17  }
0x75: {  	v52 =	vadd.s32 $0x2710, v3;
	[tilespmem:v41+s13+$0x0] =	vst.idx.add.f32.msk $0xffff, v16  }
0x76: {  	v54 =	vadd.s32 $0x2710, v4;
	[tilespmem:v43+s13+$0x0] =	vst.idx.add.f32.msk $0xffff, v25  }
0x77: {  	v7 =	vadd.s32 $0x7530, v7;
	v25 =	vld [tilespmem:s26+$0x20]  }
0x78: {  	[tilespmem:v10+s13+$0x0] =	vst.idx.add.f32.msk $0xffff, v21;
	v43 =	vadd.s32 $0x4E20, v28  }
0x79: {  	v48 =	vadd.s32 $0x4E20, v2;
	[tilespmem:v11+s13+$0x0] =	vst.idx.add.f32.msk $0xffff, v22  }
0x7a: {  	v56 =	vadd.s32 $0x2710, v10;
	v21 =	vld.idx.msk [tilespmem:v52+s25+$0x0], $0xffff  }
0x7b: {  	v59 =	vadd.s32 $0x2710, v11;
	v58 =	vld.idx.msk [tilespmem:v54+s25+$0x0], $0xffff  }
0x7c: {  	v40 =	vadd.s32 $0x4E20, v6;
	v7 =	vld.idx.msk [tilespmem:v7+s25+$0x0], $0xffff  }
0x7d: {  	v5 =	vadd.s32 $0x7530, v5;
	[tilespmem:v43+s13+$0x0] =	vst.idx.add.f32.msk $0xffff, v15  }
0x7e: {  	v54 =	vadd.s32 $0x7530, v24;
	v15 =	vld.idx.msk [tilespmem:v48+s25+$0x0], $0xffff  }
0x7f: {  	v42 =	vadd.s32 $0x4E20, v3;
	[tilespmem:v56+s13+$0x0] =	vst.idx.add.f32.msk $0xffff, v21  }
0x80: {  	[tilespmem:v59+s13+$0x0] =	vst.idx.add.f32.msk $0xffff, v58  }
0x81: {  	v30 =	vadd.s32 $0x4E20, v14;
	v21 =	vld.idx.msk [tilespmem:v40+s25+$0x0], $0xffff  }
0x82: {  	v57 =	vadd.s32 $0x2710, v1;
	v5 =	vld.idx.msk [tilespmem:v5+s25+$0x0], $0xffff  }
0x83: {  	v52 =	vadd.s32 $0x4E20, v18;
	[tilespmem:v54+s13+$0x0] =	vst.idx.add.f32.msk $0xffff, v9  }
0x84: {  	v45 =	vadd.s32 $0x4E20, v29;
	v17 =	vld.idx.msk [tilespmem:v42+s25+$0x0], $0xffff  }
0x85: {  	v56 =	vadd.s32 $0x7530, v27;
	[tilespmem:v25+s13+$0x0] =	vst.idx.add.f32.msk $0xffff, v23  }
0x86: {  	v2 =	vadd.s32 $0x7530, v2;
	v23 =	vld.idx.msk [tilespmem:v30+s25+$0x0], $0xffff  }
0x87: {  	v47 =	vadd.s32 $0x4E20, v10;
	v13 =	vld.idx.msk [tilespmem:v57+s25+$0x0], $0xffff  }
0x88: {  	v6 =	vadd.s32 $0x7530, v6;
	[tilespmem:v52+s13+$0x0] =	vst.idx.add.f32.msk $0xffff, v15  }
0x89: {  	v35 =	vadd.s32 $0x4E20, v12;
	[tilespmem:v45+s13+$0x0] =	vst.idx.add.f32.msk $0xffff, v21  }
0x8a: {  	v3 =	vadd.s32 $0x7530, v3;
	[tilespmem:v56+s13+$0x0] =	vst.idx.add.f32.msk $0xffff, v7  }
0x8b: {  	v63 =	vadd.s32 $0x2710, v25;
	v2 =	vld.idx.msk [tilespmem:v2+s25+$0x0], $0xffff  }
0x8c: {  	v34 =	vadd.s32 $0x4E20, v8;
	[tilespmem:v47+s13+$0x0] =	vst.idx.add.f32.msk $0xffff, v17  }
0x8d: {  	v14 =	vadd.s32 $0x7530, v14;
	v6 =	vld.idx.msk [tilespmem:v6+s25+$0x0], $0xffff  }
0x8e: {  	v57 =	vadd.s32 $0x7530, v28;
	[tilespmem:v35+s13+$0x0] =	vst.idx.add.f32.msk $0xffff, v23  }
0x8f: {  	v46 =	vadd.s32 $0x4E20, v1;
	v3 =	vld.idx.msk [tilespmem:v3+s25+$0x0], $0xffff  }
0x90: {  	v62 =	vadd.s32 $0x7530, v18;
	[tilespmem:v63+s13+$0x0] =	vst.idx.add.f32.msk $0xffff, v13  }
0x91: {  	v58 =	vadd.s32 $0x7530, v29;
	v13 =	vld.idx.msk [tilespmem:v34+s25+$0x0], $0xffff  }
0x92: {  	v39 =	vadd.s32 $0x4E20, v26;
	v14 =	vld.idx.msk [tilespmem:v14+s25+$0x0], $0xffff  }
0x93: {  	v44 =	vadd.s32 $0x4E20, v4;
	[tilespmem:v57+s13+$0x0] =	vst.idx.add.f32.msk $0xffff, v5  }
0x94: {  	v59 =	vadd.s32 $0x7530, v10;
	v16 =	vld.idx.msk [tilespmem:v46+s25+$0x0], $0xffff  }
0x95: {  	v51 =	vadd.s32 $0x4E20, v25;
	[tilespmem:v62+s13+$0x0] =	vst.idx.add.f32.msk $0xffff, v2  }
0x96: {  	v8 =	vadd.s32 $0x7530, v8;
	[tilespmem:v58+s13+$0x0] =	vst.idx.add.f32.msk $0xffff, v6  }
0x97: {  	v1 =	vadd.s32 $0x7530, v1;
	[tilespmem:v39+s13+$0x0] =	vst.idx.add.f32.msk $0xffff, v13  }
0x98: {  	v50 =	vadd.s32 $0x4E20, v11;
	v13 =	vld.idx.msk [tilespmem:v44+s25+$0x0], $0xffff  }
0x99: {  	v4 =	vadd.s32 $0x7530, v4;
	[tilespmem:v59+s13+$0x0] =	vst.idx.add.f32.msk $0xffff, v3  }
0x9a: {  	v12 =	vadd.s32 $0x7530, v12;
	[tilespmem:v51+s13+$0x0] =	vst.idx.add.f32.msk $0xffff, v16  }
0x9b: {  	v63 =	vadd.s32 $0x7530, v19;
	v8 =	vld.idx.msk [tilespmem:v8+s25+$0x0], $0xffff  }
0x9c: {  	v55 =	vadd.s32 $0x7530, v26;
	v1 =	vld.idx.msk [tilespmem:v1+s25+$0x0], $0xffff  }
0x9d: {  	v61 =	vadd.s32 $0x7530, v25;
	[tilespmem:v50+s13+$0x0] =	vst.idx.add.f32.msk $0xffff, v13  }
0x9e: {  	v60 =	vadd.s32 $0x7530, v11;
	v4 =	vld.idx.msk [tilespmem:v4+s25+$0x0], $0xffff  }
0x9f: {  	[tilespmem:v12+s13+$0x0] =	vst.idx.add.f32.msk $0xffff, v14  }
0xa0: {  	[tilespmem:v63+s13+$0x0] =	vst.idx.add.f32.msk $0xffff, v0  }
0xa1: {  	[tilespmem:v55+s13+$0x0] =	vst.idx.add.f32.msk $0xffff, v8  }
0xa2: {  	[tilespmem:v61+s13+$0x0] =	vst.idx.add.f32.msk $0xffff, v1  }
0xa3: {  	s29 =	simm.s32 $0x139A0;
	s28 =	simm.s32 $0x0;
	[tilespmem:v60+s13+$0x0] =	vst.idx.add.f32.msk $0xffff, v4  }
.LBB2_3:
0xa4: {  	v21 =	vld [tilespmem:s29+$0x50]  }
0xa5: {  	v8 =	vld [tilespmem:s29+$0xFFFFFFB0]  }
0xa6: {  	v10 =	vld [tilespmem:s29+$0xFFFFFFC0]  }
0xa7: {  	v22 =	vld [tilespmem:s29+$0xFFFFFFD0]  }
0xa8: {  	v23 =	vld [tilespmem:s29+$0xFFFFFFE0]  }
0xa9: {  	v25 =	vld [tilespmem:s29+$0xFFFFFFF0]  }
0xaa: {  	v30 =	vld [tilespmem:s29+$0x0]  }
0xab: {  	v33 =	vld [tilespmem:s29+$0x10]  }
0xac: {  	v34 =	vld [tilespmem:s29+$0x20]  }
0xad: {  	v36 =	vld [tilespmem:s29+$0x30]  }
0xae: {  	v38 =	vld [tilespmem:s29+$0x40]  }
0xaf: {  	s26 =	sadd.s32 $0xC0, s26;
	v40 =	vld [tilespmem:s29+$0xFFFFFFA0]  }
0xb0: {  	v28 =	vld [tilespmem:s26+$0x50]  }
0xb1: {  	v57 =	vld [tilespmem:s26+$0xFFFFFFE0]  }
0xb2: {  	v59 =	vld [tilespmem:s26+$0xFFFFFFF0]  }
0xb3: {  	v62 =	vld [tilespmem:s26+$0x0]  }
0xb4: {  	v2 =	vld [tilespmem:s26+$0x10]  }
0xb5: {  	v3 =	vld [tilespmem:s26+$0x20]  }
0xb6: {  	v1 =	vld [tilespmem:s26+$0x30];
	v0 =	vadd.s32 $0x4E20, v8  }
0xb7: {  	[tilespmem:$0x1FF20] =	vst v0;
	v0 =	vld [tilespmem:s26+$0x40]  }
0xb8: {  	v7 =	vld.idx.msk [tilespmem:v21+s25+$0x0], $0xffff  }
0xb9: {  	v45 =	vld.idx.msk [tilespmem:v8+s25+$0x0], $0xffff  }
0xba: {  	v46 =	vld.idx.msk [tilespmem:v10+s25+$0x0], $0xffff  }
0xbb: {  	v49 =	vld.idx.msk [tilespmem:v22+s25+$0x0], $0xffff  }
0xbc: {  	v50 =	vld.idx.msk [tilespmem:v23+s25+$0x0], $0xffff  }
0xbd: {  	v51 =	vld.idx.msk [tilespmem:v25+s25+$0x0], $0xffff  }
0xbe: {  	v52 =	vld.idx.msk [tilespmem:v33+s25+$0x0], $0xffff  }
0xbf: {  	v27 =	vadd.s32 $0x2710, v22;
	v13 =	vadd.s32 $0x4E20, v22;
	v53 =	vld.idx.msk [tilespmem:v34+s25+$0x0], $0xffff  }
0xc0: {  	v14 =	vadd.s32 $0x7530, v22;
	v29 =	vadd.s32 $0x2710, v23;
	v15 =	vadd.s32 $0x4E20, v23;
	v54 =	vld.idx.msk [tilespmem:v36+s25+$0x0], $0xffff  }
0xc1: {  	v16 =	vadd.s32 $0x7530, v23;
	v17 =	vadd.s32 $0x7530, v25;
	v18 =	vadd.s32 $0x7530, v30;
	[tilespmem:$0x1FF50] =	vst v15;
	v55 =	vld.idx.msk [tilespmem:v38+s25+$0x0], $0xffff  }
0xc2: {  	v37 =	vadd.s32 $0x2710, v33;
	v19 =	vadd.s32 $0x7530, v33;
	[tilespmem:$0x1FFA0] =	vst v17;
	v17 =	vadd.s32 $0x4E20, v33;
	v33 =	vld [tilespmem:s26+$0xFFFFFFA0]  }
0xc3: {  	v39 =	vadd.s32 $0x2710, v34;
	v20 =	vadd.s32 $0x7530, v34;
	[tilespmem:$0x1FFB0] =	vst v18;
	v18 =	vadd.s32 $0x4E20, v34;
	v34 =	vld [tilespmem:s26+$0xFFFFFFB0]  }
0xc4: {  	v41 =	vadd.s32 $0x2710, v36;
	[tilespmem:$0x1FFC0] =	vst v19;
	v19 =	vadd.s32 $0x4E20, v36;
	v22 =	vadd.s32 $0x7530, v36;
	v36 =	vld [tilespmem:s26+$0xFFFFFFC0]  }
0xc5: {  	v42 =	vadd.s32 $0x2710, v38;
	[tilespmem:$0x1FFD0] =	vst v20;
	v20 =	vadd.s32 $0x4E20, v38;
	v23 =	vadd.s32 $0x7530, v38;
	v38 =	vld [tilespmem:s26+$0xFFFFFFD0]  }
0xc6: {  	[tilespmem:v28+s13+$0x0] =	vst.idx.add.f32.msk $0xffff, v7  }
0xc7: {  	v15 =	vadd.s32 $0x2710, v21;
	[tilespmem:v57+s13+$0x0] =	vst.idx.add.f32.msk $0xffff, v50  }
0xc8: {  	[tilespmem:v59+s13+$0x0] =	vst.idx.add.f32.msk $0xffff, v51  }
0xc9: {  	[tilespmem:v2+s13+$0x0] =	vst.idx.add.f32.msk $0xffff, v52  }
0xca: {  	[tilespmem:v3+s13+$0x0] =	vst.idx.add.f32.msk $0xffff, v53  }
0xcb: {  	v31 =	vadd.s32 $0x2710, v25;
	[tilespmem:v1+s13+$0x0] =	vst.idx.add.f32.msk $0xffff, v54  }
0xcc: {  	v43 =	vld.idx.msk [tilespmem:v15+s25+$0x0], $0xffff  }
0xcd: {  	v48 =	vadd.s32 $0x2710, v40;
	v32 =	vadd.s32 $0x4E20, v40;
	v15 =	vadd.s32 $0x7530, v40;
	v40 =	vld.idx.msk [tilespmem:v40+s25+$0x0], $0xffff  }
0xce: {  	[tilespmem:v0+s13+$0x0] =	vst.idx.add.f32.msk $0xffff, v55  }
0xcf: {  	v51 =	vld.idx.msk [tilespmem:v29+s25+$0x0], $0xffff  }
0xd0: {  	v52 =	vld.idx.msk [tilespmem:v31+s25+$0x0], $0xffff  }
0xd1: {  	v44 =	vadd.s32 $0x2710, v28;
	v54 =	vld.idx.msk [tilespmem:v37+s25+$0x0], $0xffff  }
0xd2: {  	[tilespmem:$0x1FF80] =	vst v14;
	v55 =	vld.idx.msk [tilespmem:v39+s25+$0x0], $0xffff  }
0xd3: {  	v5 =	vadd.s32 $0x2710, v57;
	[tilespmem:v34+s13+$0x0] =	vst.idx.add.f32.msk $0xffff, v45  }
0xd4: {  	v4 =	vadd.s32 $0x2710, v59;
	[tilespmem:v36+s13+$0x0] =	vst.idx.add.f32.msk $0xffff, v46  }
0xd5: {  	v47 =	vadd.s32 $0x4E20, v21;
	[tilespmem:v38+s13+$0x0] =	vst.idx.add.f32.msk $0xffff, v49  }
0xd6: {  	[tilespmem:v44+s13+$0x0] =	vst.idx.add.f32.msk $0xffff, v43  }
0xd7: {  	[tilespmem:v33+s13+$0x0] =	vst.idx.add.f32.msk $0xffff, v40  }
0xd8: {  	[tilespmem:v5+s13+$0x0] =	vst.idx.add.f32.msk $0xffff, v51  }
0xd9: {  	v11 =	vadd.s32 $0x4E20, v10;
	v12 =	vadd.s32 $0x7530, v10;
	v14 =	vadd.s32 $0x4E20, v25;
	[tilespmem:v4+s13+$0x0] =	vst.idx.add.f32.msk $0xffff, v52  }
0xda: {  	[tilespmem:$0x1FF70] =	vst v12;
	v12 =	vadd.s32 $0x4E20, v57;
	v6 =	vadd.s32 $0x4E20, v0;
	v50 =	vadd.s32 $0x7530, v0;
	v25 =	vld.idx.msk [tilespmem:v47+s25+$0x0], $0xffff  }
0xdb: {  	v45 =	vadd.s32 $0x2710, v2;
	v46 =	vadd.s32 $0x2710, v3;
	v43 =	vadd.s32 $0x4E20, v28;
	v47 =	vld.idx.msk [tilespmem:v30+s25+$0x0], $0xffff  }
0xdc: {  	v44 =	vadd.s32 $0x7530, v28;
	v28 =	vadd.s32 $0x7530, v57;
	v57 =	vadd.s32 $0x2710, v0;
	v0 =	vld.idx.msk [tilespmem:v48+s25+$0x0], $0xffff  }
0xdd: {  	v35 =	vadd.s32 $0x2710, v30;
	[tilespmem:$0x1FF30] =	vst v11;
	v48 =	vld.idx.msk [tilespmem:v27+s25+$0x0], $0xffff  }
0xde: {  	[tilespmem:$0x1FF90] =	vst v16;
	v16 =	vadd.s32 $0x4E20, v30;
	v11 =	vadd.s32 $0x4E20, v59;
	v30 =	vadd.s32 $0x7530, v59;
	v59 =	vld.idx.msk [tilespmem:v41+s25+$0x0], $0xffff  }
0xdf: {  	[tilespmem:$0x1FF40] =	vst v13;
	v41 =	vld [tilespmem:$0x1FF20]  }
0xe0: {  	[tilespmem:v45+s13+$0x0] =	vst.idx.add.f32.msk $0xffff, v54  }
0xe1: {  	[tilespmem:v46+s13+$0x0] =	vst.idx.add.f32.msk $0xffff, v55  }
0xe2: {  	v9 =	vadd.s32 $0x7530, v8;
	v45 =	vld [tilespmem:$0x1FF40]  }
0xe3: {  	[tilespmem:$0x1FF60] =	vst v9;
	v46 =	vld [tilespmem:$0x1FF50]  }
0xe4: {  	v24 =	vadd.s32 $0x2710, v8;
	v54 =	vld [tilespmem:$0x1FF60]  }
0xe5: {  	v26 =	vadd.s32 $0x2710, v10;
	v55 =	vld [tilespmem:$0x1FF70]  }
0xe6: {  	v56 =	vadd.s32 $0x2710, v33;
	v51 =	vld.idx.msk [tilespmem:v18+s25+$0x0], $0xffff  }
0xe7: {  	v63 =	vadd.s32 $0x2710, v38;
	[tilespmem:v43+s13+$0x0] =	vst.idx.add.f32.msk $0xffff, v25  }
0xe8: {  	v13 =	vadd.s32 $0x4E20, v38;
	v49 =	vadd.s32 $0x2710, v1;
	[tilespmem:v62+s13+$0x0] =	vst.idx.add.f32.msk $0xffff, v47  }
0xe9: {  	v7 =	vadd.s32 $0x4E20, v1;
	v25 =	vadd.s32 $0x7530, v38;
	v38 =	vadd.s32 $0x7530, v1;
	v1 =	vld.idx.msk [tilespmem:v24+s25+$0x0], $0xffff  }
0xea: {  	v47 =	vld.idx.msk [tilespmem:v26+s25+$0x0], $0xffff  }
0xeb: {  	[tilespmem:v56+s13+$0x0] =	vst.idx.add.f32.msk $0xffff, v0  }
0xec: {  	[tilespmem:v63+s13+$0x0] =	vst.idx.add.f32.msk $0xffff, v48  }
0xed: {  	v21 =	vadd.s32 $0x7530, v21;
	[tilespmem:v49+s13+$0x0] =	vst.idx.add.f32.msk $0xffff, v59  }
0xee: {  	v49 =	vld.idx.msk [tilespmem:v17+s25+$0x0], $0xffff  }
0xef: {  	v56 =	vld [tilespmem:$0x1FF80]  }
0xf0: {  	[tilespmem:$0x1FFF0] =	vst v23;
	v59 =	vld [tilespmem:$0x1FFB0]  }
0xf1: {  	v8 =	vadd.s32 $0x4E20, v3;
	v63 =	vld [tilespmem:$0x1FFF0]  }
0xf2: {  	v21 =	vld.idx.msk [tilespmem:v21+s25+$0x0], $0xffff  }
0xf3: {  	v53 =	vld.idx.msk [tilespmem:v35+s25+$0x0], $0xffff  }
0xf4: {  	v58 =	vadd.s32 $0x2710, v34;
	v0 =	vld.idx.msk [tilespmem:v32+s25+$0x0], $0xffff  }
0xf5: {  	v60 =	vadd.s32 $0x2710, v36;
	v52 =	vld.idx.msk [tilespmem:v19+s25+$0x0], $0xffff  }
0xf6: {  	v9 =	vadd.s32 $0x4E20, v2;
	[tilespmem:v8+s13+$0x0] =	vst.idx.add.f32.msk $0xffff, v51  }
0xf7: {  	v61 =	vadd.s32 $0x4E20, v36;
	v23 =	vadd.s32 $0x7530, v36;
	v36 =	vadd.s32 $0x7530, v3;
	v3 =	vld.idx.msk [tilespmem:v45+s25+$0x0], $0xffff  }
0xf8: {  	v4 =	vld.idx.msk [tilespmem:v46+s25+$0x0], $0xffff  }
0xf9: {  	[tilespmem:v58+s13+$0x0] =	vst.idx.add.f32.msk $0xffff, v1  }
0xfa: {  	[tilespmem:v60+s13+$0x0] =	vst.idx.add.f32.msk $0xffff, v47  }
0xfb: {  	v47 =	vld.idx.msk [tilespmem:v14+s25+$0x0], $0xffff  }
0xfc: {  	v40 =	vadd.s32 $0x2710, v62;
	[tilespmem:v9+s13+$0x0] =	vst.idx.add.f32.msk $0xffff, v49  }
0xfd: {  	v58 =	vld [tilespmem:$0x1FFA0]  }
0xfe: {  	v60 =	vld [tilespmem:$0x1FFC0]  }
0xff: {  	v43 =	vadd.s32 $0x4E20, v33;
	[tilespmem:v44+s13+$0x0] =	vst.idx.add.f32.msk $0xffff, v21  }
0x100: {  	v10 =	vadd.s32 $0x4E20, v62;
	v21 =	vadd.s32 $0x7530, v33;
	v33 =	vadd.s32 $0x7530, v62;
	v62 =	vld.idx.msk [tilespmem:v42+s25+$0x0], $0xffff  }
0x101: {  	[tilespmem:v40+s13+$0x0] =	vst.idx.add.f32.msk $0xffff, v53  }
0x102: {  	v1 =	vld.idx.msk [tilespmem:v41+s25+$0x0], $0xffff  }
0x103: {  	v42 =	vld [tilespmem:$0x1FF30]  }
0x104: {  	[tilespmem:v43+s13+$0x0] =	vst.idx.add.f32.msk $0xffff, v0  }
0x105: {  	[tilespmem:v7+s13+$0x0] =	vst.idx.add.f32.msk $0xffff, v52  }
0x106: {  	v48 =	vld.idx.msk [tilespmem:v16+s25+$0x0], $0xffff  }
0x107: {  	v0 =	vld.idx.msk [tilespmem:v15+s25+$0x0], $0xffff  }
0x108: {  	v44 =	vadd.s32 $0x4E20, v34;
	[tilespmem:v13+s13+$0x0] =	vst.idx.add.f32.msk $0xffff, v3  }
0x109: {  	[tilespmem:v12+s13+$0x0] =	vst.idx.add.f32.msk $0xffff, v4  }
0x10a: {  	[tilespmem:v11+s13+$0x0] =	vst.idx.add.f32.msk $0xffff, v47  }
0x10b: {  	v3 =	vld.idx.msk [tilespmem:v56+s25+$0x0], $0xffff  }
0x10c: {  	[tilespmem:v57+s13+$0x0] =	vst.idx.add.f32.msk $0xffff, v62  }
0x10d: {  	[tilespmem:v44+s13+$0x0] =	vst.idx.add.f32.msk $0xffff, v1  }
0x10e: {  	[tilespmem:$0x1FFE0] =	vst v22;
	v57 =	vld [tilespmem:$0x1FF90]  }
0x10f: {  	v62 =	vld [tilespmem:$0x1FFE0]  }
0x110: {  	v53 =	vld.idx.msk [tilespmem:v20+s25+$0x0], $0xffff  }
0x111: {  	[tilespmem:v10+s13+$0x0] =	vst.idx.add.f32.msk $0xffff, v48  }
0x112: {  	v1 =	vld.idx.msk [tilespmem:v54+s25+$0x0], $0xffff  }
0x113: {  	[tilespmem:v21+s13+$0x0] =	vst.idx.add.f32.msk $0xffff, v0  }
0x114: {  	v5 =	vld.idx.msk [tilespmem:v58+s25+$0x0], $0xffff  }
0x115: {  	v22 =	vadd.s32 $0x7530, v34;
	v7 =	vld.idx.msk [tilespmem:v60+s25+$0x0], $0xffff  }
0x116: {  	v34 =	vadd.s32 $0x7530, v2;
	v2 =	vld.idx.msk [tilespmem:v42+s25+$0x0], $0xffff  }
0x117: {  	[tilespmem:v25+s13+$0x0] =	vst.idx.add.f32.msk $0xffff, v3  }
0x118: {  	[tilespmem:v6+s13+$0x0] =	vst.idx.add.f32.msk $0xffff, v53  }
0x119: {  	v6 =	vld.idx.msk [tilespmem:v59+s25+$0x0], $0xffff  }
0x11a: {  	[tilespmem:v22+s13+$0x0] =	vst.idx.add.f32.msk $0xffff, v1  }
0x11b: {  	[tilespmem:v61+s13+$0x0] =	vst.idx.add.f32.msk $0xffff, v2  }
0x11c: {  	v61 =	vld [tilespmem:$0x1FFD0]  }
0x11d: {  	v10 =	vld.idx.msk [tilespmem:v63+s25+$0x0], $0xffff  }
0x11e: {  	[tilespmem:v30+s13+$0x0] =	vst.idx.add.f32.msk $0xffff, v5  }
0x11f: {  	[tilespmem:v34+s13+$0x0] =	vst.idx.add.f32.msk $0xffff, v7  }
0x120: {  	v4 =	vld.idx.msk [tilespmem:v57+s25+$0x0], $0xffff  }
0x121: {  	v9 =	vld.idx.msk [tilespmem:v62+s25+$0x0], $0xffff  }
0x122: {  	v2 =	vld.idx.msk [tilespmem:v55+s25+$0x0], $0xffff  }
0x123: {  	s28 =	sadd.s32 $0xC, s28;
	[tilespmem:v33+s13+$0x0] =	vst.idx.add.f32.msk $0xffff, v6  }
0x124: {  	p0 =	slt.u32 s28, $0xE4;
	v8 =	vld.idx.msk [tilespmem:v61+s25+$0x0], $0xffff  }
.Ltmp2:
0x125: {  	[tilespmem:v50+s13+$0x0] =	vst.idx.add.f32.msk $0xffff, v10;
	(pc) =	sbr.rel @p0 .LBB2_3-.Ltmp2, $4  }
0x126: {  	[tilespmem:v28+s13+$0x0] =	vst.idx.add.f32.msk $0xffff, v4  }
0x127: {  	[tilespmem:v38+s13+$0x0] =	vst.idx.add.f32.msk $0xffff, v9  }
0x128: {  	[tilespmem:v23+s13+$0x0] =	vst.idx.add.f32.msk $0xffff, v2  }
0x129: {  	s29 =	sadd.s32 $0xC0, s29;
	[tilespmem:v36+s13+$0x0] =	vst.idx.add.f32.msk $0xffff, v8  }
.LBB2_4:
0x12a: {  	s26 =	sshra.s32 s25, $0x2  }
0x12b: {  	v0 =	vld [tilespmem:s26+$0x14780];
	_ =	sdelay $0x4  }
0x12c: {  	v1 =	vld [tilespmem:s26+$0x15720];
	_ =	sdelay $0x2  }
0x12d: {  	v2 =	vld.idx.msk [tilespmem:v0+s1+$0x0], $0xffff  }
0x12e: {  	v3 =	vadd.s32 $0x2710, v0;
	_ =	sdelay $0x3  }
0x12f: {  	[tilespmem:v1+s13+$0x0] =	vst.idx.add.f32.msk $0xffff, v2  }
0x130: {  	v62 =	vadd.s32 $0x2710, v1;
	v2 =	vld.idx.msk [tilespmem:v3+s1+$0x0], $0xffff  }
0x131: {  	v4 =	vadd.s32 $0x4E20, v0;
	_ =	sdelay $0x3  }
0x132: {  	[tilespmem:v62+s13+$0x0] =	vst.idx.add.f32.msk $0xffff, v2  }
0x133: {  	v63 =	vadd.s32 $0x4E20, v1;
	v2 =	vld.idx.msk [tilespmem:v4+s1+$0x0], $0xffff  }
0x134: {  	v0 =	vadd.s32 $0x7530, v0;
	_ =	sdelay $0x3  }
0x135: {  	[tilespmem:v63+s13+$0x0] =	vst.idx.add.f32.msk $0xffff, v2  }
0x136: {  	p0 =	sne.s32 s25, $0x240;
	v1 =	vadd.s32 $0x7530, v1;
	v0 =	vld.idx.msk [tilespmem:v0+s1+$0x0], $0xffff  }
.Ltmp3:
0x137: {  	_ = 	snop;
	(pc) =	sbr.rel @p0 .LBB2_4-.Ltmp3, $2  }
0x138: {  	_ =	sdelay $0x2  }
0x139: {  	s25 =	sadd.s32 $0x40, s25;
	[tilespmem:v1+s13+$0x0] =	vst.idx.add.f32.msk $0xffff, v0  }
0x13a: {  	p0 =	seq.s32 s24, $0x13  }
0x13b: {  	s25 =	smul.u32 @!p0 $0x1F40, s24;
	_ =	sdelay $0x1  }
0x13c: {  	s25 =	sadd.s32 @!p0 s25, s9  }
0x13d: {  	s25 =	sshrl.u32 @!p0 s25, $0x3  }
0x13e: {  	s28 =	simm.s32 @!p0 $0x0;
	s29 =	simm.s32 @!p0 $0x13880;
	s26 =	sadd.s32 @!p0 s3, s25  }
0x13f: {  	[tilespmem:s29], [sflag:$0x1] =	stream.linear.gather @!p0 [hbm4b:s26+s28], $0xFA0, $0x38;
	[tilespmem:$0x17700] =	vst v63  }
0x140: {  	s25 =	sadd.s32 @!p0 s7, s25;
	s26 =	simm.s32 @!p0 $0x14820  }
0x141: {  	[tilespmem:s26], [sflag:$0x1] =	stream.linear.gather @!p0 [hbm4b:s25+s28], $0xFA0, $0x38;
	[tilespmem:$0x17700] =	vst v63  }
0x142: {  	_ =	swait.ge [sflag:s21], $0xFA0  }
0x143: {  	[sflag:s21] =	ssyncset.done $0x0  }
0x144: {  	[sflag:s21] =	ssyncadd.s32 $0xFFFFF060  }
0x145: {  	_ =	swait.ge [sflag:s21], $0xFA0  }
0x146: {  	[sflag:s21] =	ssyncset.done $0x0  }
0x147: {  	s28 =	simm.s32 $0x15820;
	[sflag:s21] =	ssyncadd.s32 $0xFFFFF060  }
0x148: {  	v10 =	vld [tilespmem:s28+$0x50]  }
0x149: {  	v9 =	vld [tilespmem:s28+$0xFFFFFFB0]  }
0x14a: {  	v8 =	vld [tilespmem:s28+$0xFFFFFFC0]  }
0x14b: {  	v7 =	vld [tilespmem:s28+$0xFFFFFFD0]  }
0x14c: {  	v5 =	vld [tilespmem:s28+$0xFFFFFFE0]  }
0x14d: {  	s26 =	simm.s32 $0x167C0;
	v6 =	vld [tilespmem:s28+$0xFFFFFFF0]  }
0x14e: {  	v11 =	vld [tilespmem:s26+$0x50]  }
0x14f: {  	v3 =	vld [tilespmem:s28+$0x0]  }
0x150: {  	v4 =	vld [tilespmem:s28+$0x10]  }
0x151: {  	v1 =	vld [tilespmem:s28+$0x20]  }
0x152: {  	v2 =	vld [tilespmem:s28+$0x30]  }
0x153: {  	v0 =	vld [tilespmem:s28+$0x40]  }
0x154: {  	v14 =	vld [tilespmem:s28+$0xFFFFFFA0]  }
0x155: {  	v24 =	vld [tilespmem:s26+$0xFFFFFFB0]  }
0x156: {  	v26 =	vld [tilespmem:s26+$0xFFFFFFC0]  }
0x157: {  	v27 =	vld [tilespmem:s26+$0xFFFFFFD0]  }
0x158: {  	v28 =	vld [tilespmem:s26+$0xFFFFFFE0]  }
0x159: {  	s25 =	simm.s32 $0x0;
	v29 =	vld [tilespmem:s26+$0xFFFFFFF0]  }
0x15a: {  	v12 =	vld.idx.msk [tilespmem:v10+s25+$0x0], $0xffff  }
0x15b: {  	v39 =	vld.idx.msk [tilespmem:v9+s25+$0x0], $0xffff  }
0x15c: {  	v16 =	vld.idx.msk [tilespmem:v8+s25+$0x0], $0xffff  }
0x15d: {  	v18 =	vld.idx.msk [tilespmem:v7+s25+$0x0], $0xffff  }
0x15e: {  	v19 =	vld.idx.msk [tilespmem:v5+s25+$0x0], $0xffff  }
0x15f: {  	v20 =	vld.idx.msk [tilespmem:v6+s25+$0x0], $0xffff  }
0x160: {  	v41 =	vld.idx.msk [tilespmem:v14+s25+$0x0], $0xffff  }
0x161: {  	v21 =	vld.idx.msk [tilespmem:v3+s25+$0x0], $0xffff  }
0x162: {  	v22 =	vld.idx.msk [tilespmem:v4+s25+$0x0], $0xffff  }
0x163: {  	v23 =	vld.idx.msk [tilespmem:v1+s25+$0x0], $0xffff  }
0x164: {  	v42 =	vld.idx.msk [tilespmem:v2+s25+$0x0], $0xffff  }
0x165: {  	v61 =	vld.idx.msk [tilespmem:v0+s25+$0x0], $0xffff  }
0x166: {  	[tilespmem:v11+s13+$0x0] =	vst.idx.add.f32.msk $0xffff, v12  }
0x167: {  	v13 =	vadd.s32 $0x2710, v10;
	[tilespmem:v24+s13+$0x0] =	vst.idx.add.f32.msk $0xffff, v39  }
0x168: {  	v44 =	vadd.s32 $0x2710, v9;
	[tilespmem:v26+s13+$0x0] =	vst.idx.add.f32.msk $0xffff, v16  }
0x169: {  	v46 =	vadd.s32 $0x2710, v7;
	[tilespmem:v27+s13+$0x0] =	vst.idx.add.f32.msk $0xffff, v18  }
0x16a: {  	[tilespmem:v28+s13+$0x0] =	vst.idx.add.f32.msk $0xffff, v19  }
0x16b: {  	[tilespmem:v29+s13+$0x0] =	vst.idx.add.f32.msk $0xffff, v20  }
0x16c: {  	v15 =	vadd.s32 $0x2710, v11;
	v12 =	vld.idx.msk [tilespmem:v13+s25+$0x0], $0xffff  }
0x16d: {  	v47 =	vadd.s32 $0x2710, v24;
	v13 =	vld.idx.msk [tilespmem:v44+s25+$0x0], $0xffff  }
0x16e: {  	v49 =	vadd.s32 $0x2710, v27;
	v16 =	vld.idx.msk [tilespmem:v46+s25+$0x0], $0xffff  }
0x16f: {  	v50 =	vadd.s32 $0x2710, v5;
	v18 =	vld [tilespmem:s26+$0x30]  }
0x170: {  	v17 =	vadd.s32 $0x4E20, v10;
	v19 =	vld [tilespmem:s26+$0x40]  }
0x171: {  	v45 =	vadd.s32 $0x2710, v8;
	[tilespmem:v15+s13+$0x0] =	vst.idx.add.f32.msk $0xffff, v12  }
0x172: {  	v32 =	vadd.s32 $0x4E20, v9;
	[tilespmem:v47+s13+$0x0] =	vst.idx.add.f32.msk $0xffff, v13  }
0x173: {  	v36 =	vadd.s32 $0x4E20, v7;
	[tilespmem:v49+s13+$0x0] =	vst.idx.add.f32.msk $0xffff, v16  }
0x174: {  	v13 =	vld.idx.msk [tilespmem:v50+s25+$0x0], $0xffff  }
0x175: {  	v12 =	vld.idx.msk [tilespmem:v17+s25+$0x0], $0xffff  }
0x176: {  	v62 =	vadd.s32 $0x2710, v0;
	v17 =	vld.idx.msk [tilespmem:v45+s25+$0x0], $0xffff  }
0x177: {  	v53 =	vadd.s32 $0x2710, v28;
	v20 =	vld.idx.msk [tilespmem:v32+s25+$0x0], $0xffff  }
0x178: {  	v40 =	vadd.s32 $0x4E20, v11;
	v16 =	vld.idx.msk [tilespmem:v36+s25+$0x0], $0xffff  }
0x179: {  	[tilespmem:v18+s13+$0x0] =	vst.idx.add.f32.msk $0xffff, v42  }
0x17a: {  	v48 =	vadd.s32 $0x2710, v26;
	[tilespmem:v19+s13+$0x0] =	vst.idx.add.f32.msk $0xffff, v61  }
0x17b: {  	v51 =	vadd.s32 $0x2710, v6;
	v15 =	vld.idx.msk [tilespmem:v62+s25+$0x0], $0xffff  }
0x17c: {  	v37 =	vadd.s32 $0x4E20, v24;
	[tilespmem:v53+s13+$0x0] =	vst.idx.add.f32.msk $0xffff, v13  }
0x17d: {  	v10 =	vadd.s32 $0x7530, v10;
	[tilespmem:v40+s13+$0x0] =	vst.idx.add.f32.msk $0xffff, v12  }
0x17e: {  	v9 =	vadd.s32 $0x7530, v9;
	v12 =	vld [tilespmem:s26+$0xFFFFFFA0]  }
0x17f: {  	v33 =	vadd.s32 $0x2710, v19;
	[tilespmem:v48+s13+$0x0] =	vst.idx.add.f32.msk $0xffff, v17  }
0x180: {  	v38 =	vadd.s32 $0x4E20, v5;
	v17 =	vld.idx.msk [tilespmem:v51+s25+$0x0], $0xffff  }
0x181: {  	v49 =	vadd.s32 $0x4E20, v0;
	[tilespmem:v37+s13+$0x0] =	vst.idx.add.f32.msk $0xffff, v20  }
0x182: {  	v55 =	vadd.s32 $0x2710, v29;
	v10 =	vld.idx.msk [tilespmem:v10+s25+$0x0], $0xffff  }
0x183: {  	v60 =	vadd.s32 $0x2710, v2;
	v9 =	vld.idx.msk [tilespmem:v9+s25+$0x0], $0xffff  }
0x184: {  	v11 =	vadd.s32 $0x7530, v11;
	[tilespmem:v33+s13+$0x0] =	vst.idx.add.f32.msk $0xffff, v15  }
0x185: {  	v15 =	vld.idx.msk [tilespmem:v38+s25+$0x0], $0xffff  }
0x186: {  	v20 =	vld.idx.msk [tilespmem:v49+s25+$0x0], $0xffff  }
0x187: {  	[tilespmem:v55+s13+$0x0] =	vst.idx.add.f32.msk $0xffff, v17  }
0x188: {  	v25 =	vadd.s32 $0x2710, v14;
	v17 =	vld.idx.msk [tilespmem:v60+s25+$0x0], $0xffff  }
0x189: {  	v53 =	vadd.s32 $0x4E20, v19;
	[tilespmem:v11+s13+$0x0] =	vst.idx.add.f32.msk $0xffff, v10  }
0x18a: {  	v0 =	vadd.s32 $0x7530, v0;
	v10 =	vld [tilespmem:s26+$0x0]  }
0x18b: {  	v31 =	vadd.s32 $0x2710, v18;
	v11 =	vld [tilespmem:s26+$0x10]  }
0x18c: {  	[tilespmem:v12+s13+$0x0] =	vst.idx.add.f32.msk $0xffff, v41;
	v41 =	vadd.s32 $0x4E20, v27  }
0x18d: {  	v43 =	vadd.s32 $0x2710, v12;
	v25 =	vld.idx.msk [tilespmem:v25+s25+$0x0], $0xffff  }
0x18e: {  	[tilespmem:v53+s13+$0x0] =	vst.idx.add.f32.msk $0xffff, v20  }
0x18f: {  	v0 =	vld.idx.msk [tilespmem:v0+s25+$0x0], $0xffff  }
0x190: {  	[tilespmem:v31+s13+$0x0] =	vst.idx.add.f32.msk $0xffff, v17  }
0x191: {  	v52 =	vadd.s32 $0x2710, v3;
	[tilespmem:v41+s13+$0x0] =	vst.idx.add.f32.msk $0xffff, v16  }
0x192: {  	v54 =	vadd.s32 $0x2710, v4;
	[tilespmem:v43+s13+$0x0] =	vst.idx.add.f32.msk $0xffff, v25  }
0x193: {  	v7 =	vadd.s32 $0x7530, v7;
	v25 =	vld [tilespmem:s26+$0x20]  }
0x194: {  	[tilespmem:v10+s13+$0x0] =	vst.idx.add.f32.msk $0xffff, v21;
	v43 =	vadd.s32 $0x4E20, v28  }
0x195: {  	v48 =	vadd.s32 $0x4E20, v2;
	[tilespmem:v11+s13+$0x0] =	vst.idx.add.f32.msk $0xffff, v22  }
0x196: {  	v56 =	vadd.s32 $0x2710, v10;
	v21 =	vld.idx.msk [tilespmem:v52+s25+$0x0], $0xffff  }
0x197: {  	v59 =	vadd.s32 $0x2710, v11;
	v58 =	vld.idx.msk [tilespmem:v54+s25+$0x0], $0xffff  }
0x198: {  	v40 =	vadd.s32 $0x4E20, v6;
	v7 =	vld.idx.msk [tilespmem:v7+s25+$0x0], $0xffff  }
0x199: {  	v5 =	vadd.s32 $0x7530, v5;
	[tilespmem:v43+s13+$0x0] =	vst.idx.add.f32.msk $0xffff, v15  }
0x19a: {  	v54 =	vadd.s32 $0x7530, v24;
	v15 =	vld.idx.msk [tilespmem:v48+s25+$0x0], $0xffff  }
0x19b: {  	v42 =	vadd.s32 $0x4E20, v3;
	[tilespmem:v56+s13+$0x0] =	vst.idx.add.f32.msk $0xffff, v21  }
0x19c: {  	[tilespmem:v59+s13+$0x0] =	vst.idx.add.f32.msk $0xffff, v58  }
0x19d: {  	v30 =	vadd.s32 $0x4E20, v14;
	v21 =	vld.idx.msk [tilespmem:v40+s25+$0x0], $0xffff  }
0x19e: {  	v57 =	vadd.s32 $0x2710, v1;
	v5 =	vld.idx.msk [tilespmem:v5+s25+$0x0], $0xffff  }
0x19f: {  	v52 =	vadd.s32 $0x4E20, v18;
	[tilespmem:v54+s13+$0x0] =	vst.idx.add.f32.msk $0xffff, v9  }
0x1a0: {  	v45 =	vadd.s32 $0x4E20, v29;
	v17 =	vld.idx.msk [tilespmem:v42+s25+$0x0], $0xffff  }
0x1a1: {  	v56 =	vadd.s32 $0x7530, v27;
	[tilespmem:v25+s13+$0x0] =	vst.idx.add.f32.msk $0xffff, v23  }
0x1a2: {  	v2 =	vadd.s32 $0x7530, v2;
	v23 =	vld.idx.msk [tilespmem:v30+s25+$0x0], $0xffff  }
0x1a3: {  	v47 =	vadd.s32 $0x4E20, v10;
	v13 =	vld.idx.msk [tilespmem:v57+s25+$0x0], $0xffff  }
0x1a4: {  	v6 =	vadd.s32 $0x7530, v6;
	[tilespmem:v52+s13+$0x0] =	vst.idx.add.f32.msk $0xffff, v15  }
0x1a5: {  	v35 =	vadd.s32 $0x4E20, v12;
	[tilespmem:v45+s13+$0x0] =	vst.idx.add.f32.msk $0xffff, v21  }
0x1a6: {  	v3 =	vadd.s32 $0x7530, v3;
	[tilespmem:v56+s13+$0x0] =	vst.idx.add.f32.msk $0xffff, v7  }
0x1a7: {  	v63 =	vadd.s32 $0x2710, v25;
	v2 =	vld.idx.msk [tilespmem:v2+s25+$0x0], $0xffff  }
0x1a8: {  	v34 =	vadd.s32 $0x4E20, v8;
	[tilespmem:v47+s13+$0x0] =	vst.idx.add.f32.msk $0xffff, v17  }
0x1a9: {  	v14 =	vadd.s32 $0x7530, v14;
	v6 =	vld.idx.msk [tilespmem:v6+s25+$0x0], $0xffff  }
0x1aa: {  	v57 =	vadd.s32 $0x7530, v28;
	[tilespmem:v35+s13+$0x0] =	vst.idx.add.f32.msk $0xffff, v23  }
0x1ab: {  	v46 =	vadd.s32 $0x4E20, v1;
	v3 =	vld.idx.msk [tilespmem:v3+s25+$0x0], $0xffff  }
0x1ac: {  	v62 =	vadd.s32 $0x7530, v18;
	[tilespmem:v63+s13+$0x0] =	vst.idx.add.f32.msk $0xffff, v13  }
0x1ad: {  	v58 =	vadd.s32 $0x7530, v29;
	v13 =	vld.idx.msk [tilespmem:v34+s25+$0x0], $0xffff  }
0x1ae: {  	v39 =	vadd.s32 $0x4E20, v26;
	v14 =	vld.idx.msk [tilespmem:v14+s25+$0x0], $0xffff  }
0x1af: {  	v44 =	vadd.s32 $0x4E20, v4;
	[tilespmem:v57+s13+$0x0] =	vst.idx.add.f32.msk $0xffff, v5  }
0x1b0: {  	v59 =	vadd.s32 $0x7530, v10;
	v16 =	vld.idx.msk [tilespmem:v46+s25+$0x0], $0xffff  }
0x1b1: {  	v51 =	vadd.s32 $0x4E20, v25;
	[tilespmem:v62+s13+$0x0] =	vst.idx.add.f32.msk $0xffff, v2  }
0x1b2: {  	v8 =	vadd.s32 $0x7530, v8;
	[tilespmem:v58+s13+$0x0] =	vst.idx.add.f32.msk $0xffff, v6  }
0x1b3: {  	v1 =	vadd.s32 $0x7530, v1;
	[tilespmem:v39+s13+$0x0] =	vst.idx.add.f32.msk $0xffff, v13  }
0x1b4: {  	v50 =	vadd.s32 $0x4E20, v11;
	v13 =	vld.idx.msk [tilespmem:v44+s25+$0x0], $0xffff  }
0x1b5: {  	v4 =	vadd.s32 $0x7530, v4;
	[tilespmem:v59+s13+$0x0] =	vst.idx.add.f32.msk $0xffff, v3  }
0x1b6: {  	v12 =	vadd.s32 $0x7530, v12;
	[tilespmem:v51+s13+$0x0] =	vst.idx.add.f32.msk $0xffff, v16  }
0x1b7: {  	v63 =	vadd.s32 $0x7530, v19;
	v8 =	vld.idx.msk [tilespmem:v8+s25+$0x0], $0xffff  }
0x1b8: {  	v55 =	vadd.s32 $0x7530, v26;
	v1 =	vld.idx.msk [tilespmem:v1+s25+$0x0], $0xffff  }
0x1b9: {  	v61 =	vadd.s32 $0x7530, v25;
	[tilespmem:v50+s13+$0x0] =	vst.idx.add.f32.msk $0xffff, v13  }
0x1ba: {  	v60 =	vadd.s32 $0x7530, v11;
	v4 =	vld.idx.msk [tilespmem:v4+s25+$0x0], $0xffff  }
0x1bb: {  	[tilespmem:v12+s13+$0x0] =	vst.idx.add.f32.msk $0xffff, v14  }
0x1bc: {  	[tilespmem:v63+s13+$0x0] =	vst.idx.add.f32.msk $0xffff, v0  }
0x1bd: {  	[tilespmem:v55+s13+$0x0] =	vst.idx.add.f32.msk $0xffff, v8  }
0x1be: {  	[tilespmem:v61+s13+$0x0] =	vst.idx.add.f32.msk $0xffff, v1  }
0x1bf: {  	s29 =	simm.s32 $0x158E0;
	s28 =	simm.s32 $0x0;
	[tilespmem:v60+s13+$0x0] =	vst.idx.add.f32.msk $0xffff, v4  }
.LBB2_6:
0x1c0: {  	v21 =	vld [tilespmem:s29+$0x50]  }
0x1c1: {  	v8 =	vld [tilespmem:s29+$0xFFFFFFB0]  }
0x1c2: {  	v10 =	vld [tilespmem:s29+$0xFFFFFFC0]  }
0x1c3: {  	v22 =	vld [tilespmem:s29+$0xFFFFFFD0]  }
0x1c4: {  	v23 =	vld [tilespmem:s29+$0xFFFFFFE0]  }
0x1c5: {  	v25 =	vld [tilespmem:s29+$0xFFFFFFF0]  }
0x1c6: {  	v30 =	vld [tilespmem:s29+$0x0]  }
0x1c7: {  	v33 =	vld [tilespmem:s29+$0x10]  }
0x1c8: {  	v34 =	vld [tilespmem:s29+$0x20]  }
0x1c9: {  	v36 =	vld [tilespmem:s29+$0x30]  }
0x1ca: {  	v38 =	vld [tilespmem:s29+$0x40]  }
0x1cb: {  	s26 =	sadd.s32 $0xC0, s26;
	v40 =	vld [tilespmem:s29+$0xFFFFFFA0]  }
0x1cc: {  	v28 =	vld [tilespmem:s26+$0x50]  }
0x1cd: {  	v57 =	vld [tilespmem:s26+$0xFFFFFFE0]  }
0x1ce: {  	v59 =	vld [tilespmem:s26+$0xFFFFFFF0]  }
0x1cf: {  	v62 =	vld [tilespmem:s26+$0x0]  }
0x1d0: {  	v2 =	vld [tilespmem:s26+$0x10]  }
0x1d1: {  	v3 =	vld [tilespmem:s26+$0x20]  }
0x1d2: {  	v1 =	vld [tilespmem:s26+$0x30];
	v0 =	vadd.s32 $0x4E20, v8  }
0x1d3: {  	[tilespmem:$0x1FE40] =	vst v0;
	v0 =	vld [tilespmem:s26+$0x40]  }
0x1d4: {  	v7 =	vld.idx.msk [tilespmem:v21+s25+$0x0], $0xffff  }
0x1d5: {  	v45 =	vld.idx.msk [tilespmem:v8+s25+$0x0], $0xffff  }
0x1d6: {  	v46 =	vld.idx.msk [tilespmem:v10+s25+$0x0], $0xffff  }
0x1d7: {  	v49 =	vld.idx.msk [tilespmem:v22+s25+$0x0], $0xffff  }
0x1d8: {  	v50 =	vld.idx.msk [tilespmem:v23+s25+$0x0], $0xffff  }
0x1d9: {  	v51 =	vld.idx.msk [tilespmem:v25+s25+$0x0], $0xffff  }
0x1da: {  	v52 =	vld.idx.msk [tilespmem:v33+s25+$0x0], $0xffff  }
0x1db: {  	v27 =	vadd.s32 $0x2710, v22;
	v13 =	vadd.s32 $0x4E20, v22;
	v53 =	vld.idx.msk [tilespmem:v34+s25+$0x0], $0xffff  }
0x1dc: {  	v14 =	vadd.s32 $0x7530, v22;
	v29 =	vadd.s32 $0x2710, v23;
	v15 =	vadd.s32 $0x4E20, v23;
	v54 =	vld.idx.msk [tilespmem:v36+s25+$0x0], $0xffff  }
0x1dd: {  	v16 =	vadd.s32 $0x7530, v23;
	v17 =	vadd.s32 $0x7530, v25;
	v18 =	vadd.s32 $0x7530, v30;
	[tilespmem:$0x1FE70] =	vst v15;
	v55 =	vld.idx.msk [tilespmem:v38+s25+$0x0], $0xffff  }
0x1de: {  	v37 =	vadd.s32 $0x2710, v33;
	v19 =	vadd.s32 $0x7530, v33;
	[tilespmem:$0x1FEC0] =	vst v17;
	v17 =	vadd.s32 $0x4E20, v33;
	v33 =	vld [tilespmem:s26+$0xFFFFFFA0]  }
0x1df: {  	v39 =	vadd.s32 $0x2710, v34;
	v20 =	vadd.s32 $0x7530, v34;
	[tilespmem:$0x1FED0] =	vst v18;
	v18 =	vadd.s32 $0x4E20, v34;
	v34 =	vld [tilespmem:s26+$0xFFFFFFB0]  }
0x1e0: {  	v41 =	vadd.s32 $0x2710, v36;
	[tilespmem:$0x1FEE0] =	vst v19;
	v19 =	vadd.s32 $0x4E20, v36;
	v22 =	vadd.s32 $0x7530, v36;
	v36 =	vld [tilespmem:s26+$0xFFFFFFC0]  }
0x1e1: {  	v42 =	vadd.s32 $0x2710, v38;
	[tilespmem:$0x1FEF0] =	vst v20;
	v20 =	vadd.s32 $0x4E20, v38;
	v23 =	vadd.s32 $0x7530, v38;
	v38 =	vld [tilespmem:s26+$0xFFFFFFD0]  }
0x1e2: {  	[tilespmem:v28+s13+$0x0] =	vst.idx.add.f32.msk $0xffff, v7  }
0x1e3: {  	v15 =	vadd.s32 $0x2710, v21;
	[tilespmem:v57+s13+$0x0] =	vst.idx.add.f32.msk $0xffff, v50  }
0x1e4: {  	[tilespmem:v59+s13+$0x0] =	vst.idx.add.f32.msk $0xffff, v51  }
0x1e5: {  	[tilespmem:v2+s13+$0x0] =	vst.idx.add.f32.msk $0xffff, v52  }
0x1e6: {  	[tilespmem:v3+s13+$0x0] =	vst.idx.add.f32.msk $0xffff, v53  }
0x1e7: {  	v31 =	vadd.s32 $0x2710, v25;
	[tilespmem:v1+s13+$0x0] =	vst.idx.add.f32.msk $0xffff, v54  }
0x1e8: {  	v43 =	vld.idx.msk [tilespmem:v15+s25+$0x0], $0xffff  }
0x1e9: {  	v48 =	vadd.s32 $0x2710, v40;
	v32 =	vadd.s32 $0x4E20, v40;
	v15 =	vadd.s32 $0x7530, v40;
	v40 =	vld.idx.msk [tilespmem:v40+s25+$0x0], $0xffff  }
0x1ea: {  	[tilespmem:v0+s13+$0x0] =	vst.idx.add.f32.msk $0xffff, v55  }
0x1eb: {  	v51 =	vld.idx.msk [tilespmem:v29+s25+$0x0], $0xffff  }
0x1ec: {  	v52 =	vld.idx.msk [tilespmem:v31+s25+$0x0], $0xffff  }
0x1ed: {  	v44 =	vadd.s32 $0x2710, v28;
	v54 =	vld.idx.msk [tilespmem:v37+s25+$0x0], $0xffff  }
0x1ee: {  	[tilespmem:$0x1FEA0] =	vst v14;
	v55 =	vld.idx.msk [tilespmem:v39+s25+$0x0], $0xffff  }
0x1ef: {  	v5 =	vadd.s32 $0x2710, v57;
	[tilespmem:v34+s13+$0x0] =	vst.idx.add.f32.msk $0xffff, v45  }
0x1f0: {  	v4 =	vadd.s32 $0x2710, v59;
	[tilespmem:v36+s13+$0x0] =	vst.idx.add.f32.msk $0xffff, v46  }
0x1f1: {  	v47 =	vadd.s32 $0x4E20, v21;
	[tilespmem:v38+s13+$0x0] =	vst.idx.add.f32.msk $0xffff, v49  }
0x1f2: {  	[tilespmem:v44+s13+$0x0] =	vst.idx.add.f32.msk $0xffff, v43  }
0x1f3: {  	[tilespmem:v33+s13+$0x0] =	vst.idx.add.f32.msk $0xffff, v40  }
0x1f4: {  	[tilespmem:v5+s13+$0x0] =	vst.idx.add.f32.msk $0xffff, v51  }
0x1f5: {  	v11 =	vadd.s32 $0x4E20, v10;
	v12 =	vadd.s32 $0x7530, v10;
	v14 =	vadd.s32 $0x4E20, v25;
	[tilespmem:v4+s13+$0x0] =	vst.idx.add.f32.msk $0xffff, v52  }
0x1f6: {  	[tilespmem:$0x1FE90] =	vst v12;
	v12 =	vadd.s32 $0x4E20, v57;
	v6 =	vadd.s32 $0x4E20, v0;
	v50 =	vadd.s32 $0x7530, v0;
	v25 =	vld.idx.msk [tilespmem:v47+s25+$0x0], $0xffff  }
0x1f7: {  	v45 =	vadd.s32 $0x2710, v2;
	v46 =	vadd.s32 $0x2710, v3;
	v43 =	vadd.s32 $0x4E20, v28;
	v47 =	vld.idx.msk [tilespmem:v30+s25+$0x0], $0xffff  }
0x1f8: {  	v44 =	vadd.s32 $0x7530, v28;
	v28 =	vadd.s32 $0x7530, v57;
	v57 =	vadd.s32 $0x2710, v0;
	v0 =	vld.idx.msk [tilespmem:v48+s25+$0x0], $0xffff  }
0x1f9: {  	v35 =	vadd.s32 $0x2710, v30;
	[tilespmem:$0x1FE50] =	vst v11;
	v48 =	vld.idx.msk [tilespmem:v27+s25+$0x0], $0xffff  }
0x1fa: {  	[tilespmem:$0x1FEB0] =	vst v16;
	v16 =	vadd.s32 $0x4E20, v30;
	v11 =	vadd.s32 $0x4E20, v59;
	v30 =	vadd.s32 $0x7530, v59;
	v59 =	vld.idx.msk [tilespmem:v41+s25+$0x0], $0xffff  }
0x1fb: {  	[tilespmem:$0x1FE60] =	vst v13;
	v41 =	vld [tilespmem:$0x1FE40]  }
0x1fc: {  	[tilespmem:v45+s13+$0x0] =	vst.idx.add.f32.msk $0xffff, v54  }
0x1fd: {  	[tilespmem:v46+s13+$0x0] =	vst.idx.add.f32.msk $0xffff, v55  }
0x1fe: {  	v9 =	vadd.s32 $0x7530, v8;
	v45 =	vld [tilespmem:$0x1FE60]  }
0x1ff: {  	[tilespmem:$0x1FE80] =	vst v9;
	v46 =	vld [tilespmem:$0x1FE70]  }
0x200: {  	v24 =	vadd.s32 $0x2710, v8;
	v54 =	vld [tilespmem:$0x1FE80]  }
0x201: {  	v26 =	vadd.s32 $0x2710, v10;
	v55 =	vld [tilespmem:$0x1FE90]  }
0x202: {  	v56 =	vadd.s32 $0x2710, v33;
	v51 =	vld.idx.msk [tilespmem:v18+s25+$0x0], $0xffff  }
0x203: {  	v63 =	vadd.s32 $0x2710, v38;
	[tilespmem:v43+s13+$0x0] =	vst.idx.add.f32.msk $0xffff, v25  }
0x204: {  	v13 =	vadd.s32 $0x4E20, v38;
	v49 =	vadd.s32 $0x2710, v1;
	[tilespmem:v62+s13+$0x0] =	vst.idx.add.f32.msk $0xffff, v47  }
0x205: {  	v7 =	vadd.s32 $0x4E20, v1;
	v25 =	vadd.s32 $0x7530, v38;
	v38 =	vadd.s32 $0x7530, v1;
	v1 =	vld.idx.msk [tilespmem:v24+s25+$0x0], $0xffff  }
0x206: {  	v47 =	vld.idx.msk [tilespmem:v26+s25+$0x0], $0xffff  }
0x207: {  	[tilespmem:v56+s13+$0x0] =	vst.idx.add.f32.msk $0xffff, v0  }
0x208: {  	[tilespmem:v63+s13+$0x0] =	vst.idx.add.f32.msk $0xffff, v48  }
0x209: {  	v21 =	vadd.s32 $0x7530, v21;
	[tilespmem:v49+s13+$0x0] =	vst.idx.add.f32.msk $0xffff, v59  }
0x20a: {  	v49 =	vld.idx.msk [tilespmem:v17+s25+$0x0], $0xffff  }
0x20b: {  	v56 =	vld [tilespmem:$0x1FEA0]  }
0x20c: {  	[tilespmem:$0x1FF10] =	vst v23;
	v59 =	vld [tilespmem:$0x1FED0]  }
0x20d: {  	v8 =	vadd.s32 $0x4E20, v3;
	v63 =	vld [tilespmem:$0x1FF10]  }
0x20e: {  	v21 =	vld.idx.msk [tilespmem:v21+s25+$0x0], $0xffff  }
0x20f: {  	v53 =	vld.idx.msk [tilespmem:v35+s25+$0x0], $0xffff  }
0x210: {  	v58 =	vadd.s32 $0x2710, v34;
	v0 =	vld.idx.msk [tilespmem:v32+s25+$0x0], $0xffff  }
0x211: {  	v60 =	vadd.s32 $0x2710, v36;
	v52 =	vld.idx.msk [tilespmem:v19+s25+$0x0], $0xffff  }
0x212: {  	v9 =	vadd.s32 $0x4E20, v2;
	[tilespmem:v8+s13+$0x0] =	vst.idx.add.f32.msk $0xffff, v51  }
0x213: {  	v61 =	vadd.s32 $0x4E20, v36;
	v23 =	vadd.s32 $0x7530, v36;
	v36 =	vadd.s32 $0x7530, v3;
	v3 =	vld.idx.msk [tilespmem:v45+s25+$0x0], $0xffff  }
0x214: {  	v4 =	vld.idx.msk [tilespmem:v46+s25+$0x0], $0xffff  }
0x215: {  	[tilespmem:v58+s13+$0x0] =	vst.idx.add.f32.msk $0xffff, v1  }
0x216: {  	[tilespmem:v60+s13+$0x0] =	vst.idx.add.f32.msk $0xffff, v47  }
0x217: {  	v47 =	vld.idx.msk [tilespmem:v14+s25+$0x0], $0xffff  }
0x218: {  	v40 =	vadd.s32 $0x2710, v62;
	[tilespmem:v9+s13+$0x0] =	vst.idx.add.f32.msk $0xffff, v49  }
0x219: {  	v58 =	vld [tilespmem:$0x1FEC0]  }
0x21a: {  	v60 =	vld [tilespmem:$0x1FEE0]  }
0x21b: {  	v43 =	vadd.s32 $0x4E20, v33;
	[tilespmem:v44+s13+$0x0] =	vst.idx.add.f32.msk $0xffff, v21  }
0x21c: {  	v10 =	vadd.s32 $0x4E20, v62;
	v21 =	vadd.s32 $0x7530, v33;
	v33 =	vadd.s32 $0x7530, v62;
	v62 =	vld.idx.msk [tilespmem:v42+s25+$0x0], $0xffff  }
0x21d: {  	[tilespmem:v40+s13+$0x0] =	vst.idx.add.f32.msk $0xffff, v53  }
0x21e: {  	v1 =	vld.idx.msk [tilespmem:v41+s25+$0x0], $0xffff  }
0x21f: {  	v42 =	vld [tilespmem:$0x1FE50]  }
0x220: {  	[tilespmem:v43+s13+$0x0] =	vst.idx.add.f32.msk $0xffff, v0  }
0x221: {  	[tilespmem:v7+s13+$0x0] =	vst.idx.add.f32.msk $0xffff, v52  }
0x222: {  	v48 =	vld.idx.msk [tilespmem:v16+s25+$0x0], $0xffff  }
0x223: {  	v0 =	vld.idx.msk [tilespmem:v15+s25+$0x0], $0xffff  }
0x224: {  	v44 =	vadd.s32 $0x4E20, v34;
	[tilespmem:v13+s13+$0x0] =	vst.idx.add.f32.msk $0xffff, v3  }
0x225: {  	[tilespmem:v12+s13+$0x0] =	vst.idx.add.f32.msk $0xffff, v4  }
0x226: {  	[tilespmem:v11+s13+$0x0] =	vst.idx.add.f32.msk $0xffff, v47  }
0x227: {  	v3 =	vld.idx.msk [tilespmem:v56+s25+$0x0], $0xffff  }
0x228: {  	[tilespmem:v57+s13+$0x0] =	vst.idx.add.f32.msk $0xffff, v62  }
0x229: {  	[tilespmem:v44+s13+$0x0] =	vst.idx.add.f32.msk $0xffff, v1  }
0x22a: {  	[tilespmem:$0x1FF00] =	vst v22;
	v57 =	vld [tilespmem:$0x1FEB0]  }
0x22b: {  	v62 =	vld [tilespmem:$0x1FF00]  }
0x22c: {  	v53 =	vld.idx.msk [tilespmem:v20+s25+$0x0], $0xffff  }
0x22d: {  	[tilespmem:v10+s13+$0x0] =	vst.idx.add.f32.msk $0xffff, v48  }
0x22e: {  	v1 =	vld.idx.msk [tilespmem:v54+s25+$0x0], $0xffff  }
0x22f: {  	[tilespmem:v21+s13+$0x0] =	vst.idx.add.f32.msk $0xffff, v0  }
0x230: {  	v5 =	vld.idx.msk [tilespmem:v58+s25+$0x0], $0xffff  }
0x231: {  	v22 =	vadd.s32 $0x7530, v34;
	v7 =	vld.idx.msk [tilespmem:v60+s25+$0x0], $0xffff  }
0x232: {  	v34 =	vadd.s32 $0x7530, v2;
	v2 =	vld.idx.msk [tilespmem:v42+s25+$0x0], $0xffff  }
0x233: {  	[tilespmem:v25+s13+$0x0] =	vst.idx.add.f32.msk $0xffff, v3  }
0x234: {  	[tilespmem:v6+s13+$0x0] =	vst.idx.add.f32.msk $0xffff, v53  }
0x235: {  	v6 =	vld.idx.msk [tilespmem:v59+s25+$0x0], $0xffff  }
0x236: {  	[tilespmem:v22+s13+$0x0] =	vst.idx.add.f32.msk $0xffff, v1  }
0x237: {  	[tilespmem:v61+s13+$0x0] =	vst.idx.add.f32.msk $0xffff, v2  }
0x238: {  	v61 =	vld [tilespmem:$0x1FEF0]  }
0x239: {  	v10 =	vld.idx.msk [tilespmem:v63+s25+$0x0], $0xffff  }
0x23a: {  	[tilespmem:v30+s13+$0x0] =	vst.idx.add.f32.msk $0xffff, v5  }
0x23b: {  	[tilespmem:v34+s13+$0x0] =	vst.idx.add.f32.msk $0xffff, v7  }
0x23c: {  	v4 =	vld.idx.msk [tilespmem:v57+s25+$0x0], $0xffff  }
0x23d: {  	v9 =	vld.idx.msk [tilespmem:v62+s25+$0x0], $0xffff  }
0x23e: {  	v2 =	vld.idx.msk [tilespmem:v55+s25+$0x0], $0xffff  }
0x23f: {  	s28 =	sadd.s32 $0xC, s28;
	[tilespmem:v33+s13+$0x0] =	vst.idx.add.f32.msk $0xffff, v6  }
0x240: {  	p1 =	slt.u32 s28, $0xE4;
	v8 =	vld.idx.msk [tilespmem:v61+s25+$0x0], $0xffff  }
.Ltmp4:
0x241: {  	[tilespmem:v50+s13+$0x0] =	vst.idx.add.f32.msk $0xffff, v10;
	(pc) =	sbr.rel @p1 .LBB2_6-.Ltmp4, $4  }
0x242: {  	[tilespmem:v28+s13+$0x0] =	vst.idx.add.f32.msk $0xffff, v4  }
0x243: {  	[tilespmem:v38+s13+$0x0] =	vst.idx.add.f32.msk $0xffff, v9  }
0x244: {  	[tilespmem:v23+s13+$0x0] =	vst.idx.add.f32.msk $0xffff, v2  }
0x245: {  	s29 =	sadd.s32 $0xC0, s29;
	[tilespmem:v36+s13+$0x0] =	vst.idx.add.f32.msk $0xffff, v8  }
.LBB2_7:
0x246: {  	s26 =	sshra.s32 s25, $0x2  }
0x247: {  	v0 =	vld [tilespmem:s26+$0x166C0];
	_ =	sdelay $0x4  }
0x248: {  	v1 =	vld [tilespmem:s26+$0x17660];
	_ =	sdelay $0x2  }
0x249: {  	v2 =	vld.idx.msk [tilespmem:v0+s1+$0x0], $0xffff  }
0x24a: {  	v3 =	vadd.s32 $0x2710, v0;
	_ =	sdelay $0x3  }
0x24b: {  	[tilespmem:v1+s13+$0x0] =	vst.idx.add.f32.msk $0xffff, v2  }
0x24c: {  	v62 =	vadd.s32 $0x2710, v1;
	v2 =	vld.idx.msk [tilespmem:v3+s1+$0x0], $0xffff  }
0x24d: {  	v4 =	vadd.s32 $0x4E20, v0;
	_ =	sdelay $0x3  }
0x24e: {  	[tilespmem:v62+s13+$0x0] =	vst.idx.add.f32.msk $0xffff, v2  }
0x24f: {  	v63 =	vadd.s32 $0x4E20, v1;
	v2 =	vld.idx.msk [tilespmem:v4+s1+$0x0], $0xffff  }
0x250: {  	v0 =	vadd.s32 $0x7530, v0;
	_ =	sdelay $0x3  }
0x251: {  	[tilespmem:v63+s13+$0x0] =	vst.idx.add.f32.msk $0xffff, v2  }
0x252: {  	p1 =	sne.s32 s25, $0x240;
	v1 =	vadd.s32 $0x7530, v1;
	v0 =	vld.idx.msk [tilespmem:v0+s1+$0x0], $0xffff  }
.Ltmp5:
0x253: {  	_ = 	snop;
	(pc) =	sbr.rel @p1 .LBB2_7-.Ltmp5, $2  }
0x254: {  	_ =	sdelay $0x2  }
0x255: {  	s25 =	sadd.s32 $0x40, s25;
	[tilespmem:v1+s13+$0x0] =	vst.idx.add.f32.msk $0xffff, v0  }
.Ltmp6:
0x256: {  	(pc) =	sbr.rel @p0 .LBB2_10-.Ltmp6, $1  }
0x257: {  	_ =	sdelay $0x3  }
0x258: {  	s25 =	smul.u32 $0x1F40, s24;
	_ =	sdelay $0x1  }
0x259: {  	s25 =	sadd.s32 s25, s10  }
.Ltmp7:
0x25a: {  	s25 =	sshrl.u32 s25, $0x3;
	(pc) =	sbr.rel .LBB2_2-.Ltmp7, $4  }
0x25b: {  	s26 =	sadd.s32 s3, s25  }
0x25c: {  	[tilespmem:s17], [sflag:$0x2] =	stream.linear.gather [hbm4b:s26+s1], $0xFA0, $0x38;
	[tilespmem:$0x17700] =	vst v63  }
0x25d: {  	s24 =	sadd.s32 $0x1, s24;
	s25 =	sadd.s32 s7, s25  }
0x25e: {  	[tilespmem:s19], [sflag:$0x2] =	stream.linear.gather [hbm4b:s25+s1], $0xFA0, $0x38;
	[tilespmem:$0x17700] =	vst v63  }
.LBB2_11:
0x25f: {  	_ =	sfence.sel $0x180000  }
0x260: {  	[bflag:$0x0] =	sbarrier.arrive $0xFFFF  }
0x261: {  	p0 =	sne.s32 s2, $0x0;
	_ =	strace $0x90000047  }
0x262: {  	s0 =	sadd.s32 @!p0 $0x100000, s0;
	[bflag:$0x2] =	sbarrier.arrive $0xFFFF  }
0x263: {  	[sflag:s0] =	ssyncadd.tile.s32 @!p0 $0x1;
	_ =	shalt  }
.Lfunc_end2:
_tile_overlayer_lowered:
.L_overlay_start_2:
0x264: {  	(tag) =	ssettag $0x2  }
0x265: {  	s0 =	rddreg [dreg:$0x0];
	s2 =	stileid.u32  }
0x266: {  	s1 =	rddreg [dreg:$0x1];
	p0 =	sne.s32 s2, $0x0  }
0x267: {  	s3 =	rddreg [dreg:$0x2];
	[bflag:$0x3] =	sbarrier.arrive $0xFFFF;
	s2 =	simm.s32 @!p0 $0x1C03  }
0x268: {  	[timem:s3], [sflag:s2] =	dma.local @!p0 [hbm:s0], s1  }
0x269: {  	s0 =	simm.s32 @!p0 $0x3  }
0x26a: {  	_ =	swait.ge @!p0 [sflag:s0], s1  }
0x26b: {  	s1 =	ssub.s32 @!p0 $0x0, s1;
	[sflag:s0] =	ssyncset.done @!p0 $0x0  }
0x26c: {  	[sflag:s0] =	ssyncadd.s32 @!p0 s1  }
0x26d: {  	[bflag:$0x3] =	sbarrier.arrive $0xFFFF  }
0x26e: {  	_ =	shalt  }

</sc_bundles>
